<compile_context>
chip_gen: v7x
topology: tpu7x:2x2x1
jax: 0.10.2.dev20260603
libtpu: 0.0.44.dev20260713+nightly
codegen_flags: <defaults>
</compile_context>

<pallas_src>
import functools

import jax
import jax.numpy as jnp
from jax import lax
from jax.experimental import pallas as pl
from jax.experimental.pallas import tpu as pltpu
from jax.experimental.pallas import tpu_sc as plsc

VOCAB = 100000
BATCH = 4096
SEQ = 200
DIM = 64
NC = 2
NS = 16
NW = NC * NS
B_BLK = BATCH // NW
SB = SEQ // 8
DB = DIM // 8
PITCH = 129
NBUF = 4

_mesh = plsc.VectorSubcoreMesh(core_axis_name="c", subcore_axis_name="s")


@functools.partial(
    pl.kernel,
    out_type=jax.ShapeDtypeStruct((SEQ, DB, NW, 8, B_BLK), jnp.float32),
    mesh=_mesh,
    scratch_types=[
        pltpu.VMEM((SB, 8, B_BLK), jnp.int32),
        pltpu.VMEM((NBUF, B_BLK, DIM), jnp.float32),
        pltpu.VMEM((NBUF, DB, 8, PITCH), jnp.float32),
        pltpu.SemaphoreType.DMA((NBUF,)),
        pltpu.SemaphoreType.DMA((NBUF,)),
    ],
    compiler_params=pltpu.CompilerParams(
        use_tc_tiling_on_sc=False, needs_layout_passes=False),
)
def _gather_kernel(table_hbm, x4_hbm, out_hbm, idx_v, gbuf, tbuf, gsem, ssem):
    wid = lax.axis_index("s") * NC + lax.axis_index("c")
    pltpu.sync_copy(x4_hbm.at[:, wid], idx_v)

    def gather(s, b):
        return pltpu.make_async_copy(
            table_hbm.at[idx_v.at[s >> 3, s & 7]], gbuf.at[b], gsem.at[b])

    def store(s, b):
        return pltpu.make_async_copy(
            tbuf.at[b, :, :, pl.ds(0, B_BLK)],
            out_hbm.at[s, :, wid],
            ssem.at[b])

    iota = lax.iota(jnp.int32, 16)
    bands = [(iota + q * 16) >> 3 for q in range(DIM // 16)]
    rows = [(iota + q * 16) & 7 for q in range(DIM // 16)]

    for b in range(NBUF):
        gather(b, b).start()

    @pl.loop(0, SEQ, step=NBUF)
    def _seq(s0):
        for b in range(NBUF):
            s = s0 + b
            gather(s, b).wait()

            @pl.when(s >= NBUF)
            def _prev_store_done():
                store(s - NBUF, b).wait()

            @plsc.parallel_loop(0, B_BLK, step=1, unroll=8)
            def _transpose(r):
                rr = jnp.full((16,), r, jnp.int32)
                for q in range(DIM // 16):
                    vals = gbuf[b, r, pl.ds(q * 16, 16)]
                    plsc.store_scatter(
                        tbuf.at[b], [bands[q], rows[q], rr], vals)

            store(s, b).start()

            @pl.when(s + NBUF < SEQ)
            def _next_gather():
                gather(s + NBUF, b).start()

    for b in range(NBUF):
        store(SEQ - NBUF + b, b).wait()


def kernel(x, table):
    x4 = x.astype(jnp.int32).T.reshape(SB, 8, NW, B_BLK).transpose(0, 2, 1, 3)
    out5 = _gather_kernel(table, x4)
    return out5.transpose(2, 4, 0, 1, 3).reshape(BATCH, SEQ, DIM)

# --- scband reference (transcript-rebuilt; emitter-appended) ---
"""Pipeline reference for scband-microscopic-embedding-850403525043 (READ-ONLY COPY).

The authoritative reference and input builder live on the scoring server;
editing this copy changes nothing except your own understanding.
"""

import jax, jax.numpy as jnp
import numpy as np

VOCAB = 100000
BASE_DIM = 64
BATCH = 4096
SEQ = 200

def setup_inputs(seed: int = 0) -> dict:
    key = jax.random.key(seed)
    k1, k2 = jax.random.split(key)
    x = jax.random.randint(k1, (BATCH, SEQ), 0, VOCAB, dtype=jnp.int64 if jax.config.jax_enable_x64 else jnp.int32)
    table = jax.random.normal(k2, (VOCAB, BASE_DIM), dtype=jnp.float32) * 0.02
    return {"x": x, "table": table}

def reference(x, table):
    # MicroscopicEmbedding.forward with zero domains (state at __init__):
    # h = self.base_embed(x); domains list is empty so no corrections apply.
    h = jnp.take(table, x, axis=0)
    return h

if __name__ == "__main__":
    import jax
    _d = setup_inputs()
    print(jax.jit(kernel)(*tuple(_d.values())))

</pallas_src>

<mosaic_0001>
#map = affine_map<(d0, d1) -> (0, 0)>
#map1 = affine_map<(d0, d1) -> (0, 0, 0, 0)>
#map2 = affine_map<(d0, d1) -> (0, 0, 0, 0, 0)>
module attributes {stable_mosaic.version = 14 : i64} {
  func.func @_gather_kernel(%arg0: i32, %arg1: i32, %arg2: memref<100000x64xf32, #tpu.memory_space<hbm>>, %arg3: memref<25x32x8x128xi32, #tpu.memory_space<hbm>>, %arg4: memref<200x8x32x8x128xf32, #tpu.memory_space<hbm>>, %arg5: memref<25x8x128xi32, #tpu.memory_space<vmem>>, %arg6: memref<4x128x64xf32, #tpu.memory_space<vmem>>, %arg7: memref<4x8x8x129xf32, #tpu.memory_space<vmem>>, %arg8: memref<4x!tpu.dma_semaphore, #tpu.memory_space<semaphore_mem>>, %arg9: memref<4x!tpu.dma_semaphore, #tpu.memory_space<semaphore_mem>>) attributes {dimension_semantics = [#tpu.dimension_semantics<core_parallel>, #tpu.dimension_semantics<subcore_parallel>], iteration_bounds = array<i64: 2, 16>, scalar_prefetch = 0 : i64, scratch_operands = 5 : i64, tpu.core_type = #tpu.core_type<sc_vector_subcore>, window_params = [{transform_indices = #map}, {transform_indices = #map1}, {transform_indices = #map2}]} {
    %mul3A = arith.constant 2 : i32
    %mul3A_0 = arith.muli %arg1, %mul3A : i32
    %add3A = arith.addi %mul3A_0, %arg0 : i32
    "tpu.region"() ({
      %run_scoped3A = tpu.sem_alloc : memref<!tpu.dma_semaphore, #tpu.memory_space<semaphore_mem>>
      %dma_start3A_213 = arith.constant 0 : i32
      %dma_start3A_214 = arith.constant 0 : i32
      %dma_start3A_215 = arith.constant 0 : i32
      %dma_start3A_216 = tpu.memref_slice %arg3[%dma_start3A_213, %add3A, %dma_start3A_214, %dma_start3A_215] : memref<25x32x8x128xi32, #tpu.memory_space<hbm>> -> memref<25x1x8x128xi32, #tpu.memory_space<hbm>>
      %dma_start3A_217 = tpu.memref_squeeze %dma_start3A_216 : memref<25x1x8x128xi32, #tpu.memory_space<hbm>> -> memref<25x8x128xi32, #tpu.memory_space<hbm>>
      %dma_start3A_218 = arith.constant 0 : i32
      %dma_start3A_219 = arith.constant 0 : i32
      %dma_start3A_220 = arith.constant 0 : i32
      %dma_start3A_221 = tpu.memref_slice %arg3[%dma_start3A_218, %add3A, %dma_start3A_219, %dma_start3A_220] : memref<25x32x8x128xi32, #tpu.memory_space<hbm>> -> memref<25x1x8x128xi32, #tpu.memory_space<hbm>>
      %dma_start3A_222 = tpu.memref_squeeze %dma_start3A_221 : memref<25x1x8x128xi32, #tpu.memory_space<hbm>> -> memref<25x8x128xi32, #tpu.memory_space<hbm>>
      tpu.enqueue_dma source(%dma_start3A_222 : memref<25x8x128xi32, #tpu.memory_space<hbm>>) target(%arg5 : memref<25x8x128xi32, #tpu.memory_space<vmem>>) target_semaphore(%run_scoped3A : memref<!tpu.dma_semaphore, #tpu.memory_space<semaphore_mem>>)
      %dma_wait3A_223 = arith.constant 0 : i32
      %dma_wait3A_224 = arith.constant 0 : i32
      %dma_wait3A_225 = arith.constant 0 : i32
      %dma_wait3A_226 = tpu.memref_slice %arg3[%dma_wait3A_223, %add3A, %dma_wait3A_224, %dma_wait3A_225] : memref<25x32x8x128xi32, #tpu.memory_space<hbm>> -> memref<25x1x8x128xi32, #tpu.memory_space<hbm>>
      %dma_wait3A_227 = tpu.memref_squeeze %dma_wait3A_226 : memref<25x1x8x128xi32, #tpu.memory_space<hbm>> -> memref<25x8x128xi32, #tpu.memory_space<hbm>>
      %dma_wait3A_228 = arith.constant 0 : i32
      %dma_wait3A_229 = arith.constant 0 : i32
      %dma_wait3A_230 = arith.constant 0 : i32
      %dma_wait3A_231 = tpu.memref_slice %arg3[%dma_wait3A_228, %add3A, %dma_wait3A_229, %dma_wait3A_230] : memref<25x32x8x128xi32, #tpu.memory_space<hbm>> -> memref<25x1x8x128xi32, #tpu.memory_space<hbm>>
      %dma_wait3A_232 = tpu.memref_squeeze %dma_wait3A_231 : memref<25x1x8x128xi32, #tpu.memory_space<hbm>> -> memref<25x8x128xi32, #tpu.memory_space<hbm>>
      tpu.wait_dma2 semaphore(%run_scoped3A : memref<!tpu.dma_semaphore, #tpu.memory_space<semaphore_mem>>) src(%dma_wait3A_232 : memref<25x8x128xi32, #tpu.memory_space<hbm>>) dst(%arg5 : memref<25x8x128xi32, #tpu.memory_space<vmem>>)
      tpu.yield
    }) : () -> ()
    %iota3A = tpu.iota {dimensions = array<i32: 0>} : vector<16xi32>
    %add3A_1 = arith.constant 0 : i32
    %add3A_2 = vector.broadcast %add3A_1 : i32 to vector<16xi32>
    %add3A_3 = arith.addi %iota3A, %add3A_2 : vector<16xi32>
    %shift_right_arithmetic3A = arith.constant 3 : i32
    %shift_right_arithmetic3A_4 = vector.broadcast %shift_right_arithmetic3A : i32 to vector<16xi32>
    %shift_right_arithmetic3A_5 = arith.shrsi %add3A_3, %shift_right_arithmetic3A_4 : vector<16xi32>
    %add3A_6 = arith.constant 16 : i32
    %add3A_7 = vector.broadcast %add3A_6 : i32 to vector<16xi32>
    %add3A_8 = arith.addi %iota3A, %add3A_7 : vector<16xi32>
    %shift_right_arithmetic3A_9 = arith.constant 3 : i32
    %shift_right_arithmetic3A_10 = vector.broadcast %shift_right_arithmetic3A_9 : i32 to vector<16xi32>
    %shift_right_arithmetic3A_11 = arith.shrsi %add3A_8, %shift_right_arithmetic3A_10 : vector<16xi32>
    %add3A_12 = arith.constant 32 : i32
    %add3A_13 = vector.broadcast %add3A_12 : i32 to vector<16xi32>
    %add3A_14 = arith.addi %iota3A, %add3A_13 : vector<16xi32>
    %shift_right_arithmetic3A_15 = arith.constant 3 : i32
    %shift_right_arithmetic3A_16 = vector.broadcast %shift_right_arithmetic3A_15 : i32 to vector<16xi32>
    %shift_right_arithmetic3A_17 = arith.shrsi %add3A_14, %shift_right_arithmetic3A_16 : vector<16xi32>
    %add3A_18 = arith.constant 48 : i32
    %add3A_19 = vector.broadcast %add3A_18 : i32 to vector<16xi32>
    %add3A_20 = arith.addi %iota3A, %add3A_19 : vector<16xi32>
    %shift_right_arithmetic3A_21 = arith.constant 3 : i32
    %shift_right_arithmetic3A_22 = vector.broadcast %shift_right_arithmetic3A_21 : i32 to vector<16xi32>
    %shift_right_arithmetic3A_23 = arith.shrsi %add3A_20, %shift_right_arithmetic3A_22 : vector<16xi32>
    %add3A_24 = arith.constant 0 : i32
    %add3A_25 = vector.broadcast %add3A_24 : i32 to vector<16xi32>
    %add3A_26 = arith.addi %iota3A, %add3A_25 : vector<16xi32>
    %and3A = arith.constant 7 : i32
    %and3A_27 = vector.broadcast %and3A : i32 to vector<16xi32>
    %and3A_28 = arith.andi %add3A_26, %and3A_27 : vector<16xi32>
    %add3A_29 = arith.constant 16 : i32
    %add3A_30 = vector.broadcast %add3A_29 : i32 to vector<16xi32>
    %add3A_31 = arith.addi %iota3A, %add3A_30 : vector<16xi32>
    %and3A_32 = arith.constant 7 : i32
    %and3A_33 = vector.broadcast %and3A_32 : i32 to vector<16xi32>
    %and3A_34 = arith.andi %add3A_31, %and3A_33 : vector<16xi32>
    %add3A_35 = arith.constant 32 : i32
    %add3A_36 = vector.broadcast %add3A_35 : i32 to vector<16xi32>
    %add3A_37 = arith.addi %iota3A, %add3A_36 : vector<16xi32>
    %and3A_38 = arith.constant 7 : i32
    %and3A_39 = vector.broadcast %and3A_38 : i32 to vector<16xi32>
    %and3A_40 = arith.andi %add3A_37, %and3A_39 : vector<16xi32>
    %add3A_41 = arith.constant 48 : i32
    %add3A_42 = vector.broadcast %add3A_41 : i32 to vector<16xi32>
    %add3A_43 = arith.addi %iota3A, %add3A_42 : vector<16xi32>
    %and3A_44 = arith.constant 7 : i32
    %and3A_45 = vector.broadcast %and3A_44 : i32 to vector<16xi32>
    %and3A_46 = arith.andi %add3A_43, %and3A_45 : vector<16xi32>
    %dma_start3A = arith.constant 0 : i32
    %dma_start3A_47 = arith.constant 0 : i32
    %dma_start3A_48 = arith.constant 0 : i32
    %dma_start3A_49 = arith.constant 0 : i32
    %dma_start3A_50 = arith.constant 0 : i32
    %dma_start3A_51 = arith.constant 0 : i32
    %dma_start3A_52 = tpu.memref_slice %arg6[%dma_start3A_48, %dma_start3A_50, %dma_start3A_51] : memref<4x128x64xf32, #tpu.memory_space<vmem>> -> memref<1x128x64xf32, #tpu.memory_space<vmem>>
    %dma_start3A_53 = tpu.memref_squeeze %dma_start3A_52 : memref<1x128x64xf32, #tpu.memory_space<vmem>> -> memref<128x64xf32, #tpu.memory_space<vmem>>
    %dma_start3A_54 = arith.constant 0 : i32
    %dma_start3A_55 = tpu.memref_slice %arg5[%dma_start3A, %dma_start3A_47, %dma_start3A_54] : memref<25x8x128xi32, #tpu.memory_space<vmem>> -> memref<1x1x128xi32, #tpu.memory_space<vmem>>
    %dma_start3A_56 = tpu.memref_squeeze %dma_start3A_55 : memref<1x1x128xi32, #tpu.memory_space<vmem>> -> memref<128xi32, #tpu.memory_space<vmem>>
    %dma_start3A_57 = arith.constant 0 : i32
    %dma_start3A_58 = arith.constant 0 : i32
    %dma_start3A_59 = tpu.memref_slice %arg2[%dma_start3A_57, %dma_start3A_58] : memref<100000x64xf32, #tpu.memory_space<hbm>> -> memref<100000x64xf32, #tpu.memory_space<hbm>>
    %dma_start3A_60 = tpu.memref_slice %arg8[%dma_start3A_49] : memref<4x!tpu.dma_semaphore, #tpu.memory_space<semaphore_mem>> -> memref<1x!tpu.dma_semaphore, #tpu.memory_space<semaphore_mem>>
    %dma_start3A_61 = tpu.memref_squeeze %dma_start3A_60 : memref<1x!tpu.dma_semaphore, #tpu.memory_space<semaphore_mem>> -> memref<!tpu.dma_semaphore, #tpu.memory_space<semaphore_mem>>
    tpu.enqueue_indirect_dma source(%dma_start3A_59 : memref<100000x64xf32, #tpu.memory_space<hbm>>) target(%dma_start3A_53 : memref<128x64xf32, #tpu.memory_space<vmem>>) offsets(%dma_start3A_56 : memref<128xi32, #tpu.memory_space<vmem>>) semaphore(%dma_start3A_61 : memref<!tpu.dma_semaphore, #tpu.memory_space<semaphore_mem>>)
    %dma_start3A_62 = arith.constant 0 : i32
    %dma_start3A_63 = arith.constant 1 : i32
    %dma_start3A_64 = arith.constant 1 : i32
    %dma_start3A_65 = arith.constant 1 : i32
    %dma_start3A_66 = arith.constant 0 : i32
    %dma_start3A_67 = arith.constant 0 : i32
    %dma_start3A_68 = tpu.memref_slice %arg6[%dma_start3A_64, %dma_start3A_66, %dma_start3A_67] : memref<4x128x64xf32, #tpu.memory_space<vmem>> -> memref<1x128x64xf32, #tpu.memory_space<vmem>>
    %dma_start3A_69 = tpu.memref_squeeze %dma_start3A_68 : memref<1x128x64xf32, #tpu.memory_space<vmem>> -> memref<128x64xf32, #tpu.memory_space<vmem>>
    %dma_start3A_70 = arith.constant 0 : i32
    %dma_start3A_71 = tpu.memref_slice %arg5[%dma_start3A_62, %dma_start3A_63, %dma_start3A_70] : memref<25x8x128xi32, #tpu.memory_space<vmem>> -> memref<1x1x128xi32, #tpu.memory_space<vmem>>
    %dma_start3A_72 = tpu.memref_squeeze %dma_start3A_71 : memref<1x1x128xi32, #tpu.memory_space<vmem>> -> memref<128xi32, #tpu.memory_space<vmem>>
    %dma_start3A_73 = arith.constant 0 : i32
    %dma_start3A_74 = arith.constant 0 : i32
    %dma_start3A_75 = tpu.memref_slice %arg2[%dma_start3A_73, %dma_start3A_74] : memref<100000x64xf32, #tpu.memory_space<hbm>> -> memref<100000x64xf32, #tpu.memory_space<hbm>>
    %dma_start3A_76 = tpu.memref_slice %arg8[%dma_start3A_65] : memref<4x!tpu.dma_semaphore, #tpu.memory_space<semaphore_mem>> -> memref<1x!tpu.dma_semaphore, #tpu.memory_space<semaphore_mem>>
    %dma_start3A_77 = tpu.memref_squeeze %dma_start3A_76 : memref<1x!tpu.dma_semaphore, #tpu.memory_space<semaphore_mem>> -> memref<!tpu.dma_semaphore, #tpu.memory_space<semaphore_mem>>
    tpu.enqueue_indirect_dma source(%dma_start3A_75 : memref<100000x64xf32, #tpu.memory_space<hbm>>) target(%dma_start3A_69 : memref<128x64xf32, #tpu.memory_space<vmem>>) offsets(%dma_start3A_72 : memref<128xi32, #tpu.memory_space<vmem>>) semaphore(%dma_start3A_77 : memref<!tpu.dma_semaphore, #tpu.memory_space<semaphore_mem>>)
    %dma_start3A_78 = arith.constant 0 : i32
    %dma_start3A_79 = arith.constant 2 : i32
    %dma_start3A_80 = arith.constant 2 : i32
    %dma_start3A_81 = arith.constant 2 : i32
    %dma_start3A_82 = arith.constant 0 : i32
    %dma_start3A_83 = arith.constant 0 : i32
    %dma_start3A_84 = tpu.memref_slice %arg6[%dma_start3A_80, %dma_start3A_82, %dma_start3A_83] : memref<4x128x64xf32, #tpu.memory_space<vmem>> -> memref<1x128x64xf32, #tpu.memory_space<vmem>>
    %dma_start3A_85 = tpu.memref_squeeze %dma_start3A_84 : memref<1x128x64xf32, #tpu.memory_space<vmem>> -> memref<128x64xf32, #tpu.memory_space<vmem>>
    %dma_start3A_86 = arith.constant 0 : i32
    %dma_start3A_87 = tpu.memref_slice %arg5[%dma_start3A_78, %dma_start3A_79, %dma_start3A_86] : memref<25x8x128xi32, #tpu.memory_space<vmem>> -> memref<1x1x128xi32, #tpu.memory_space<vmem>>
    %dma_start3A_88 = tpu.memref_squeeze %dma_start3A_87 : memref<1x1x128xi32, #tpu.memory_space<vmem>> -> memref<128xi32, #tpu.memory_space<vmem>>
    %dma_start3A_89 = arith.constant 0 : i32
    %dma_start3A_90 = arith.constant 0 : i32
    %dma_start3A_91 = tpu.memref_slice %arg2[%dma_start3A_89, %dma_start3A_90] : memref<100000x64xf32, #tpu.memory_space<hbm>> -> memref<100000x64xf32, #tpu.memory_space<hbm>>
    %dma_start3A_92 = tpu.memref_slice %arg8[%dma_start3A_81] : memref<4x!tpu.dma_semaphore, #tpu.memory_space<semaphore_mem>> -> memref<1x!tpu.dma_semaphore, #tpu.memory_space<semaphore_mem>>
    %dma_start3A_93 = tpu.memref_squeeze %dma_start3A_92 : memref<1x!tpu.dma_semaphore, #tpu.memory_space<semaphore_mem>> -> memref<!tpu.dma_semaphore, #tpu.memory_space<semaphore_mem>>
    tpu.enqueue_indirect_dma source(%dma_start3A_91 : memref<100000x64xf32, #tpu.memory_space<hbm>>) target(%dma_start3A_85 : memref<128x64xf32, #tpu.memory_space<vmem>>) offsets(%dma_start3A_88 : memref<128xi32, #tpu.memory_space<vmem>>) semaphore(%dma_start3A_93 : memref<!tpu.dma_semaphore, #tpu.memory_space<semaphore_mem>>)
    %dma_start3A_94 = arith.constant 0 : i32
    %dma_start3A_95 = arith.constant 3 : i32
    %dma_start3A_96 = arith.constant 3 : i32
    %dma_start3A_97 = arith.constant 3 : i32
    %dma_start3A_98 = arith.constant 0 : i32
    %dma_start3A_99 = arith.constant 0 : i32
    %dma_start3A_100 = tpu.memref_slice %arg6[%dma_start3A_96, %dma_start3A_98, %dma_start3A_99] : memref<4x128x64xf32, #tpu.memory_space<vmem>> -> memref<1x128x64xf32, #tpu.memory_space<vmem>>
    %dma_start3A_101 = tpu.memref_squeeze %dma_start3A_100 : memref<1x128x64xf32, #tpu.memory_space<vmem>> -> memref<128x64xf32, #tpu.memory_space<vmem>>
    %dma_start3A_102 = arith.constant 0 : i32
    %dma_start3A_103 = tpu.memref_slice %arg5[%dma_start3A_94, %dma_start3A_95, %dma_start3A_102] : memref<25x8x128xi32, #tpu.memory_space<vmem>> -> memref<1x1x128xi32, #tpu.memory_space<vmem>>
    %dma_start3A_104 = tpu.memref_squeeze %dma_start3A_103 : memref<1x1x128xi32, #tpu.memory_space<vmem>> -> memref<128xi32, #tpu.memory_space<vmem>>
    %dma_start3A_105 = arith.constant 0 : i32
    %dma_start3A_106 = arith.constant 0 : i32
    %dma_start3A_107 = tpu.memref_slice %arg2[%dma_start3A_105, %dma_start3A_106] : memref<100000x64xf32, #tpu.memory_space<hbm>> -> memref<100000x64xf32, #tpu.memory_space<hbm>>
    %dma_start3A_108 = tpu.memref_slice %arg8[%dma_start3A_97] : memref<4x!tpu.dma_semaphore, #tpu.memory_space<semaphore_mem>> -> memref<1x!tpu.dma_semaphore, #tpu.memory_space<semaphore_mem>>
    %dma_start3A_109 = tpu.memref_squeeze %dma_start3A_108 : memref<1x!tpu.dma_semaphore, #tpu.memory_space<semaphore_mem>> -> memref<!tpu.dma_semaphore, #tpu.memory_space<semaphore_mem>>
    tpu.enqueue_indirect_dma source(%dma_start3A_107 : memref<100000x64xf32, #tpu.memory_space<hbm>>) target(%dma_start3A_101 : memref<128x64xf32, #tpu.memory_space<vmem>>) offsets(%dma_start3A_104 : memref<128xi32, #tpu.memory_space<vmem>>) semaphore(%dma_start3A_109 : memref<!tpu.dma_semaphore, #tpu.memory_space<semaphore_mem>>)
    %scan3A = arith.constant 0 : i32
    %scan3A_110 = arith.constant 50 : i32
    %scan3A_111 = arith.addi %scan3A, %scan3A_110 : i32
    %scan3A_112 = arith.constant 1 : i32
    scf.for %scan3A_213 = %scan3A to %scan3A_111 step %scan3A_112  : i32 {
      %mul3A_214 = arith.constant 4 : i32
      %mul3A_215 = arith.muli %scan3A_213, %mul3A_214 : i32
      %add3A_216 = arith.constant 0 : i32
      %add3A_217 = arith.addi %add3A_216, %mul3A_215 : i32
      %add3A_218 = arith.constant 0 : i32
      %add3A_219 = arith.addi %add3A_217, %add3A_218 : i32
      %shift_right_arithmetic3A_220 = arith.constant 3 : i32
      %shift_right_arithmetic3A_221 = arith.shrsi %add3A_219, %shift_right_arithmetic3A_220 : i32
      %and3A_222 = arith.constant 7 : i32
      %and3A_223 = arith.andi %add3A_219, %and3A_222 : i32
      %dma_wait3A_224 = arith.constant 0 : i32
      %dma_wait3A_225 = arith.constant 0 : i32
      %dma_wait3A_226 = arith.constant 0 : i32
      %dma_wait3A_227 = arith.constant 0 : i32
      %dma_wait3A_228 = tpu.memref_slice %arg6[%dma_wait3A_224, %dma_wait3A_226, %dma_wait3A_227] : memref<4x128x64xf32, #tpu.memory_space<vmem>> -> memref<1x128x64xf32, #tpu.memory_space<vmem>>
      %dma_wait3A_229 = tpu.memref_squeeze %dma_wait3A_228 : memref<1x128x64xf32, #tpu.memory_space<vmem>> -> memref<128x64xf32, #tpu.memory_space<vmem>>
      %dma_wait3A_230 = arith.constant 0 : i32
      %dma_wait3A_231 = tpu.memref_slice %arg5[%shift_right_arithmetic3A_221, %and3A_223, %dma_wait3A_230] : memref<25x8x128xi32, #tpu.memory_space<vmem>> -> memref<1x1x128xi32, #tpu.memory_space<vmem>>
      %dma_wait3A_232 = tpu.memref_squeeze %dma_wait3A_231 : memref<1x1x128xi32, #tpu.memory_space<vmem>> -> memref<128xi32, #tpu.memory_space<vmem>>
      %dma_wait3A_233 = arith.constant 0 : i32
      %dma_wait3A_234 = arith.constant 0 : i32
      %dma_wait3A_235 = tpu.memref_slice %arg2[%dma_wait3A_233, %dma_wait3A_234] : memref<100000x64xf32, #tpu.memory_space<hbm>> -> memref<100000x64xf32, #tpu.memory_space<hbm>>
      %dma_wait3A_236 = tpu.memref_slice %arg8[%dma_wait3A_225] : memref<4x!tpu.dma_semaphore, #tpu.memory_space<semaphore_mem>> -> memref<1x!tpu.dma_semaphore, #tpu.memory_space<semaphore_mem>>
      %dma_wait3A_237 = tpu.memref_squeeze %dma_wait3A_236 : memref<1x!tpu.dma_semaphore, #tpu.memory_space<semaphore_mem>> -> memref<!tpu.dma_semaphore, #tpu.memory_space<semaphore_mem>>
      tpu.wait_indirect_dma semaphore(%dma_wait3A_237 : memref<!tpu.dma_semaphore, #tpu.memory_space<semaphore_mem>>) src(%dma_wait3A_235 : memref<100000x64xf32, #tpu.memory_space<hbm>>) dst(%dma_wait3A_229 : memref<128x64xf32, #tpu.memory_space<vmem>>)
      %ge3A = arith.constant 4 : i32
      %ge3A_238 = arith.cmpi sge, %add3A_219, %ge3A : i32
      %convert_element_type3A = arith.extui %ge3A_238 : i1 to i32
      %cond3A = arith.constant 0 : i32
      %cond3A_239 = arith.cmpi ne, %convert_element_type3A, %cond3A : i32
      scf.if %cond3A_239 {
        %sub3A = arith.constant 4 : i32
        %sub3A_449 = arith.subi %add3A_219, %sub3A : i32
        %dma_wait3A_450 = arith.constant 0 : i32
        %dma_wait3A_451 = arith.constant 0 : i32
        %dma_wait3A_452 = arith.constant 0 : i32
        %dma_wait3A_453 = arith.constant 0 : i32
        %dma_wait3A_454 = arith.constant 0 : i32
        %dma_wait3A_455 = tpu.memref_slice %arg7[%dma_wait3A_450, %dma_wait3A_452, %dma_wait3A_453, %dma_wait3A_454] : memref<4x8x8x129xf32, #tpu.memory_space<vmem>> -> memref<1x8x8x128xf32, #tpu.memory_space<vmem>>
        %dma_wait3A_456 = tpu.memref_squeeze %dma_wait3A_455 : memref<1x8x8x128xf32, #tpu.memory_space<vmem>> -> memref<8x8x128xf32, #tpu.memory_space<vmem>>
        %dma_wait3A_457 = arith.constant 0 : i32
        %dma_wait3A_458 = arith.constant 0 : i32
        %dma_wait3A_459 = arith.constant 0 : i32
        %dma_wait3A_460 = tpu.memref_slice %arg4[%sub3A_449, %dma_wait3A_457, %add3A, %dma_wait3A_458, %dma_wait3A_459] : memref<200x8x32x8x128xf32, #tpu.memory_space<hbm>> -> memref<1x8x1x8x128xf32, #tpu.memory_space<hbm>>
        %dma_wait3A_461 = tpu.memref_squeeze %dma_wait3A_460 : memref<1x8x1x8x128xf32, #tpu.memory_space<hbm>> -> memref<8x8x128xf32, #tpu.memory_space<hbm>>
        %dma_wait3A_462 = tpu.memref_slice %arg9[%dma_wait3A_451] : memref<4x!tpu.dma_semaphore, #tpu.memory_space<semaphore_mem>> -> memref<1x!tpu.dma_semaphore, #tpu.memory_space<semaphore_mem>>
        %dma_wait3A_463 = tpu.memref_squeeze %dma_wait3A_462 : memref<1x!tpu.dma_semaphore, #tpu.memory_space<semaphore_mem>> -> memref<!tpu.dma_semaphore, #tpu.memory_space<semaphore_mem>>
        %dma_wait3A_464 = arith.constant 0 : i32
        %dma_wait3A_465 = arith.constant 0 : i32
        %dma_wait3A_466 = arith.constant 0 : i32
        %dma_wait3A_467 = tpu.memref_slice %arg4[%sub3A_449, %dma_wait3A_464, %add3A, %dma_wait3A_465, %dma_wait3A_466] : memref<200x8x32x8x128xf32, #tpu.memory_space<hbm>> -> memref<1x8x1x8x128xf32, #tpu.memory_space<hbm>>
        %dma_wait3A_468 = tpu.memref_squeeze %dma_wait3A_467 : memref<1x8x1x8x128xf32, #tpu.memory_space<hbm>> -> memref<8x8x128xf32, #tpu.memory_space<hbm>>
        %dma_wait3A_469 = arith.constant 0 : i32
        %dma_wait3A_470 = arith.constant 0 : i32
        %dma_wait3A_471 = arith.constant 0 : i32
        %dma_wait3A_472 = tpu.memref_slice %arg7[%dma_wait3A_450, %dma_wait3A_469, %dma_wait3A_470, %dma_wait3A_471] : memref<4x8x8x129xf32, #tpu.memory_space<vmem>> -> memref<1x8x8x128xf32, #tpu.memory_space<vmem>>
        %dma_wait3A_473 = tpu.memref_squeeze %dma_wait3A_472 : memref<1x8x8x128xf32, #tpu.memory_space<vmem>> -> memref<8x8x128xf32, #tpu.memory_space<vmem>>
        tpu.wait_dma2 semaphore(%dma_wait3A_463 : memref<!tpu.dma_semaphore, #tpu.memory_space<semaphore_mem>>) src(%dma_wait3A_473 : memref<8x8x128xf32, #tpu.memory_space<vmem>>) dst(%dma_wait3A_468 : memref<8x8x128xf32, #tpu.memory_space<hbm>>)
      } else {
      }
      %parallel_loop3A = arith.constant 0 : i32
      %parallel_loop3A_240 = arith.constant 128 : i32
      %parallel_loop3A_241 = arith.constant 1 : i32
      scf.for %parallel_loop3A_449 = %parallel_loop3A to %parallel_loop3A_240 step %parallel_loop3A_241  : i32 {
        %parallel_loop3A_450 = vector.broadcast %parallel_loop3A_449 : i32 to vector<16xi32>
        %parallel_loop3A_451 = arith.constant 0 : i32
        %parallel_loop3A_452 = arith.index_cast %parallel_loop3A_451 : i32 to index
        %parallel_loop3A_453 = arith.index_cast %parallel_loop3A_449 : i32 to index
        %parallel_loop3A_454 = arith.constant 0 : index
        %parallel_loop3A_455 = tpu.vector_load %arg6[%parallel_loop3A_452, %parallel_loop3A_453, %parallel_loop3A_454] {strides = array<i32>} : memref<4x128x64xf32, #tpu.memory_space<vmem>>, vector<16xf32>,
        %parallel_loop3A_456 = arith.constant 0 : i32
        %parallel_loop3A_457 = arith.constant 0 : i32
        %parallel_loop3A_458 = arith.constant 0 : i32
        %parallel_loop3A_459 = arith.constant 0 : i32
        %parallel_loop3A_460 = tpu.memref_slice %arg7[%parallel_loop3A_456, %parallel_loop3A_457, %parallel_loop3A_458, %parallel_loop3A_459] : memref<4x8x8x129xf32, #tpu.memory_space<vmem>> -> memref<1x8x8x129xf32, #tpu.memory_space<vmem>>
        %parallel_loop3A_461 = tpu.memref_squeeze %parallel_loop3A_460 : memref<1x8x8x129xf32, #tpu.memory_space<vmem>> -> memref<8x8x129xf32, #tpu.memory_space<vmem>>
        tpu.vector_store_idx %parallel_loop3A_461[%shift_right_arithmetic3A_5, %and3A_28, %parallel_loop3A_450], %parallel_loop3A_455 : memref<8x8x129xf32, #tpu.memory_space<vmem>>[vector<16xi32>, vector<16xi32>, vector<16xi32>], vector<16xf32>,
        %parallel_loop3A_462 = arith.constant 0 : i32
        %parallel_loop3A_463 = arith.index_cast %parallel_loop3A_462 : i32 to index
        %parallel_loop3A_464 = arith.index_cast %parallel_loop3A_449 : i32 to index
        %parallel_loop3A_465 = arith.constant 16 : index
        %parallel_loop3A_466 = tpu.vector_load %arg6[%parallel_loop3A_463, %parallel_loop3A_464, %parallel_loop3A_465] {strides = array<i32>} : memref<4x128x64xf32, #tpu.memory_space<vmem>>, vector<16xf32>,
        %parallel_loop3A_467 = arith.constant 0 : i32
        %parallel_loop3A_468 = arith.constant 0 : i32
        %parallel_loop3A_469 = arith.constant 0 : i32
        %parallel_loop3A_470 = arith.constant 0 : i32
        %parallel_loop3A_471 = tpu.memref_slice %arg7[%parallel_loop3A_467, %parallel_loop3A_468, %parallel_loop3A_469, %parallel_loop3A_470] : memref<4x8x8x129xf32, #tpu.memory_space<vmem>> -> memref<1x8x8x129xf32, #tpu.memory_space<vmem>>
        %parallel_loop3A_472 = tpu.memref_squeeze %parallel_loop3A_471 : memref<1x8x8x129xf32, #tpu.memory_space<vmem>> -> memref<8x8x129xf32, #tpu.memory_space<vmem>>
        tpu.vector_store_idx %parallel_loop3A_472[%shift_right_arithmetic3A_11, %and3A_34, %parallel_loop3A_450], %parallel_loop3A_466 : memref<8x8x129xf32, #tpu.memory_space<vmem>>[vector<16xi32>, vector<16xi32>, vector<16xi32>], vector<16xf32>,
        %parallel_loop3A_473 = arith.constant 0 : i32
        %parallel_loop3A_474 = arith.index_cast %parallel_loop3A_473 : i32 to index
        %parallel_loop3A_475 = arith.index_cast %parallel_loop3A_449 : i32 to index
        %parallel_loop3A_476 = arith.constant 32 : index
        %parallel_loop3A_477 = tpu.vector_load %arg6[%parallel_loop3A_474, %parallel_loop3A_475, %parallel_loop3A_476] {strides = array<i32>} : memref<4x128x64xf32, #tpu.memory_space<vmem>>, vector<16xf32>,
        %parallel_loop3A_478 = arith.constant 0 : i32
        %parallel_loop3A_479 = arith.constant 0 : i32
        %parallel_loop3A_480 = arith.constant 0 : i32
        %parallel_loop3A_481 = arith.constant 0 : i32
        %parallel_loop3A_482 = tpu.memref_slice %arg7[%parallel_loop3A_478, %parallel_loop3A_479, %parallel_loop3A_480, %parallel_loop3A_481] : memref<4x8x8x129xf32, #tpu.memory_space<vmem>> -> memref<1x8x8x129xf32, #tpu.memory_space<vmem>>
        %parallel_loop3A_483 = tpu.memref_squeeze %parallel_loop3A_482 : memref<1x8x8x129xf32, #tpu.memory_space<vmem>> -> memref<8x8x129xf32, #tpu.memory_space<vmem>>
        tpu.vector_store_idx %parallel_loop3A_483[%shift_right_arithmetic3A_17, %and3A_40, %parallel_loop3A_450], %parallel_loop3A_477 : memref<8x8x129xf32, #tpu.memory_space<vmem>>[vector<16xi32>, vector<16xi32>, vector<16xi32>], vector<16xf32>,
        %parallel_loop3A_484 = arith.constant 0 : i32
        %parallel_loop3A_485 = arith.index_cast %parallel_loop3A_484 : i32 to index
        %parallel_loop3A_486 = arith.index_cast %parallel_loop3A_449 : i32 to index
        %parallel_loop3A_487 = arith.constant 48 : index
        %parallel_loop3A_488 = tpu.vector_load %arg6[%parallel_loop3A_485, %parallel_loop3A_486, %parallel_loop3A_487] {strides = array<i32>} : memref<4x128x64xf32, #tpu.memory_space<vmem>>, vector<16xf32>,
        %parallel_loop3A_489 = arith.constant 0 : i32
        %parallel_loop3A_490 = arith.constant 0 : i32
        %parallel_loop3A_491 = arith.constant 0 : i32
        %parallel_loop3A_492 = arith.constant 0 : i32
        %parallel_loop3A_493 = tpu.memref_slice %arg7[%parallel_loop3A_489, %parallel_loop3A_490, %parallel_loop3A_491, %parallel_loop3A_492] : memref<4x8x8x129xf32, #tpu.memory_space<vmem>> -> memref<1x8x8x129xf32, #tpu.memory_space<vmem>>
        %parallel_loop3A_494 = tpu.memref_squeeze %parallel_loop3A_493 : memref<1x8x8x129xf32, #tpu.memory_space<vmem>> -> memref<8x8x129xf32, #tpu.memory_space<vmem>>
        tpu.vector_store_idx %parallel_loop3A_494[%shift_right_arithmetic3A_23, %and3A_46, %parallel_loop3A_450], %parallel_loop3A_488 : memref<8x8x129xf32, #tpu.memory_space<vmem>>[vector<16xi32>, vector<16xi32>, vector<16xi32>], vector<16xf32>,
      } {sc.loop_unroll_factor = 8 : i64, sc.parallel_access}
      %dma_start3A_242 = arith.constant 0 : i32
      %dma_start3A_243 = arith.constant 0 : i32
      %dma_start3A_244 = arith.constant 0 : i32
      %dma_start3A_245 = arith.constant 0 : i32
      %dma_start3A_246 = arith.constant 0 : i32
      %dma_start3A_247 = tpu.memref_slice %arg7[%dma_start3A_242, %dma_start3A_244, %dma_start3A_245, %dma_start3A_246] : memref<4x8x8x129xf32, #tpu.memory_space<vmem>> -> memref<1x8x8x128xf32, #tpu.memory_space<vmem>>
      %dma_start3A_248 = tpu.memref_squeeze %dma_start3A_247 : memref<1x8x8x128xf32, #tpu.memory_space<vmem>> -> memref<8x8x128xf32, #tpu.memory_space<vmem>>
      %dma_start3A_249 = arith.constant 0 : i32
      %dma_start3A_250 = arith.constant 0 : i32
      %dma_start3A_251 = arith.constant 0 : i32
      %dma_start3A_252 = tpu.memref_slice %arg4[%add3A_219, %dma_start3A_249, %add3A, %dma_start3A_250, %dma_start3A_251] : memref<200x8x32x8x128xf32, #tpu.memory_space<hbm>> -> memref<1x8x1x8x128xf32, #tpu.memory_space<hbm>>
      %dma_start3A_253 = tpu.memref_squeeze %dma_start3A_252 : memref<1x8x1x8x128xf32, #tpu.memory_space<hbm>> -> memref<8x8x128xf32, #tpu.memory_space<hbm>>
      %dma_start3A_254 = tpu.memref_slice %arg9[%dma_start3A_243] : memref<4x!tpu.dma_semaphore, #tpu.memory_space<semaphore_mem>> -> memref<1x!tpu.dma_semaphore, #tpu.memory_space<semaphore_mem>>
      %dma_start3A_255 = tpu.memref_squeeze %dma_start3A_254 : memref<1x!tpu.dma_semaphore, #tpu.memory_space<semaphore_mem>> -> memref<!tpu.dma_semaphore, #tpu.memory_space<semaphore_mem>>
      %dma_start3A_256 = arith.constant 0 : i32
      %dma_start3A_257 = arith.constant 0 : i32
      %dma_start3A_258 = arith.constant 0 : i32
      %dma_start3A_259 = tpu.memref_slice %arg4[%add3A_219, %dma_start3A_256, %add3A, %dma_start3A_257, %dma_start3A_258] : memref<200x8x32x8x128xf32, #tpu.memory_space<hbm>> -> memref<1x8x1x8x128xf32, #tpu.memory_space<hbm>>
      %dma_start3A_260 = tpu.memref_squeeze %dma_start3A_259 : memref<1x8x1x8x128xf32, #tpu.memory_space<hbm>> -> memref<8x8x128xf32, #tpu.memory_space<hbm>>
      %dma_start3A_261 = arith.constant 0 : i32
      %dma_start3A_262 = arith.constant 0 : i32
      %dma_start3A_263 = arith.constant 0 : i32
      %dma_start3A_264 = tpu.memref_slice %arg7[%dma_start3A_242, %dma_start3A_261, %dma_start3A_262, %dma_start3A_263] : memref<4x8x8x129xf32, #tpu.memory_space<vmem>> -> memref<1x8x8x128xf32, #tpu.memory_space<vmem>>
      %dma_start3A_265 = tpu.memref_squeeze %dma_start3A_264 : memref<1x8x8x128xf32, #tpu.memory_space<vmem>> -> memref<8x8x128xf32, #tpu.memory_space<vmem>>
      tpu.enqueue_dma source(%dma_start3A_265 : memref<8x8x128xf32, #tpu.memory_space<vmem>>) target(%dma_start3A_260 : memref<8x8x128xf32, #tpu.memory_space<hbm>>) target_semaphore(%dma_start3A_255 : memref<!tpu.dma_semaphore, #tpu.memory_space<semaphore_mem>>)
      %add3A_266 = arith.constant 4 : i32
      %add3A_267 = arith.addi %add3A_219, %add3A_266 : i32
      %lt3A = arith.constant 200 : i32
      %lt3A_268 = arith.cmpi slt, %add3A_267, %lt3A : i32
      %convert_element_type3A_269 = arith.extui %lt3A_268 : i1 to i32
      %cond3A_270 = arith.constant 0 : i32
      %cond3A_271 = arith.cmpi ne, %convert_element_type3A_269, %cond3A_270 : i32
      scf.if %cond3A_271 {
        %add3A_449 = arith.constant 4 : i32
        %add3A_450 = arith.addi %add3A_219, %add3A_449 : i32
        %shift_right_arithmetic3A_451 = arith.constant 3 : i32
        %shift_right_arithmetic3A_452 = arith.shrsi %add3A_450, %shift_right_arithmetic3A_451 : i32
        %and3A_453 = arith.constant 7 : i32
        %and3A_454 = arith.andi %add3A_450, %and3A_453 : i32
        %dma_start3A_455 = arith.constant 0 : i32
        %dma_start3A_456 = arith.constant 0 : i32
        %dma_start3A_457 = arith.constant 0 : i32
        %dma_start3A_458 = arith.constant 0 : i32
        %dma_start3A_459 = tpu.memref_slice %arg6[%dma_start3A_455, %dma_start3A_457, %dma_start3A_458] : memref<4x128x64xf32, #tpu.memory_space<vmem>> -> memref<1x128x64xf32, #tpu.memory_space<vmem>>
        %dma_start3A_460 = tpu.memref_squeeze %dma_start3A_459 : memref<1x128x64xf32, #tpu.memory_space<vmem>> -> memref<128x64xf32, #tpu.memory_space<vmem>>
        %dma_start3A_461 = arith.constant 0 : i32
        %dma_start3A_462 = tpu.memref_slice %arg5[%shift_right_arithmetic3A_452, %and3A_454, %dma_start3A_461] : memref<25x8x128xi32, #tpu.memory_space<vmem>> -> memref<1x1x128xi32, #tpu.memory_space<vmem>>
        %dma_start3A_463 = tpu.memref_squeeze %dma_start3A_462 : memref<1x1x128xi32, #tpu.memory_space<vmem>> -> memref<128xi32, #tpu.memory_space<vmem>>
        %dma_start3A_464 = arith.constant 0 : i32
        %dma_start3A_465 = arith.constant 0 : i32
        %dma_start3A_466 = tpu.memref_slice %arg2[%dma_start3A_464, %dma_start3A_465] : memref<100000x64xf32, #tpu.memory_space<hbm>> -> memref<100000x64xf32, #tpu.memory_space<hbm>>
        %dma_start3A_467 = tpu.memref_slice %arg8[%dma_start3A_456] : memref<4x!tpu.dma_semaphore, #tpu.memory_space<semaphore_mem>> -> memref<1x!tpu.dma_semaphore, #tpu.memory_space<semaphore_mem>>
        %dma_start3A_468 = tpu.memref_squeeze %dma_start3A_467 : memref<1x!tpu.dma_semaphore, #tpu.memory_space<semaphore_mem>> -> memref<!tpu.dma_semaphore, #tpu.memory_space<semaphore_mem>>
        tpu.enqueue_indirect_dma source(%dma_start3A_466 : memref<100000x64xf32, #tpu.memory_space<hbm>>) target(%dma_start3A_460 : memref<128x64xf32, #tpu.memory_space<vmem>>) offsets(%dma_start3A_463 : memref<128xi32, #tpu.memory_space<vmem>>) semaphore(%dma_start3A_468 : memref<!tpu.dma_semaphore, #tpu.memory_space<semaphore_mem>>)
      } else {
      }
      %add3A_272 = arith.constant 1 : i32
      %add3A_273 = arith.addi %add3A_217, %add3A_272 : i32
      %shift_right_arithmetic3A_274 = arith.constant 3 : i32
      %shift_right_arithmetic3A_275 = arith.shrsi %add3A_273, %shift_right_arithmetic3A_274 : i32
      %and3A_276 = arith.constant 7 : i32
      %and3A_277 = arith.andi %add3A_273, %and3A_276 : i32
      %dma_wait3A_278 = arith.constant 1 : i32
      %dma_wait3A_279 = arith.constant 1 : i32
      %dma_wait3A_280 = arith.constant 0 : i32
      %dma_wait3A_281 = arith.constant 0 : i32
      %dma_wait3A_282 = tpu.memref_slice %arg6[%dma_wait3A_278, %dma_wait3A_280, %dma_wait3A_281] : memref<4x128x64xf32, #tpu.memory_space<vmem>> -> memref<1x128x64xf32, #tpu.memory_space<vmem>>
      %dma_wait3A_283 = tpu.memref_squeeze %dma_wait3A_282 : memref<1x128x64xf32, #tpu.memory_space<vmem>> -> memref<128x64xf32, #tpu.memory_space<vmem>>
      %dma_wait3A_284 = arith.constant 0 : i32
      %dma_wait3A_285 = tpu.memref_slice %arg5[%shift_right_arithmetic3A_275, %and3A_277, %dma_wait3A_284] : memref<25x8x128xi32, #tpu.memory_space<vmem>> -> memref<1x1x128xi32, #tpu.memory_space<vmem>>
      %dma_wait3A_286 = tpu.memref_squeeze %dma_wait3A_285 : memref<1x1x128xi32, #tpu.memory_space<vmem>> -> memref<128xi32, #tpu.memory_space<vmem>>
      %dma_wait3A_287 = arith.constant 0 : i32
      %dma_wait3A_288 = arith.constant 0 : i32
      %dma_wait3A_289 = tpu.memref_slice %arg2[%dma_wait3A_287, %dma_wait3A_288] : memref<100000x64xf32, #tpu.memory_space<hbm>> -> memref<100000x64xf32, #tpu.memory_space<hbm>>
      %dma_wait3A_290 = tpu.memref_slice %arg8[%dma_wait3A_279] : memref<4x!tpu.dma_semaphore, #tpu.memory_space<semaphore_mem>> -> memref<1x!tpu.dma_semaphore, #tpu.memory_space<semaphore_mem>>
      %dma_wait3A_291 = tpu.memref_squeeze %dma_wait3A_290 : memref<1x!tpu.dma_semaphore, #tpu.memory_space<semaphore_mem>> -> memref<!tpu.dma_semaphore, #tpu.memory_space<semaphore_mem>>
      tpu.wait_indirect_dma semaphore(%dma_wait3A_291 : memref<!tpu.dma_semaphore, #tpu.memory_space<semaphore_mem>>) src(%dma_wait3A_289 : memref<100000x64xf32, #tpu.memory_space<hbm>>) dst(%dma_wait3A_283 : memref<128x64xf32, #tpu.memory_space<vmem>>)
      %ge3A_292 = arith.constant 4 : i32
      %ge3A_293 = arith.cmpi sge, %add3A_273, %ge3A_292 : i32
      %convert_element_type3A_294 = arith.extui %ge3A_293 : i1 to i32
      %cond3A_295 = arith.constant 0 : i32
      %cond3A_296 = arith.cmpi ne, %convert_element_type3A_294, %cond3A_295 : i32
      scf.if %cond3A_296 {
        %sub3A = arith.constant 4 : i32
        %sub3A_449 = arith.subi %add3A_273, %sub3A : i32
        %dma_wait3A_450 = arith.constant 1 : i32
        %dma_wait3A_451 = arith.constant 1 : i32
        %dma_wait3A_452 = arith.constant 0 : i32
        %dma_wait3A_453 = arith.constant 0 : i32
        %dma_wait3A_454 = arith.constant 0 : i32
        %dma_wait3A_455 = tpu.memref_slice %arg7[%dma_wait3A_450, %dma_wait3A_452, %dma_wait3A_453, %dma_wait3A_454] : memref<4x8x8x129xf32, #tpu.memory_space<vmem>> -> memref<1x8x8x128xf32, #tpu.memory_space<vmem>>
        %dma_wait3A_456 = tpu.memref_squeeze %dma_wait3A_455 : memref<1x8x8x128xf32, #tpu.memory_space<vmem>> -> memref<8x8x128xf32, #tpu.memory_space<vmem>>
        %dma_wait3A_457 = arith.constant 0 : i32
        %dma_wait3A_458 = arith.constant 0 : i32
        %dma_wait3A_459 = arith.constant 0 : i32
        %dma_wait3A_460 = tpu.memref_slice %arg4[%sub3A_449, %dma_wait3A_457, %add3A, %dma_wait3A_458, %dma_wait3A_459] : memref<200x8x32x8x128xf32, #tpu.memory_space<hbm>> -> memref<1x8x1x8x128xf32, #tpu.memory_space<hbm>>
        %dma_wait3A_461 = tpu.memref_squeeze %dma_wait3A_460 : memref<1x8x1x8x128xf32, #tpu.memory_space<hbm>> -> memref<8x8x128xf32, #tpu.memory_space<hbm>>
        %dma_wait3A_462 = tpu.memref_slice %arg9[%dma_wait3A_451] : memref<4x!tpu.dma_semaphore, #tpu.memory_space<semaphore_mem>> -> memref<1x!tpu.dma_semaphore, #tpu.memory_space<semaphore_mem>>
        %dma_wait3A_463 = tpu.memref_squeeze %dma_wait3A_462 : memref<1x!tpu.dma_semaphore, #tpu.memory_space<semaphore_mem>> -> memref<!tpu.dma_semaphore, #tpu.memory_space<semaphore_mem>>
        %dma_wait3A_464 = arith.constant 0 : i32
        %dma_wait3A_465 = arith.constant 0 : i32
        %dma_wait3A_466 = arith.constant 0 : i32
        %dma_wait3A_467 = tpu.memref_slice %arg4[%sub3A_449, %dma_wait3A_464, %add3A, %dma_wait3A_465, %dma_wait3A_466] : memref<200x8x32x8x128xf32, #tpu.memory_space<hbm>> -> memref<1x8x1x8x128xf32, #tpu.memory_space<hbm>>
        %dma_wait3A_468 = tpu.memref_squeeze %dma_wait3A_467 : memref<1x8x1x8x128xf32, #tpu.memory_space<hbm>> -> memref<8x8x128xf32, #tpu.memory_space<hbm>>
        %dma_wait3A_469 = arith.constant 0 : i32
        %dma_wait3A_470 = arith.constant 0 : i32
        %dma_wait3A_471 = arith.constant 0 : i32
        %dma_wait3A_472 = tpu.memref_slice %arg7[%dma_wait3A_450, %dma_wait3A_469, %dma_wait3A_470, %dma_wait3A_471] : memref<4x8x8x129xf32, #tpu.memory_space<vmem>> -> memref<1x8x8x128xf32, #tpu.memory_space<vmem>>
        %dma_wait3A_473 = tpu.memref_squeeze %dma_wait3A_472 : memref<1x8x8x128xf32, #tpu.memory_space<vmem>> -> memref<8x8x128xf32, #tpu.memory_space<vmem>>
        tpu.wait_dma2 semaphore(%dma_wait3A_463 : memref<!tpu.dma_semaphore, #tpu.memory_space<semaphore_mem>>) src(%dma_wait3A_473 : memref<8x8x128xf32, #tpu.memory_space<vmem>>) dst(%dma_wait3A_468 : memref<8x8x128xf32, #tpu.memory_space<hbm>>)
      } else {
      }
      %parallel_loop3A_297 = arith.constant 0 : i32
      %parallel_loop3A_298 = arith.constant 128 : i32
      %parallel_loop3A_299 = arith.constant 1 : i32
      scf.for %parallel_loop3A_449 = %parallel_loop3A_297 to %parallel_loop3A_298 step %parallel_loop3A_299  : i32 {
        %parallel_loop3A_450 = vector.broadcast %parallel_loop3A_449 : i32 to vector<16xi32>
        %parallel_loop3A_451 = arith.constant 1 : i32
        %parallel_loop3A_452 = arith.index_cast %parallel_loop3A_451 : i32 to index
        %parallel_loop3A_453 = arith.index_cast %parallel_loop3A_449 : i32 to index
        %parallel_loop3A_454 = arith.constant 0 : index
        %parallel_loop3A_455 = tpu.vector_load %arg6[%parallel_loop3A_452, %parallel_loop3A_453, %parallel_loop3A_454] {strides = array<i32>} : memref<4x128x64xf32, #tpu.memory_space<vmem>>, vector<16xf32>,
        %parallel_loop3A_456 = arith.constant 1 : i32
        %parallel_loop3A_457 = arith.constant 0 : i32
        %parallel_loop3A_458 = arith.constant 0 : i32
        %parallel_loop3A_459 = arith.constant 0 : i32
        %parallel_loop3A_460 = tpu.memref_slice %arg7[%parallel_loop3A_456, %parallel_loop3A_457, %parallel_loop3A_458, %parallel_loop3A_459] : memref<4x8x8x129xf32, #tpu.memory_space<vmem>> -> memref<1x8x8x129xf32, #tpu.memory_space<vmem>>
        %parallel_loop3A_461 = tpu.memref_squeeze %parallel_loop3A_460 : memref<1x8x8x129xf32, #tpu.memory_space<vmem>> -> memref<8x8x129xf32, #tpu.memory_space<vmem>>
        tpu.vector_store_idx %parallel_loop3A_461[%shift_right_arithmetic3A_5, %and3A_28, %parallel_loop3A_450], %parallel_loop3A_455 : memref<8x8x129xf32, #tpu.memory_space<vmem>>[vector<16xi32>, vector<16xi32>, vector<16xi32>], vector<16xf32>,
        %parallel_loop3A_462 = arith.constant 1 : i32
        %parallel_loop3A_463 = arith.index_cast %parallel_loop3A_462 : i32 to index
        %parallel_loop3A_464 = arith.index_cast %parallel_loop3A_449 : i32 to index
        %parallel_loop3A_465 = arith.constant 16 : index
        %parallel_loop3A_466 = tpu.vector_load %arg6[%parallel_loop3A_463, %parallel_loop3A_464, %parallel_loop3A_465] {strides = array<i32>} : memref<4x128x64xf32, #tpu.memory_space<vmem>>, vector<16xf32>,
        %parallel_loop3A_467 = arith.constant 1 : i32
        %parallel_loop3A_468 = arith.constant 0 : i32
        %parallel_loop3A_469 = arith.constant 0 : i32
        %parallel_loop3A_470 = arith.constant 0 : i32
        %parallel_loop3A_471 = tpu.memref_slice %arg7[%parallel_loop3A_467, %parallel_loop3A_468, %parallel_loop3A_469, %parallel_loop3A_470] : memref<4x8x8x129xf32, #tpu.memory_space<vmem>> -> memref<1x8x8x129xf32, #tpu.memory_space<vmem>>
        %parallel_loop3A_472 = tpu.memref_squeeze %parallel_loop3A_471 : memref<1x8x8x129xf32, #tpu.memory_space<vmem>> -> memref<8x8x129xf32, #tpu.memory_space<vmem>>
        tpu.vector_store_idx %parallel_loop3A_472[%shift_right_arithmetic3A_11, %and3A_34, %parallel_loop3A_450], %parallel_loop3A_466 : memref<8x8x129xf32, #tpu.memory_space<vmem>>[vector<16xi32>, vector<16xi32>, vector<16xi32>], vector<16xf32>,
        %parallel_loop3A_473 = arith.constant 1 : i32
        %parallel_loop3A_474 = arith.index_cast %parallel_loop3A_473 : i32 to index
        %parallel_loop3A_475 = arith.index_cast %parallel_loop3A_449 : i32 to index
        %parallel_loop3A_476 = arith.constant 32 : index
        %parallel_loop3A_477 = tpu.vector_load %arg6[%parallel_loop3A_474, %parallel_loop3A_475, %parallel_loop3A_476] {strides = array<i32>} : memref<4x128x64xf32, #tpu.memory_space<vmem>>, vector<16xf32>,
        %parallel_loop3A_478 = arith.constant 1 : i32
        %parallel_loop3A_479 = arith.constant 0 : i32
        %parallel_loop3A_480 = arith.constant 0 : i32
        %parallel_loop3A_481 = arith.constant 0 : i32
        %parallel_loop3A_482 = tpu.memref_slice %arg7[%parallel_loop3A_478, %parallel_loop3A_479, %parallel_loop3A_480, %parallel_loop3A_481] : memref<4x8x8x129xf32, #tpu.memory_space<vmem>> -> memref<1x8x8x129xf32, #tpu.memory_space<vmem>>
        %parallel_loop3A_483 = tpu.memref_squeeze %parallel_loop3A_482 : memref<1x8x8x129xf32, #tpu.memory_space<vmem>> -> memref<8x8x129xf32, #tpu.memory_space<vmem>>
        tpu.vector_store_idx %parallel_loop3A_483[%shift_right_arithmetic3A_17, %and3A_40, %parallel_loop3A_450], %parallel_loop3A_477 : memref<8x8x129xf32, #tpu.memory_space<vmem>>[vector<16xi32>, vector<16xi32>, vector<16xi32>], vector<16xf32>,
        %parallel_loop3A_484 = arith.constant 1 : i32
        %parallel_loop3A_485 = arith.index_cast %parallel_loop3A_484 : i32 to index
        %parallel_loop3A_486 = arith.index_cast %parallel_loop3A_449 : i32 to index
        %parallel_loop3A_487 = arith.constant 48 : index
        %parallel_loop3A_488 = tpu.vector_load %arg6[%parallel_loop3A_485, %parallel_loop3A_486, %parallel_loop3A_487] {strides = array<i32>} : memref<4x128x64xf32, #tpu.memory_space<vmem>>, vector<16xf32>,
        %parallel_loop3A_489 = arith.constant 1 : i32
        %parallel_loop3A_490 = arith.constant 0 : i32
        %parallel_loop3A_491 = arith.constant 0 : i32
        %parallel_loop3A_492 = arith.constant 0 : i32
        %parallel_loop3A_493 = tpu.memref_slice %arg7[%parallel_loop3A_489, %parallel_loop3A_490, %parallel_loop3A_491, %parallel_loop3A_492] : memref<4x8x8x129xf32, #tpu.memory_space<vmem>> -> memref<1x8x8x129xf32, #tpu.memory_space<vmem>>
        %parallel_loop3A_494 = tpu.memref_squeeze %parallel_loop3A_493 : memref<1x8x8x129xf32, #tpu.memory_space<vmem>> -> memref<8x8x129xf32, #tpu.memory_space<vmem>>
        tpu.vector_store_idx %parallel_loop3A_494[%shift_right_arithmetic3A_23, %and3A_46, %parallel_loop3A_450], %parallel_loop3A_488 : memref<8x8x129xf32, #tpu.memory_space<vmem>>[vector<16xi32>, vector<16xi32>, vector<16xi32>], vector<16xf32>,
      } {sc.loop_unroll_factor = 8 : i64, sc.parallel_access}
      %dma_start3A_300 = arith.constant 1 : i32
      %dma_start3A_301 = arith.constant 1 : i32
      %dma_start3A_302 = arith.constant 0 : i32
      %dma_start3A_303 = arith.constant 0 : i32
      %dma_start3A_304 = arith.constant 0 : i32
      %dma_start3A_305 = tpu.memref_slice %arg7[%dma_start3A_300, %dma_start3A_302, %dma_start3A_303, %dma_start3A_304] : memref<4x8x8x129xf32, #tpu.memory_space<vmem>> -> memref<1x8x8x128xf32, #tpu.memory_space<vmem>>
      %dma_start3A_306 = tpu.memref_squeeze %dma_start3A_305 : memref<1x8x8x128xf32, #tpu.memory_space<vmem>> -> memref<8x8x128xf32, #tpu.memory_space<vmem>>
      %dma_start3A_307 = arith.constant 0 : i32
      %dma_start3A_308 = arith.constant 0 : i32
      %dma_start3A_309 = arith.constant 0 : i32
      %dma_start3A_310 = tpu.memref_slice %arg4[%add3A_273, %dma_start3A_307, %add3A, %dma_start3A_308, %dma_start3A_309] : memref<200x8x32x8x128xf32, #tpu.memory_space<hbm>> -> memref<1x8x1x8x128xf32, #tpu.memory_space<hbm>>
      %dma_start3A_311 = tpu.memref_squeeze %dma_start3A_310 : memref<1x8x1x8x128xf32, #tpu.memory_space<hbm>> -> memref<8x8x128xf32, #tpu.memory_space<hbm>>
      %dma_start3A_312 = tpu.memref_slice %arg9[%dma_start3A_301] : memref<4x!tpu.dma_semaphore, #tpu.memory_space<semaphore_mem>> -> memref<1x!tpu.dma_semaphore, #tpu.memory_space<semaphore_mem>>
      %dma_start3A_313 = tpu.memref_squeeze %dma_start3A_312 : memref<1x!tpu.dma_semaphore, #tpu.memory_space<semaphore_mem>> -> memref<!tpu.dma_semaphore, #tpu.memory_space<semaphore_mem>>
      %dma_start3A_314 = arith.constant 0 : i32
      %dma_start3A_315 = arith.constant 0 : i32
      %dma_start3A_316 = arith.constant 0 : i32
      %dma_start3A_317 = tpu.memref_slice %arg4[%add3A_273, %dma_start3A_314, %add3A, %dma_start3A_315, %dma_start3A_316] : memref<200x8x32x8x128xf32, #tpu.memory_space<hbm>> -> memref<1x8x1x8x128xf32, #tpu.memory_space<hbm>>
      %dma_start3A_318 = tpu.memref_squeeze %dma_start3A_317 : memref<1x8x1x8x128xf32, #tpu.memory_space<hbm>> -> memref<8x8x128xf32, #tpu.memory_space<hbm>>
      %dma_start3A_319 = arith.constant 0 : i32
      %dma_start3A_320 = arith.constant 0 : i32
      %dma_start3A_321 = arith.constant 0 : i32
      %dma_start3A_322 = tpu.memref_slice %arg7[%dma_start3A_300, %dma_start3A_319, %dma_start3A_320, %dma_start3A_321] : memref<4x8x8x129xf32, #tpu.memory_space<vmem>> -> memref<1x8x8x128xf32, #tpu.memory_space<vmem>>
      %dma_start3A_323 = tpu.memref_squeeze %dma_start3A_322 : memref<1x8x8x128xf32, #tpu.memory_space<vmem>> -> memref<8x8x128xf32, #tpu.memory_space<vmem>>
      tpu.enqueue_dma source(%dma_start3A_323 : memref<8x8x128xf32, #tpu.memory_space<vmem>>) target(%dma_start3A_318 : memref<8x8x128xf32, #tpu.memory_space<hbm>>) target_semaphore(%dma_start3A_313 : memref<!tpu.dma_semaphore, #tpu.memory_space<semaphore_mem>>)
      %add3A_324 = arith.constant 4 : i32
      %add3A_325 = arith.addi %add3A_273, %add3A_324 : i32
      %lt3A_326 = arith.constant 200 : i32
      %lt3A_327 = arith.cmpi slt, %add3A_325, %lt3A_326 : i32
      %convert_element_type3A_328 = arith.extui %lt3A_327 : i1 to i32
      %cond3A_329 = arith.constant 0 : i32
      %cond3A_330 = arith.cmpi ne, %convert_element_type3A_328, %cond3A_329 : i32
      scf.if %cond3A_330 {
        %add3A_449 = arith.constant 4 : i32
        %add3A_450 = arith.addi %add3A_273, %add3A_449 : i32
        %shift_right_arithmetic3A_451 = arith.constant 3 : i32
        %shift_right_arithmetic3A_452 = arith.shrsi %add3A_450, %shift_right_arithmetic3A_451 : i32
        %and3A_453 = arith.constant 7 : i32
        %and3A_454 = arith.andi %add3A_450, %and3A_453 : i32
        %dma_start3A_455 = arith.constant 1 : i32
        %dma_start3A_456 = arith.constant 1 : i32
        %dma_start3A_457 = arith.constant 0 : i32
        %dma_start3A_458 = arith.constant 0 : i32
        %dma_start3A_459 = tpu.memref_slice %arg6[%dma_start3A_455, %dma_start3A_457, %dma_start3A_458] : memref<4x128x64xf32, #tpu.memory_space<vmem>> -> memref<1x128x64xf32, #tpu.memory_space<vmem>>
        %dma_start3A_460 = tpu.memref_squeeze %dma_start3A_459 : memref<1x128x64xf32, #tpu.memory_space<vmem>> -> memref<128x64xf32, #tpu.memory_space<vmem>>
        %dma_start3A_461 = arith.constant 0 : i32
        %dma_start3A_462 = tpu.memref_slice %arg5[%shift_right_arithmetic3A_452, %and3A_454, %dma_start3A_461] : memref<25x8x128xi32, #tpu.memory_space<vmem>> -> memref<1x1x128xi32, #tpu.memory_space<vmem>>
        %dma_start3A_463 = tpu.memref_squeeze %dma_start3A_462 : memref<1x1x128xi32, #tpu.memory_space<vmem>> -> memref<128xi32, #tpu.memory_space<vmem>>
        %dma_start3A_464 = arith.constant 0 : i32
        %dma_start3A_465 = arith.constant 0 : i32
        %dma_start3A_466 = tpu.memref_slice %arg2[%dma_start3A_464, %dma_start3A_465] : memref<100000x64xf32, #tpu.memory_space<hbm>> -> memref<100000x64xf32, #tpu.memory_space<hbm>>
        %dma_start3A_467 = tpu.memref_slice %arg8[%dma_start3A_456] : memref<4x!tpu.dma_semaphore, #tpu.memory_space<semaphore_mem>> -> memref<1x!tpu.dma_semaphore, #tpu.memory_space<semaphore_mem>>
        %dma_start3A_468 = tpu.memref_squeeze %dma_start3A_467 : memref<1x!tpu.dma_semaphore, #tpu.memory_space<semaphore_mem>> -> memref<!tpu.dma_semaphore, #tpu.memory_space<semaphore_mem>>
        tpu.enqueue_indirect_dma source(%dma_start3A_466 : memref<100000x64xf32, #tpu.memory_space<hbm>>) target(%dma_start3A_460 : memref<128x64xf32, #tpu.memory_space<vmem>>) offsets(%dma_start3A_463 : memref<128xi32, #tpu.memory_space<vmem>>) semaphore(%dma_start3A_468 : memref<!tpu.dma_semaphore, #tpu.memory_space<semaphore_mem>>)
      } else {
      }
      %add3A_331 = arith.constant 2 : i32
      %add3A_332 = arith.addi %add3A_217, %add3A_331 : i32
      %shift_right_arithmetic3A_333 = arith.constant 3 : i32
      %shift_right_arithmetic3A_334 = arith.shrsi %add3A_332, %shift_right_arithmetic3A_333 : i32
      %and3A_335 = arith.constant 7 : i32
      %and3A_336 = arith.andi %add3A_332, %and3A_335 : i32
      %dma_wait3A_337 = arith.constant 2 : i32
      %dma_wait3A_338 = arith.constant 2 : i32
      %dma_wait3A_339 = arith.constant 0 : i32
      %dma_wait3A_340 = arith.constant 0 : i32
      %dma_wait3A_341 = tpu.memref_slice %arg6[%dma_wait3A_337, %dma_wait3A_339, %dma_wait3A_340] : memref<4x128x64xf32, #tpu.memory_space<vmem>> -> memref<1x128x64xf32, #tpu.memory_space<vmem>>
      %dma_wait3A_342 = tpu.memref_squeeze %dma_wait3A_341 : memref<1x128x64xf32, #tpu.memory_space<vmem>> -> memref<128x64xf32, #tpu.memory_space<vmem>>
      %dma_wait3A_343 = arith.constant 0 : i32
      %dma_wait3A_344 = tpu.memref_slice %arg5[%shift_right_arithmetic3A_334, %and3A_336, %dma_wait3A_343] : memref<25x8x128xi32, #tpu.memory_space<vmem>> -> memref<1x1x128xi32, #tpu.memory_space<vmem>>
      %dma_wait3A_345 = tpu.memref_squeeze %dma_wait3A_344 : memref<1x1x128xi32, #tpu.memory_space<vmem>> -> memref<128xi32, #tpu.memory_space<vmem>>
      %dma_wait3A_346 = arith.constant 0 : i32
      %dma_wait3A_347 = arith.constant 0 : i32
      %dma_wait3A_348 = tpu.memref_slice %arg2[%dma_wait3A_346, %dma_wait3A_347] : memref<100000x64xf32, #tpu.memory_space<hbm>> -> memref<100000x64xf32, #tpu.memory_space<hbm>>
      %dma_wait3A_349 = tpu.memref_slice %arg8[%dma_wait3A_338] : memref<4x!tpu.dma_semaphore, #tpu.memory_space<semaphore_mem>> -> memref<1x!tpu.dma_semaphore, #tpu.memory_space<semaphore_mem>>
      %dma_wait3A_350 = tpu.memref_squeeze %dma_wait3A_349 : memref<1x!tpu.dma_semaphore, #tpu.memory_space<semaphore_mem>> -> memref<!tpu.dma_semaphore, #tpu.memory_space<semaphore_mem>>
      tpu.wait_indirect_dma semaphore(%dma_wait3A_350 : memref<!tpu.dma_semaphore, #tpu.memory_space<semaphore_mem>>) src(%dma_wait3A_348 : memref<100000x64xf32, #tpu.memory_space<hbm>>) dst(%dma_wait3A_342 : memref<128x64xf32, #tpu.memory_space<vmem>>)
      %ge3A_351 = arith.constant 4 : i32
      %ge3A_352 = arith.cmpi sge, %add3A_332, %ge3A_351 : i32
      %convert_element_type3A_353 = arith.extui %ge3A_352 : i1 to i32
      %cond3A_354 = arith.constant 0 : i32
      %cond3A_355 = arith.cmpi ne, %convert_element_type3A_353, %cond3A_354 : i32
      scf.if %cond3A_355 {
        %sub3A = arith.constant 4 : i32
        %sub3A_449 = arith.subi %add3A_332, %sub3A : i32
        %dma_wait3A_450 = arith.constant 2 : i32
        %dma_wait3A_451 = arith.constant 2 : i32
        %dma_wait3A_452 = arith.constant 0 : i32
        %dma_wait3A_453 = arith.constant 0 : i32
        %dma_wait3A_454 = arith.constant 0 : i32
        %dma_wait3A_455 = tpu.memref_slice %arg7[%dma_wait3A_450, %dma_wait3A_452, %dma_wait3A_453, %dma_wait3A_454] : memref<4x8x8x129xf32, #tpu.memory_space<vmem>> -> memref<1x8x8x128xf32, #tpu.memory_space<vmem>>
        %dma_wait3A_456 = tpu.memref_squeeze %dma_wait3A_455 : memref<1x8x8x128xf32, #tpu.memory_space<vmem>> -> memref<8x8x128xf32, #tpu.memory_space<vmem>>
        %dma_wait3A_457 = arith.constant 0 : i32
        %dma_wait3A_458 = arith.constant 0 : i32
        %dma_wait3A_459 = arith.constant 0 : i32
        %dma_wait3A_460 = tpu.memref_slice %arg4[%sub3A_449, %dma_wait3A_457, %add3A, %dma_wait3A_458, %dma_wait3A_459] : memref<200x8x32x8x128xf32, #tpu.memory_space<hbm>> -> memref<1x8x1x8x128xf32, #tpu.memory_space<hbm>>
        %dma_wait3A_461 = tpu.memref_squeeze %dma_wait3A_460 : memref<1x8x1x8x128xf32, #tpu.memory_space<hbm>> -> memref<8x8x128xf32, #tpu.memory_space<hbm>>
        %dma_wait3A_462 = tpu.memref_slice %arg9[%dma_wait3A_451] : memref<4x!tpu.dma_semaphore, #tpu.memory_space<semaphore_mem>> -> memref<1x!tpu.dma_semaphore, #tpu.memory_space<semaphore_mem>>
        %dma_wait3A_463 = tpu.memref_squeeze %dma_wait3A_462 : memref<1x!tpu.dma_semaphore, #tpu.memory_space<semaphore_mem>> -> memref<!tpu.dma_semaphore, #tpu.memory_space<semaphore_mem>>
        %dma_wait3A_464 = arith.constant 0 : i32
        %dma_wait3A_465 = arith.constant 0 : i32
        %dma_wait3A_466 = arith.constant 0 : i32
        %dma_wait3A_467 = tpu.memref_slice %arg4[%sub3A_449, %dma_wait3A_464, %add3A, %dma_wait3A_465, %dma_wait3A_466] : memref<200x8x32x8x128xf32, #tpu.memory_space<hbm>> -> memref<1x8x1x8x128xf32, #tpu.memory_space<hbm>>
        %dma_wait3A_468 = tpu.memref_squeeze %dma_wait3A_467 : memref<1x8x1x8x128xf32, #tpu.memory_space<hbm>> -> memref<8x8x128xf32, #tpu.memory_space<hbm>>
        %dma_wait3A_469 = arith.constant 0 : i32
        %dma_wait3A_470 = arith.constant 0 : i32
        %dma_wait3A_471 = arith.constant 0 : i32
        %dma_wait3A_472 = tpu.memref_slice %arg7[%dma_wait3A_450, %dma_wait3A_469, %dma_wait3A_470, %dma_wait3A_471] : memref<4x8x8x129xf32, #tpu.memory_space<vmem>> -> memref<1x8x8x128xf32, #tpu.memory_space<vmem>>
        %dma_wait3A_473 = tpu.memref_squeeze %dma_wait3A_472 : memref<1x8x8x128xf32, #tpu.memory_space<vmem>> -> memref<8x8x128xf32, #tpu.memory_space<vmem>>
        tpu.wait_dma2 semaphore(%dma_wait3A_463 : memref<!tpu.dma_semaphore, #tpu.memory_space<semaphore_mem>>) src(%dma_wait3A_473 : memref<8x8x128xf32, #tpu.memory_space<vmem>>) dst(%dma_wait3A_468 : memref<8x8x128xf32, #tpu.memory_space<hbm>>)
      } else {
      }
      %parallel_loop3A_356 = arith.constant 0 : i32
      %parallel_loop3A_357 = arith.constant 128 : i32
      %parallel_loop3A_358 = arith.constant 1 : i32
      scf.for %parallel_loop3A_449 = %parallel_loop3A_356 to %parallel_loop3A_357 step %parallel_loop3A_358  : i32 {
        %parallel_loop3A_450 = vector.broadcast %parallel_loop3A_449 : i32 to vector<16xi32>
        %parallel_loop3A_451 = arith.constant 2 : i32
        %parallel_loop3A_452 = arith.index_cast %parallel_loop3A_451 : i32 to index
        %parallel_loop3A_453 = arith.index_cast %parallel_loop3A_449 : i32 to index
        %parallel_loop3A_454 = arith.constant 0 : index
        %parallel_loop3A_455 = tpu.vector_load %arg6[%parallel_loop3A_452, %parallel_loop3A_453, %parallel_loop3A_454] {strides = array<i32>} : memref<4x128x64xf32, #tpu.memory_space<vmem>>, vector<16xf32>,
        %parallel_loop3A_456 = arith.constant 2 : i32
        %parallel_loop3A_457 = arith.constant 0 : i32
        %parallel_loop3A_458 = arith.constant 0 : i32
        %parallel_loop3A_459 = arith.constant 0 : i32
        %parallel_loop3A_460 = tpu.memref_slice %arg7[%parallel_loop3A_456, %parallel_loop3A_457, %parallel_loop3A_458, %parallel_loop3A_459] : memref<4x8x8x129xf32, #tpu.memory_space<vmem>> -> memref<1x8x8x129xf32, #tpu.memory_space<vmem>>
        %parallel_loop3A_461 = tpu.memref_squeeze %parallel_loop3A_460 : memref<1x8x8x129xf32, #tpu.memory_space<vmem>> -> memref<8x8x129xf32, #tpu.memory_space<vmem>>
        tpu.vector_store_idx %parallel_loop3A_461[%shift_right_arithmetic3A_5, %and3A_28, %parallel_loop3A_450], %parallel_loop3A_455 : memref<8x8x129xf32, #tpu.memory_space<vmem>>[vector<16xi32>, vector<16xi32>, vector<16xi32>], vector<16xf32>,
        %parallel_loop3A_462 = arith.constant 2 : i32
        %parallel_loop3A_463 = arith.index_cast %parallel_loop3A_462 : i32 to index
        %parallel_loop3A_464 = arith.index_cast %parallel_loop3A_449 : i32 to index
        %parallel_loop3A_465 = arith.constant 16 : index
        %parallel_loop3A_466 = tpu.vector_load %arg6[%parallel_loop3A_463, %parallel_loop3A_464, %parallel_loop3A_465] {strides = array<i32>} : memref<4x128x64xf32, #tpu.memory_space<vmem>>, vector<16xf32>,
        %parallel_loop3A_467 = arith.constant 2 : i32
        %parallel_loop3A_468 = arith.constant 0 : i32
        %parallel_loop3A_469 = arith.constant 0 : i32
        %parallel_loop3A_470 = arith.constant 0 : i32
        %parallel_loop3A_471 = tpu.memref_slice %arg7[%parallel_loop3A_467, %parallel_loop3A_468, %parallel_loop3A_469, %parallel_loop3A_470] : memref<4x8x8x129xf32, #tpu.memory_space<vmem>> -> memref<1x8x8x129xf32, #tpu.memory_space<vmem>>
        %parallel_loop3A_472 = tpu.memref_squeeze %parallel_loop3A_471 : memref<1x8x8x129xf32, #tpu.memory_space<vmem>> -> memref<8x8x129xf32, #tpu.memory_space<vmem>>
        tpu.vector_store_idx %parallel_loop3A_472[%shift_right_arithmetic3A_11, %and3A_34, %parallel_loop3A_450], %parallel_loop3A_466 : memref<8x8x129xf32, #tpu.memory_space<vmem>>[vector<16xi32>, vector<16xi32>, vector<16xi32>], vector<16xf32>,
        %parallel_loop3A_473 = arith.constant 2 : i32
        %parallel_loop3A_474 = arith.index_cast %parallel_loop3A_473 : i32 to index
        %parallel_loop3A_475 = arith.index_cast %parallel_loop3A_449 : i32 to index
        %parallel_loop3A_476 = arith.constant 32 : index
        %parallel_loop3A_477 = tpu.vector_load %arg6[%parallel_loop3A_474, %parallel_loop3A_475, %parallel_loop3A_476] {strides = array<i32>} : memref<4x128x64xf32, #tpu.memory_space<vmem>>, vector<16xf32>,
        %parallel_loop3A_478 = arith.constant 2 : i32
        %parallel_loop3A_479 = arith.constant 0 : i32
        %parallel_loop3A_480 = arith.constant 0 : i32
        %parallel_loop3A_481 = arith.constant 0 : i32
        %parallel_loop3A_482 = tpu.memref_slice %arg7[%parallel_loop3A_478, %parallel_loop3A_479, %parallel_loop3A_480, %parallel_loop3A_481] : memref<4x8x8x129xf32, #tpu.memory_space<vmem>> -> memref<1x8x8x129xf32, #tpu.memory_space<vmem>>
        %parallel_loop3A_483 = tpu.memref_squeeze %parallel_loop3A_482 : memref<1x8x8x129xf32, #tpu.memory_space<vmem>> -> memref<8x8x129xf32, #tpu.memory_space<vmem>>
        tpu.vector_store_idx %parallel_loop3A_483[%shift_right_arithmetic3A_17, %and3A_40, %parallel_loop3A_450], %parallel_loop3A_477 : memref<8x8x129xf32, #tpu.memory_space<vmem>>[vector<16xi32>, vector<16xi32>, vector<16xi32>], vector<16xf32>,
        %parallel_loop3A_484 = arith.constant 2 : i32
        %parallel_loop3A_485 = arith.index_cast %parallel_loop3A_484 : i32 to index
        %parallel_loop3A_486 = arith.index_cast %parallel_loop3A_449 : i32 to index
        %parallel_loop3A_487 = arith.constant 48 : index
        %parallel_loop3A_488 = tpu.vector_load %arg6[%parallel_loop3A_485, %parallel_loop3A_486, %parallel_loop3A_487] {strides = array<i32>} : memref<4x128x64xf32, #tpu.memory_space<vmem>>, vector<16xf32>,
        %parallel_loop3A_489 = arith.constant 2 : i32
        %parallel_loop3A_490 = arith.constant 0 : i32
        %parallel_loop3A_491 = arith.constant 0 : i32
        %parallel_loop3A_492 = arith.constant 0 : i32
        %parallel_loop3A_493 = tpu.memref_slice %arg7[%parallel_loop3A_489, %parallel_loop3A_490, %parallel_loop3A_491, %parallel_loop3A_492] : memref<4x8x8x129xf32, #tpu.memory_space<vmem>> -> memref<1x8x8x129xf32, #tpu.memory_space<vmem>>
        %parallel_loop3A_494 = tpu.memref_squeeze %parallel_loop3A_493 : memref<1x8x8x129xf32, #tpu.memory_space<vmem>> -> memref<8x8x129xf32, #tpu.memory_space<vmem>>
        tpu.vector_store_idx %parallel_loop3A_494[%shift_right_arithmetic3A_23, %and3A_46, %parallel_loop3A_450], %parallel_loop3A_488 : memref<8x8x129xf32, #tpu.memory_space<vmem>>[vector<16xi32>, vector<16xi32>, vector<16xi32>], vector<16xf32>,
      } {sc.loop_unroll_factor = 8 : i64, sc.parallel_access}
      %dma_start3A_359 = arith.constant 2 : i32
      %dma_start3A_360 = arith.constant 2 : i32
      %dma_start3A_361 = arith.constant 0 : i32
      %dma_start3A_362 = arith.constant 0 : i32
      %dma_start3A_363 = arith.constant 0 : i32
      %dma_start3A_364 = tpu.memref_slice %arg7[%dma_start3A_359, %dma_start3A_361, %dma_start3A_362, %dma_start3A_363] : memref<4x8x8x129xf32, #tpu.memory_space<vmem>> -> memref<1x8x8x128xf32, #tpu.memory_space<vmem>>
      %dma_start3A_365 = tpu.memref_squeeze %dma_start3A_364 : memref<1x8x8x128xf32, #tpu.memory_space<vmem>> -> memref<8x8x128xf32, #tpu.memory_space<vmem>>
      %dma_start3A_366 = arith.constant 0 : i32
      %dma_start3A_367 = arith.constant 0 : i32
      %dma_start3A_368 = arith.constant 0 : i32
      %dma_start3A_369 = tpu.memref_slice %arg4[%add3A_332, %dma_start3A_366, %add3A, %dma_start3A_367, %dma_start3A_368] : memref<200x8x32x8x128xf32, #tpu.memory_space<hbm>> -> memref<1x8x1x8x128xf32, #tpu.memory_space<hbm>>
      %dma_start3A_370 = tpu.memref_squeeze %dma_start3A_369 : memref<1x8x1x8x128xf32, #tpu.memory_space<hbm>> -> memref<8x8x128xf32, #tpu.memory_space<hbm>>
      %dma_start3A_371 = tpu.memref_slice %arg9[%dma_start3A_360] : memref<4x!tpu.dma_semaphore, #tpu.memory_space<semaphore_mem>> -> memref<1x!tpu.dma_semaphore, #tpu.memory_space<semaphore_mem>>
      %dma_start3A_372 = tpu.memref_squeeze %dma_start3A_371 : memref<1x!tpu.dma_semaphore, #tpu.memory_space<semaphore_mem>> -> memref<!tpu.dma_semaphore, #tpu.memory_space<semaphore_mem>>
      %dma_start3A_373 = arith.constant 0 : i32
      %dma_start3A_374 = arith.constant 0 : i32
      %dma_start3A_375 = arith.constant 0 : i32
      %dma_start3A_376 = tpu.memref_slice %arg4[%add3A_332, %dma_start3A_373, %add3A, %dma_start3A_374, %dma_start3A_375] : memref<200x8x32x8x128xf32, #tpu.memory_space<hbm>> -> memref<1x8x1x8x128xf32, #tpu.memory_space<hbm>>
      %dma_start3A_377 = tpu.memref_squeeze %dma_start3A_376 : memref<1x8x1x8x128xf32, #tpu.memory_space<hbm>> -> memref<8x8x128xf32, #tpu.memory_space<hbm>>
      %dma_start3A_378 = arith.constant 0 : i32
      %dma_start3A_379 = arith.constant 0 : i32
      %dma_start3A_380 = arith.constant 0 : i32
      %dma_start3A_381 = tpu.memref_slice %arg7[%dma_start3A_359, %dma_start3A_378, %dma_start3A_379, %dma_start3A_380] : memref<4x8x8x129xf32, #tpu.memory_space<vmem>> -> memref<1x8x8x128xf32, #tpu.memory_space<vmem>>
      %dma_start3A_382 = tpu.memref_squeeze %dma_start3A_381 : memref<1x8x8x128xf32, #tpu.memory_space<vmem>> -> memref<8x8x128xf32, #tpu.memory_space<vmem>>
      tpu.enqueue_dma source(%dma_start3A_382 : memref<8x8x128xf32, #tpu.memory_space<vmem>>) target(%dma_start3A_377 : memref<8x8x128xf32, #tpu.memory_space<hbm>>) target_semaphore(%dma_start3A_372 : memref<!tpu.dma_semaphore, #tpu.memory_space<semaphore_mem>>)
      %add3A_383 = arith.constant 4 : i32
      %add3A_384 = arith.addi %add3A_332, %add3A_383 : i32
      %lt3A_385 = arith.constant 200 : i32
      %lt3A_386 = arith.cmpi slt, %add3A_384, %lt3A_385 : i32
      %convert_element_type3A_387 = arith.extui %lt3A_386 : i1 to i32
      %cond3A_388 = arith.constant 0 : i32
      %cond3A_389 = arith.cmpi ne, %convert_element_type3A_387, %cond3A_388 : i32
      scf.if %cond3A_389 {
        %add3A_449 = arith.constant 4 : i32
        %add3A_450 = arith.addi %add3A_332, %add3A_449 : i32
        %shift_right_arithmetic3A_451 = arith.constant 3 : i32
        %shift_right_arithmetic3A_452 = arith.shrsi %add3A_450, %shift_right_arithmetic3A_451 : i32
        %and3A_453 = arith.constant 7 : i32
        %and3A_454 = arith.andi %add3A_450, %and3A_453 : i32
        %dma_start3A_455 = arith.constant 2 : i32
        %dma_start3A_456 = arith.constant 2 : i32
        %dma_start3A_457 = arith.constant 0 : i32
        %dma_start3A_458 = arith.constant 0 : i32
        %dma_start3A_459 = tpu.memref_slice %arg6[%dma_start3A_455, %dma_start3A_457, %dma_start3A_458] : memref<4x128x64xf32, #tpu.memory_space<vmem>> -> memref<1x128x64xf32, #tpu.memory_space<vmem>>
        %dma_start3A_460 = tpu.memref_squeeze %dma_start3A_459 : memref<1x128x64xf32, #tpu.memory_space<vmem>> -> memref<128x64xf32, #tpu.memory_space<vmem>>
        %dma_start3A_461 = arith.constant 0 : i32
        %dma_start3A_462 = tpu.memref_slice %arg5[%shift_right_arithmetic3A_452, %and3A_454, %dma_start3A_461] : memref<25x8x128xi32, #tpu.memory_space<vmem>> -> memref<1x1x128xi32, #tpu.memory_space<vmem>>
        %dma_start3A_463 = tpu.memref_squeeze %dma_start3A_462 : memref<1x1x128xi32, #tpu.memory_space<vmem>> -> memref<128xi32, #tpu.memory_space<vmem>>
        %dma_start3A_464 = arith.constant 0 : i32
        %dma_start3A_465 = arith.constant 0 : i32
        %dma_start3A_466 = tpu.memref_slice %arg2[%dma_start3A_464, %dma_start3A_465] : memref<100000x64xf32, #tpu.memory_space<hbm>> -> memref<100000x64xf32, #tpu.memory_space<hbm>>
        %dma_start3A_467 = tpu.memref_slice %arg8[%dma_start3A_456] : memref<4x!tpu.dma_semaphore, #tpu.memory_space<semaphore_mem>> -> memref<1x!tpu.dma_semaphore, #tpu.memory_space<semaphore_mem>>
        %dma_start3A_468 = tpu.memref_squeeze %dma_start3A_467 : memref<1x!tpu.dma_semaphore, #tpu.memory_space<semaphore_mem>> -> memref<!tpu.dma_semaphore, #tpu.memory_space<semaphore_mem>>
        tpu.enqueue_indirect_dma source(%dma_start3A_466 : memref<100000x64xf32, #tpu.memory_space<hbm>>) target(%dma_start3A_460 : memref<128x64xf32, #tpu.memory_space<vmem>>) offsets(%dma_start3A_463 : memref<128xi32, #tpu.memory_space<vmem>>) semaphore(%dma_start3A_468 : memref<!tpu.dma_semaphore, #tpu.memory_space<semaphore_mem>>)
      } else {
      }
      %add3A_390 = arith.constant 3 : i32
      %add3A_391 = arith.addi %add3A_217, %add3A_390 : i32
      %shift_right_arithmetic3A_392 = arith.constant 3 : i32
      %shift_right_arithmetic3A_393 = arith.shrsi %add3A_391, %shift_right_arithmetic3A_392 : i32
      %and3A_394 = arith.constant 7 : i32
      %and3A_395 = arith.andi %add3A_391, %and3A_394 : i32
      %dma_wait3A_396 = arith.constant 3 : i32
      %dma_wait3A_397 = arith.constant 3 : i32
      %dma_wait3A_398 = arith.constant 0 : i32
      %dma_wait3A_399 = arith.constant 0 : i32
      %dma_wait3A_400 = tpu.memref_slice %arg6[%dma_wait3A_396, %dma_wait3A_398, %dma_wait3A_399] : memref<4x128x64xf32, #tpu.memory_space<vmem>> -> memref<1x128x64xf32, #tpu.memory_space<vmem>>
      %dma_wait3A_401 = tpu.memref_squeeze %dma_wait3A_400 : memref<1x128x64xf32, #tpu.memory_space<vmem>> -> memref<128x64xf32, #tpu.memory_space<vmem>>
      %dma_wait3A_402 = arith.constant 0 : i32
      %dma_wait3A_403 = tpu.memref_slice %arg5[%shift_right_arithmetic3A_393, %and3A_395, %dma_wait3A_402] : memref<25x8x128xi32, #tpu.memory_space<vmem>> -> memref<1x1x128xi32, #tpu.memory_space<vmem>>
      %dma_wait3A_404 = tpu.memref_squeeze %dma_wait3A_403 : memref<1x1x128xi32, #tpu.memory_space<vmem>> -> memref<128xi32, #tpu.memory_space<vmem>>
      %dma_wait3A_405 = arith.constant 0 : i32
      %dma_wait3A_406 = arith.constant 0 : i32
      %dma_wait3A_407 = tpu.memref_slice %arg2[%dma_wait3A_405, %dma_wait3A_406] : memref<100000x64xf32, #tpu.memory_space<hbm>> -> memref<100000x64xf32, #tpu.memory_space<hbm>>
      %dma_wait3A_408 = tpu.memref_slice %arg8[%dma_wait3A_397] : memref<4x!tpu.dma_semaphore, #tpu.memory_space<semaphore_mem>> -> memref<1x!tpu.dma_semaphore, #tpu.memory_space<semaphore_mem>>
      %dma_wait3A_409 = tpu.memref_squeeze %dma_wait3A_408 : memref<1x!tpu.dma_semaphore, #tpu.memory_space<semaphore_mem>> -> memref<!tpu.dma_semaphore, #tpu.memory_space<semaphore_mem>>
      tpu.wait_indirect_dma semaphore(%dma_wait3A_409 : memref<!tpu.dma_semaphore, #tpu.memory_space<semaphore_mem>>) src(%dma_wait3A_407 : memref<100000x64xf32, #tpu.memory_space<hbm>>) dst(%dma_wait3A_401 : memref<128x64xf32, #tpu.memory_space<vmem>>)
      %ge3A_410 = arith.constant 4 : i32
      %ge3A_411 = arith.cmpi sge, %add3A_391, %ge3A_410 : i32
      %convert_element_type3A_412 = arith.extui %ge3A_411 : i1 to i32
      %cond3A_413 = arith.constant 0 : i32
      %cond3A_414 = arith.cmpi ne, %convert_element_type3A_412, %cond3A_413 : i32
      scf.if %cond3A_414 {
        %sub3A = arith.constant 4 : i32
        %sub3A_449 = arith.subi %add3A_391, %sub3A : i32
        %dma_wait3A_450 = arith.constant 3 : i32
        %dma_wait3A_451 = arith.constant 3 : i32
        %dma_wait3A_452 = arith.constant 0 : i32
        %dma_wait3A_453 = arith.constant 0 : i32
        %dma_wait3A_454 = arith.constant 0 : i32
        %dma_wait3A_455 = tpu.memref_slice %arg7[%dma_wait3A_450, %dma_wait3A_452, %dma_wait3A_453, %dma_wait3A_454] : memref<4x8x8x129xf32, #tpu.memory_space<vmem>> -> memref<1x8x8x128xf32, #tpu.memory_space<vmem>>
        %dma_wait3A_456 = tpu.memref_squeeze %dma_wait3A_455 : memref<1x8x8x128xf32, #tpu.memory_space<vmem>> -> memref<8x8x128xf32, #tpu.memory_space<vmem>>
        %dma_wait3A_457 = arith.constant 0 : i32
        %dma_wait3A_458 = arith.constant 0 : i32
        %dma_wait3A_459 = arith.constant 0 : i32
        %dma_wait3A_460 = tpu.memref_slice %arg4[%sub3A_449, %dma_wait3A_457, %add3A, %dma_wait3A_458, %dma_wait3A_459] : memref<200x8x32x8x128xf32, #tpu.memory_space<hbm>> -> memref<1x8x1x8x128xf32, #tpu.memory_space<hbm>>
        %dma_wait3A_461 = tpu.memref_squeeze %dma_wait3A_460 : memref<1x8x1x8x128xf32, #tpu.memory_space<hbm>> -> memref<8x8x128xf32, #tpu.memory_space<hbm>>
        %dma_wait3A_462 = tpu.memref_slice %arg9[%dma_wait3A_451] : memref<4x!tpu.dma_semaphore, #tpu.memory_space<semaphore_mem>> -> memref<1x!tpu.dma_semaphore, #tpu.memory_space<semaphore_mem>>
        %dma_wait3A_463 = tpu.memref_squeeze %dma_wait3A_462 : memref<1x!tpu.dma_semaphore, #tpu.memory_space<semaphore_mem>> -> memref<!tpu.dma_semaphore, #tpu.memory_space<semaphore_mem>>
        %dma_wait3A_464 = arith.constant 0 : i32
        %dma_wait3A_465 = arith.constant 0 : i32
        %dma_wait3A_466 = arith.constant 0 : i32
        %dma_wait3A_467 = tpu.memref_slice %arg4[%sub3A_449, %dma_wait3A_464, %add3A, %dma_wait3A_465, %dma_wait3A_466] : memref<200x8x32x8x128xf32, #tpu.memory_space<hbm>> -> memref<1x8x1x8x128xf32, #tpu.memory_space<hbm>>
        %dma_wait3A_468 = tpu.memref_squeeze %dma_wait3A_467 : memref<1x8x1x8x128xf32, #tpu.memory_space<hbm>> -> memref<8x8x128xf32, #tpu.memory_space<hbm>>
        %dma_wait3A_469 = arith.constant 0 : i32
        %dma_wait3A_470 = arith.constant 0 : i32
        %dma_wait3A_471 = arith.constant 0 : i32
        %dma_wait3A_472 = tpu.memref_slice %arg7[%dma_wait3A_450, %dma_wait3A_469, %dma_wait3A_470, %dma_wait3A_471] : memref<4x8x8x129xf32, #tpu.memory_space<vmem>> -> memref<1x8x8x128xf32, #tpu.memory_space<vmem>>
        %dma_wait3A_473 = tpu.memref_squeeze %dma_wait3A_472 : memref<1x8x8x128xf32, #tpu.memory_space<vmem>> -> memref<8x8x128xf32, #tpu.memory_space<vmem>>
        tpu.wait_dma2 semaphore(%dma_wait3A_463 : memref<!tpu.dma_semaphore, #tpu.memory_space<semaphore_mem>>) src(%dma_wait3A_473 : memref<8x8x128xf32, #tpu.memory_space<vmem>>) dst(%dma_wait3A_468 : memref<8x8x128xf32, #tpu.memory_space<hbm>>)
      } else {
      }
      %parallel_loop3A_415 = arith.constant 0 : i32
      %parallel_loop3A_416 = arith.constant 128 : i32
      %parallel_loop3A_417 = arith.constant 1 : i32
      scf.for %parallel_loop3A_449 = %parallel_loop3A_415 to %parallel_loop3A_416 step %parallel_loop3A_417  : i32 {
        %parallel_loop3A_450 = vector.broadcast %parallel_loop3A_449 : i32 to vector<16xi32>
        %parallel_loop3A_451 = arith.constant 3 : i32
        %parallel_loop3A_452 = arith.index_cast %parallel_loop3A_451 : i32 to index
        %parallel_loop3A_453 = arith.index_cast %parallel_loop3A_449 : i32 to index
        %parallel_loop3A_454 = arith.constant 0 : index
        %parallel_loop3A_455 = tpu.vector_load %arg6[%parallel_loop3A_452, %parallel_loop3A_453, %parallel_loop3A_454] {strides = array<i32>} : memref<4x128x64xf32, #tpu.memory_space<vmem>>, vector<16xf32>,
        %parallel_loop3A_456 = arith.constant 3 : i32
        %parallel_loop3A_457 = arith.constant 0 : i32
        %parallel_loop3A_458 = arith.constant 0 : i32
        %parallel_loop3A_459 = arith.constant 0 : i32
        %parallel_loop3A_460 = tpu.memref_slice %arg7[%parallel_loop3A_456, %parallel_loop3A_457, %parallel_loop3A_458, %parallel_loop3A_459] : memref<4x8x8x129xf32, #tpu.memory_space<vmem>> -> memref<1x8x8x129xf32, #tpu.memory_space<vmem>>
        %parallel_loop3A_461 = tpu.memref_squeeze %parallel_loop3A_460 : memref<1x8x8x129xf32, #tpu.memory_space<vmem>> -> memref<8x8x129xf32, #tpu.memory_space<vmem>>
        tpu.vector_store_idx %parallel_loop3A_461[%shift_right_arithmetic3A_5, %and3A_28, %parallel_loop3A_450], %parallel_loop3A_455 : memref<8x8x129xf32, #tpu.memory_space<vmem>>[vector<16xi32>, vector<16xi32>, vector<16xi32>], vector<16xf32>,
        %parallel_loop3A_462 = arith.constant 3 : i32
        %parallel_loop3A_463 = arith.index_cast %parallel_loop3A_462 : i32 to index
        %parallel_loop3A_464 = arith.index_cast %parallel_loop3A_449 : i32 to index
        %parallel_loop3A_465 = arith.constant 16 : index
        %parallel_loop3A_466 = tpu.vector_load %arg6[%parallel_loop3A_463, %parallel_loop3A_464, %parallel_loop3A_465] {strides = array<i32>} : memref<4x128x64xf32, #tpu.memory_space<vmem>>, vector<16xf32>,
        %parallel_loop3A_467 = arith.constant 3 : i32
        %parallel_loop3A_468 = arith.constant 0 : i32
        %parallel_loop3A_469 = arith.constant 0 : i32
        %parallel_loop3A_470 = arith.constant 0 : i32
        %parallel_loop3A_471 = tpu.memref_slice %arg7[%parallel_loop3A_467, %parallel_loop3A_468, %parallel_loop3A_469, %parallel_loop3A_470] : memref<4x8x8x129xf32, #tpu.memory_space<vmem>> -> memref<1x8x8x129xf32, #tpu.memory_space<vmem>>
        %parallel_loop3A_472 = tpu.memref_squeeze %parallel_loop3A_471 : memref<1x8x8x129xf32, #tpu.memory_space<vmem>> -> memref<8x8x129xf32, #tpu.memory_space<vmem>>
        tpu.vector_store_idx %parallel_loop3A_472[%shift_right_arithmetic3A_11, %and3A_34, %parallel_loop3A_450], %parallel_loop3A_466 : memref<8x8x129xf32, #tpu.memory_space<vmem>>[vector<16xi32>, vector<16xi32>, vector<16xi32>], vector<16xf32>,
        %parallel_loop3A_473 = arith.constant 3 : i32
        %parallel_loop3A_474 = arith.index_cast %parallel_loop3A_473 : i32 to index
        %parallel_loop3A_475 = arith.index_cast %parallel_loop3A_449 : i32 to index
        %parallel_loop3A_476 = arith.constant 32 : index
        %parallel_loop3A_477 = tpu.vector_load %arg6[%parallel_loop3A_474, %parallel_loop3A_475, %parallel_loop3A_476] {strides = array<i32>} : memref<4x128x64xf32, #tpu.memory_space<vmem>>, vector<16xf32>,
        %parallel_loop3A_478 = arith.constant 3 : i32
        %parallel_loop3A_479 = arith.constant 0 : i32
        %parallel_loop3A_480 = arith.constant 0 : i32
        %parallel_loop3A_481 = arith.constant 0 : i32
        %parallel_loop3A_482 = tpu.memref_slice %arg7[%parallel_loop3A_478, %parallel_loop3A_479, %parallel_loop3A_480, %parallel_loop3A_481] : memref<4x8x8x129xf32, #tpu.memory_space<vmem>> -> memref<1x8x8x129xf32, #tpu.memory_space<vmem>>
        %parallel_loop3A_483 = tpu.memref_squeeze %parallel_loop3A_482 : memref<1x8x8x129xf32, #tpu.memory_space<vmem>> -> memref<8x8x129xf32, #tpu.memory_space<vmem>>
        tpu.vector_store_idx %parallel_loop3A_483[%shift_right_arithmetic3A_17, %and3A_40, %parallel_loop3A_450], %parallel_loop3A_477 : memref<8x8x129xf32, #tpu.memory_space<vmem>>[vector<16xi32>, vector<16xi32>, vector<16xi32>], vector<16xf32>,
        %parallel_loop3A_484 = arith.constant 3 : i32
        %parallel_loop3A_485 = arith.index_cast %parallel_loop3A_484 : i32 to index
        %parallel_loop3A_486 = arith.index_cast %parallel_loop3A_449 : i32 to index
        %parallel_loop3A_487 = arith.constant 48 : index
        %parallel_loop3A_488 = tpu.vector_load %arg6[%parallel_loop3A_485, %parallel_loop3A_486, %parallel_loop3A_487] {strides = array<i32>} : memref<4x128x64xf32, #tpu.memory_space<vmem>>, vector<16xf32>,
        %parallel_loop3A_489 = arith.constant 3 : i32
        %parallel_loop3A_490 = arith.constant 0 : i32
        %parallel_loop3A_491 = arith.constant 0 : i32
        %parallel_loop3A_492 = arith.constant 0 : i32
        %parallel_loop3A_493 = tpu.memref_slice %arg7[%parallel_loop3A_489, %parallel_loop3A_490, %parallel_loop3A_491, %parallel_loop3A_492] : memref<4x8x8x129xf32, #tpu.memory_space<vmem>> -> memref<1x8x8x129xf32, #tpu.memory_space<vmem>>
        %parallel_loop3A_494 = tpu.memref_squeeze %parallel_loop3A_493 : memref<1x8x8x129xf32, #tpu.memory_space<vmem>> -> memref<8x8x129xf32, #tpu.memory_space<vmem>>
        tpu.vector_store_idx %parallel_loop3A_494[%shift_right_arithmetic3A_23, %and3A_46, %parallel_loop3A_450], %parallel_loop3A_488 : memref<8x8x129xf32, #tpu.memory_space<vmem>>[vector<16xi32>, vector<16xi32>, vector<16xi32>], vector<16xf32>,
      } {sc.loop_unroll_factor = 8 : i64, sc.parallel_access}
      %dma_start3A_418 = arith.constant 3 : i32
      %dma_start3A_419 = arith.constant 3 : i32
      %dma_start3A_420 = arith.constant 0 : i32
      %dma_start3A_421 = arith.constant 0 : i32
      %dma_start3A_422 = arith.constant 0 : i32
      %dma_start3A_423 = tpu.memref_slice %arg7[%dma_start3A_418, %dma_start3A_420, %dma_start3A_421, %dma_start3A_422] : memref<4x8x8x129xf32, #tpu.memory_space<vmem>> -> memref<1x8x8x128xf32, #tpu.memory_space<vmem>>
      %dma_start3A_424 = tpu.memref_squeeze %dma_start3A_423 : memref<1x8x8x128xf32, #tpu.memory_space<vmem>> -> memref<8x8x128xf32, #tpu.memory_space<vmem>>
      %dma_start3A_425 = arith.constant 0 : i32
      %dma_start3A_426 = arith.constant 0 : i32
      %dma_start3A_427 = arith.constant 0 : i32
      %dma_start3A_428 = tpu.memref_slice %arg4[%add3A_391, %dma_start3A_425, %add3A, %dma_start3A_426, %dma_start3A_427] : memref<200x8x32x8x128xf32, #tpu.memory_space<hbm>> -> memref<1x8x1x8x128xf32, #tpu.memory_space<hbm>>
      %dma_start3A_429 = tpu.memref_squeeze %dma_start3A_428 : memref<1x8x1x8x128xf32, #tpu.memory_space<hbm>> -> memref<8x8x128xf32, #tpu.memory_space<hbm>>
      %dma_start3A_430 = tpu.memref_slice %arg9[%dma_start3A_419] : memref<4x!tpu.dma_semaphore, #tpu.memory_space<semaphore_mem>> -> memref<1x!tpu.dma_semaphore, #tpu.memory_space<semaphore_mem>>
      %dma_start3A_431 = tpu.memref_squeeze %dma_start3A_430 : memref<1x!tpu.dma_semaphore, #tpu.memory_space<semaphore_mem>> -> memref<!tpu.dma_semaphore, #tpu.memory_space<semaphore_mem>>
      %dma_start3A_432 = arith.constant 0 : i32
      %dma_start3A_433 = arith.constant 0 : i32
      %dma_start3A_434 = arith.constant 0 : i32
      %dma_start3A_435 = tpu.memref_slice %arg4[%add3A_391, %dma_start3A_432, %add3A, %dma_start3A_433, %dma_start3A_434] : memref<200x8x32x8x128xf32, #tpu.memory_space<hbm>> -> memref<1x8x1x8x128xf32, #tpu.memory_space<hbm>>
      %dma_start3A_436 = tpu.memref_squeeze %dma_start3A_435 : memref<1x8x1x8x128xf32, #tpu.memory_space<hbm>> -> memref<8x8x128xf32, #tpu.memory_space<hbm>>
      %dma_start3A_437 = arith.constant 0 : i32
      %dma_start3A_438 = arith.constant 0 : i32
      %dma_start3A_439 = arith.constant 0 : i32
      %dma_start3A_440 = tpu.memref_slice %arg7[%dma_start3A_418, %dma_start3A_437, %dma_start3A_438, %dma_start3A_439] : memref<4x8x8x129xf32, #tpu.memory_space<vmem>> -> memref<1x8x8x128xf32, #tpu.memory_space<vmem>>
      %dma_start3A_441 = tpu.memref_squeeze %dma_start3A_440 : memref<1x8x8x128xf32, #tpu.memory_space<vmem>> -> memref<8x8x128xf32, #tpu.memory_space<vmem>>
      tpu.enqueue_dma source(%dma_start3A_441 : memref<8x8x128xf32, #tpu.memory_space<vmem>>) target(%dma_start3A_436 : memref<8x8x128xf32, #tpu.memory_space<hbm>>) target_semaphore(%dma_start3A_431 : memref<!tpu.dma_semaphore, #tpu.memory_space<semaphore_mem>>)
      %add3A_442 = arith.constant 4 : i32
      %add3A_443 = arith.addi %add3A_391, %add3A_442 : i32
      %lt3A_444 = arith.constant 200 : i32
      %lt3A_445 = arith.cmpi slt, %add3A_443, %lt3A_444 : i32
      %convert_element_type3A_446 = arith.extui %lt3A_445 : i1 to i32
      %cond3A_447 = arith.constant 0 : i32
      %cond3A_448 = arith.cmpi ne, %convert_element_type3A_446, %cond3A_447 : i32
      scf.if %cond3A_448 {
        %add3A_449 = arith.constant 4 : i32
        %add3A_450 = arith.addi %add3A_391, %add3A_449 : i32
        %shift_right_arithmetic3A_451 = arith.constant 3 : i32
        %shift_right_arithmetic3A_452 = arith.shrsi %add3A_450, %shift_right_arithmetic3A_451 : i32
        %and3A_453 = arith.constant 7 : i32
        %and3A_454 = arith.andi %add3A_450, %and3A_453 : i32
        %dma_start3A_455 = arith.constant 3 : i32
        %dma_start3A_456 = arith.constant 3 : i32
        %dma_start3A_457 = arith.constant 0 : i32
        %dma_start3A_458 = arith.constant 0 : i32
        %dma_start3A_459 = tpu.memref_slice %arg6[%dma_start3A_455, %dma_start3A_457, %dma_start3A_458] : memref<4x128x64xf32, #tpu.memory_space<vmem>> -> memref<1x128x64xf32, #tpu.memory_space<vmem>>
        %dma_start3A_460 = tpu.memref_squeeze %dma_start3A_459 : memref<1x128x64xf32, #tpu.memory_space<vmem>> -> memref<128x64xf32, #tpu.memory_space<vmem>>
        %dma_start3A_461 = arith.constant 0 : i32
        %dma_start3A_462 = tpu.memref_slice %arg5[%shift_right_arithmetic3A_452, %and3A_454, %dma_start3A_461] : memref<25x8x128xi32, #tpu.memory_space<vmem>> -> memref<1x1x128xi32, #tpu.memory_space<vmem>>
        %dma_start3A_463 = tpu.memref_squeeze %dma_start3A_462 : memref<1x1x128xi32, #tpu.memory_space<vmem>> -> memref<128xi32, #tpu.memory_space<vmem>>
        %dma_start3A_464 = arith.constant 0 : i32
        %dma_start3A_465 = arith.constant 0 : i32
        %dma_start3A_466 = tpu.memref_slice %arg2[%dma_start3A_464, %dma_start3A_465] : memref<100000x64xf32, #tpu.memory_space<hbm>> -> memref<100000x64xf32, #tpu.memory_space<hbm>>
        %dma_start3A_467 = tpu.memref_slice %arg8[%dma_start3A_456] : memref<4x!tpu.dma_semaphore, #tpu.memory_space<semaphore_mem>> -> memref<1x!tpu.dma_semaphore, #tpu.memory_space<semaphore_mem>>
        %dma_start3A_468 = tpu.memref_squeeze %dma_start3A_467 : memref<1x!tpu.dma_semaphore, #tpu.memory_space<semaphore_mem>> -> memref<!tpu.dma_semaphore, #tpu.memory_space<semaphore_mem>>
        tpu.enqueue_indirect_dma source(%dma_start3A_466 : memref<100000x64xf32, #tpu.memory_space<hbm>>) target(%dma_start3A_460 : memref<128x64xf32, #tpu.memory_space<vmem>>) offsets(%dma_start3A_463 : memref<128xi32, #tpu.memory_space<vmem>>) semaphore(%dma_start3A_468 : memref<!tpu.dma_semaphore, #tpu.memory_space<semaphore_mem>>)
      } else {
      }
    }
    %scan3A_113 = arith.constant 50 : i32
    %dma_wait3A = arith.constant 0 : i32
    %dma_wait3A_114 = arith.constant 196 : i32
    %dma_wait3A_115 = arith.constant 0 : i32
    %dma_wait3A_116 = arith.constant 0 : i32
    %dma_wait3A_117 = arith.constant 0 : i32
    %dma_wait3A_118 = arith.constant 0 : i32
    %dma_wait3A_119 = tpu.memref_slice %arg7[%dma_wait3A, %dma_wait3A_116, %dma_wait3A_117, %dma_wait3A_118] : memref<4x8x8x129xf32, #tpu.memory_space<vmem>> -> memref<1x8x8x128xf32, #tpu.memory_space<vmem>>
    %dma_wait3A_120 = tpu.memref_squeeze %dma_wait3A_119 : memref<1x8x8x128xf32, #tpu.memory_space<vmem>> -> memref<8x8x128xf32, #tpu.memory_space<vmem>>
    %dma_wait3A_121 = arith.constant 0 : i32
    %dma_wait3A_122 = arith.constant 0 : i32
    %dma_wait3A_123 = arith.constant 0 : i32
    %dma_wait3A_124 = tpu.memref_slice %arg4[%dma_wait3A_114, %dma_wait3A_121, %add3A, %dma_wait3A_122, %dma_wait3A_123] : memref<200x8x32x8x128xf32, #tpu.memory_space<hbm>> -> memref<1x8x1x8x128xf32, #tpu.memory_space<hbm>>
    %dma_wait3A_125 = tpu.memref_squeeze %dma_wait3A_124 : memref<1x8x1x8x128xf32, #tpu.memory_space<hbm>> -> memref<8x8x128xf32, #tpu.memory_space<hbm>>
    %dma_wait3A_126 = tpu.memref_slice %arg9[%dma_wait3A_115] : memref<4x!tpu.dma_semaphore, #tpu.memory_space<semaphore_mem>> -> memref<1x!tpu.dma_semaphore, #tpu.memory_space<semaphore_mem>>
    %dma_wait3A_127 = tpu.memref_squeeze %dma_wait3A_126 : memref<1x!tpu.dma_semaphore, #tpu.memory_space<semaphore_mem>> -> memref<!tpu.dma_semaphore, #tpu.memory_space<semaphore_mem>>
    %dma_wait3A_128 = arith.constant 0 : i32
    %dma_wait3A_129 = arith.constant 0 : i32
    %dma_wait3A_130 = arith.constant 0 : i32
    %dma_wait3A_131 = tpu.memref_slice %arg4[%dma_wait3A_114, %dma_wait3A_128, %add3A, %dma_wait3A_129, %dma_wait3A_130] : memref<200x8x32x8x128xf32, #tpu.memory_space<hbm>> -> memref<1x8x1x8x128xf32, #tpu.memory_space<hbm>>
    %dma_wait3A_132 = tpu.memref_squeeze %dma_wait3A_131 : memref<1x8x1x8x128xf32, #tpu.memory_space<hbm>> -> memref<8x8x128xf32, #tpu.memory_space<hbm>>
    %dma_wait3A_133 = arith.constant 0 : i32
    %dma_wait3A_134 = arith.constant 0 : i32
    %dma_wait3A_135 = arith.constant 0 : i32
    %dma_wait3A_136 = tpu.memref_slice %arg7[%dma_wait3A, %dma_wait3A_133, %dma_wait3A_134, %dma_wait3A_135] : memref<4x8x8x129xf32, #tpu.memory_space<vmem>> -> memref<1x8x8x128xf32, #tpu.memory_space<vmem>>
    %dma_wait3A_137 = tpu.memref_squeeze %dma_wait3A_136 : memref<1x8x8x128xf32, #tpu.memory_space<vmem>> -> memref<8x8x128xf32, #tpu.memory_space<vmem>>
    tpu.wait_dma2 semaphore(%dma_wait3A_127 : memref<!tpu.dma_semaphore, #tpu.memory_space<semaphore_mem>>) src(%dma_wait3A_137 : memref<8x8x128xf32, #tpu.memory_space<vmem>>) dst(%dma_wait3A_132 : memref<8x8x128xf32, #tpu.memory_space<hbm>>)
    %dma_wait3A_138 = arith.constant 1 : i32
    %dma_wait3A_139 = arith.constant 197 : i32
    %dma_wait3A_140 = arith.constant 1 : i32
    %dma_wait3A_141 = arith.constant 0 : i32
    %dma_wait3A_142 = arith.constant 0 : i32
    %dma_wait3A_143 = arith.constant 0 : i32
    %dma_wait3A_144 = tpu.memref_slice %arg7[%dma_wait3A_138, %dma_wait3A_141, %dma_wait3A_142, %dma_wait3A_143] : memref<4x8x8x129xf32, #tpu.memory_space<vmem>> -> memref<1x8x8x128xf32, #tpu.memory_space<vmem>>
    %dma_wait3A_145 = tpu.memref_squeeze %dma_wait3A_144 : memref<1x8x8x128xf32, #tpu.memory_space<vmem>> -> memref<8x8x128xf32, #tpu.memory_space<vmem>>
    %dma_wait3A_146 = arith.constant 0 : i32
    %dma_wait3A_147 = arith.constant 0 : i32
    %dma_wait3A_148 = arith.constant 0 : i32
    %dma_wait3A_149 = tpu.memref_slice %arg4[%dma_wait3A_139, %dma_wait3A_146, %add3A, %dma_wait3A_147, %dma_wait3A_148] : memref<200x8x32x8x128xf32, #tpu.memory_space<hbm>> -> memref<1x8x1x8x128xf32, #tpu.memory_space<hbm>>
    %dma_wait3A_150 = tpu.memref_squeeze %dma_wait3A_149 : memref<1x8x1x8x128xf32, #tpu.memory_space<hbm>> -> memref<8x8x128xf32, #tpu.memory_space<hbm>>
    %dma_wait3A_151 = tpu.memref_slice %arg9[%dma_wait3A_140] : memref<4x!tpu.dma_semaphore, #tpu.memory_space<semaphore_mem>> -> memref<1x!tpu.dma_semaphore, #tpu.memory_space<semaphore_mem>>
    %dma_wait3A_152 = tpu.memref_squeeze %dma_wait3A_151 : memref<1x!tpu.dma_semaphore, #tpu.memory_space<semaphore_mem>> -> memref<!tpu.dma_semaphore, #tpu.memory_space<semaphore_mem>>
    %dma_wait3A_153 = arith.constant 0 : i32
    %dma_wait3A_154 = arith.constant 0 : i32
    %dma_wait3A_155 = arith.constant 0 : i32
    %dma_wait3A_156 = tpu.memref_slice %arg4[%dma_wait3A_139, %dma_wait3A_153, %add3A, %dma_wait3A_154, %dma_wait3A_155] : memref<200x8x32x8x128xf32, #tpu.memory_space<hbm>> -> memref<1x8x1x8x128xf32, #tpu.memory_space<hbm>>
    %dma_wait3A_157 = tpu.memref_squeeze %dma_wait3A_156 : memref<1x8x1x8x128xf32, #tpu.memory_space<hbm>> -> memref<8x8x128xf32, #tpu.memory_space<hbm>>
    %dma_wait3A_158 = arith.constant 0 : i32
    %dma_wait3A_159 = arith.constant 0 : i32
    %dma_wait3A_160 = arith.constant 0 : i32
    %dma_wait3A_161 = tpu.memref_slice %arg7[%dma_wait3A_138, %dma_wait3A_158, %dma_wait3A_159, %dma_wait3A_160] : memref<4x8x8x129xf32, #tpu.memory_space<vmem>> -> memref<1x8x8x128xf32, #tpu.memory_space<vmem>>
    %dma_wait3A_162 = tpu.memref_squeeze %dma_wait3A_161 : memref<1x8x8x128xf32, #tpu.memory_space<vmem>> -> memref<8x8x128xf32, #tpu.memory_space<vmem>>
    tpu.wait_dma2 semaphore(%dma_wait3A_152 : memref<!tpu.dma_semaphore, #tpu.memory_space<semaphore_mem>>) src(%dma_wait3A_162 : memref<8x8x128xf32, #tpu.memory_space<vmem>>) dst(%dma_wait3A_157 : memref<8x8x128xf32, #tpu.memory_space<hbm>>)
    %dma_wait3A_163 = arith.constant 2 : i32
    %dma_wait3A_164 = arith.constant 198 : i32
    %dma_wait3A_165 = arith.constant 2 : i32
    %dma_wait3A_166 = arith.constant 0 : i32
    %dma_wait3A_167 = arith.constant 0 : i32
    %dma_wait3A_168 = arith.constant 0 : i32
    %dma_wait3A_169 = tpu.memref_slice %arg7[%dma_wait3A_163, %dma_wait3A_166, %dma_wait3A_167, %dma_wait3A_168] : memref<4x8x8x129xf32, #tpu.memory_space<vmem>> -> memref<1x8x8x128xf32, #tpu.memory_space<vmem>>
    %dma_wait3A_170 = tpu.memref_squeeze %dma_wait3A_169 : memref<1x8x8x128xf32, #tpu.memory_space<vmem>> -> memref<8x8x128xf32, #tpu.memory_space<vmem>>
    %dma_wait3A_171 = arith.constant 0 : i32
    %dma_wait3A_172 = arith.constant 0 : i32
    %dma_wait3A_173 = arith.constant 0 : i32
    %dma_wait3A_174 = tpu.memref_slice %arg4[%dma_wait3A_164, %dma_wait3A_171, %add3A, %dma_wait3A_172, %dma_wait3A_173] : memref<200x8x32x8x128xf32, #tpu.memory_space<hbm>> -> memref<1x8x1x8x128xf32, #tpu.memory_space<hbm>>
    %dma_wait3A_175 = tpu.memref_squeeze %dma_wait3A_174 : memref<1x8x1x8x128xf32, #tpu.memory_space<hbm>> -> memref<8x8x128xf32, #tpu.memory_space<hbm>>
    %dma_wait3A_176 = tpu.memref_slice %arg9[%dma_wait3A_165] : memref<4x!tpu.dma_semaphore, #tpu.memory_space<semaphore_mem>> -> memref<1x!tpu.dma_semaphore, #tpu.memory_space<semaphore_mem>>
    %dma_wait3A_177 = tpu.memref_squeeze %dma_wait3A_176 : memref<1x!tpu.dma_semaphore, #tpu.memory_space<semaphore_mem>> -> memref<!tpu.dma_semaphore, #tpu.memory_space<semaphore_mem>>
    %dma_wait3A_178 = arith.constant 0 : i32
    %dma_wait3A_179 = arith.constant 0 : i32
    %dma_wait3A_180 = arith.constant 0 : i32
    %dma_wait3A_181 = tpu.memref_slice %arg4[%dma_wait3A_164, %dma_wait3A_178, %add3A, %dma_wait3A_179, %dma_wait3A_180] : memref<200x8x32x8x128xf32, #tpu.memory_space<hbm>> -> memref<1x8x1x8x128xf32, #tpu.memory_space<hbm>>
    %dma_wait3A_182 = tpu.memref_squeeze %dma_wait3A_181 : memref<1x8x1x8x128xf32, #tpu.memory_space<hbm>> -> memref<8x8x128xf32, #tpu.memory_space<hbm>>
    %dma_wait3A_183 = arith.constant 0 : i32
    %dma_wait3A_184 = arith.constant 0 : i32
    %dma_wait3A_185 = arith.constant 0 : i32
    %dma_wait3A_186 = tpu.memref_slice %arg7[%dma_wait3A_163, %dma_wait3A_183, %dma_wait3A_184, %dma_wait3A_185] : memref<4x8x8x129xf32, #tpu.memory_space<vmem>> -> memref<1x8x8x128xf32, #tpu.memory_space<vmem>>
    %dma_wait3A_187 = tpu.memref_squeeze %dma_wait3A_186 : memref<1x8x8x128xf32, #tpu.memory_space<vmem>> -> memref<8x8x128xf32, #tpu.memory_space<vmem>>
    tpu.wait_dma2 semaphore(%dma_wait3A_177 : memref<!tpu.dma_semaphore, #tpu.memory_space<semaphore_mem>>) src(%dma_wait3A_187 : memref<8x8x128xf32, #tpu.memory_space<vmem>>) dst(%dma_wait3A_182 : memref<8x8x128xf32, #tpu.memory_space<hbm>>)
    %dma_wait3A_188 = arith.constant 3 : i32
    %dma_wait3A_189 = arith.constant 199 : i32
    %dma_wait3A_190 = arith.constant 3 : i32
    %dma_wait3A_191 = arith.constant 0 : i32
    %dma_wait3A_192 = arith.constant 0 : i32
    %dma_wait3A_193 = arith.constant 0 : i32
    %dma_wait3A_194 = tpu.memref_slice %arg7[%dma_wait3A_188, %dma_wait3A_191, %dma_wait3A_192, %dma_wait3A_193] : memref<4x8x8x129xf32, #tpu.memory_space<vmem>> -> memref<1x8x8x128xf32, #tpu.memory_space<vmem>>
    %dma_wait3A_195 = tpu.memref_squeeze %dma_wait3A_194 : memref<1x8x8x128xf32, #tpu.memory_space<vmem>> -> memref<8x8x128xf32, #tpu.memory_space<vmem>>
    %dma_wait3A_196 = arith.constant 0 : i32
    %dma_wait3A_197 = arith.constant 0 : i32
    %dma_wait3A_198 = arith.constant 0 : i32
    %dma_wait3A_199 = tpu.memref_slice %arg4[%dma_wait3A_189, %dma_wait3A_196, %add3A, %dma_wait3A_197, %dma_wait3A_198] : memref<200x8x32x8x128xf32, #tpu.memory_space<hbm>> -> memref<1x8x1x8x128xf32, #tpu.memory_space<hbm>>
    %dma_wait3A_200 = tpu.memref_squeeze %dma_wait3A_199 : memref<1x8x1x8x128xf32, #tpu.memory_space<hbm>> -> memref<8x8x128xf32, #tpu.memory_space<hbm>>
    %dma_wait3A_201 = tpu.memref_slice %arg9[%dma_wait3A_190] : memref<4x!tpu.dma_semaphore, #tpu.memory_space<semaphore_mem>> -> memref<1x!tpu.dma_semaphore, #tpu.memory_space<semaphore_mem>>
    %dma_wait3A_202 = tpu.memref_squeeze %dma_wait3A_201 : memref<1x!tpu.dma_semaphore, #tpu.memory_space<semaphore_mem>> -> memref<!tpu.dma_semaphore, #tpu.memory_space<semaphore_mem>>
    %dma_wait3A_203 = arith.constant 0 : i32
    %dma_wait3A_204 = arith.constant 0 : i32
    %dma_wait3A_205 = arith.constant 0 : i32
    %dma_wait3A_206 = tpu.memref_slice %arg4[%dma_wait3A_189, %dma_wait3A_203, %add3A, %dma_wait3A_204, %dma_wait3A_205] : memref<200x8x32x8x128xf32, #tpu.memory_space<hbm>> -> memref<1x8x1x8x128xf32, #tpu.memory_space<hbm>>
    %dma_wait3A_207 = tpu.memref_squeeze %dma_wait3A_206 : memref<1x8x1x8x128xf32, #tpu.memory_space<hbm>> -> memref<8x8x128xf32, #tpu.memory_space<hbm>>
    %dma_wait3A_208 = arith.constant 0 : i32
    %dma_wait3A_209 = arith.constant 0 : i32
    %dma_wait3A_210 = arith.constant 0 : i32
    %dma_wait3A_211 = tpu.memref_slice %arg7[%dma_wait3A_188, %dma_wait3A_208, %dma_wait3A_209, %dma_wait3A_210] : memref<4x8x8x129xf32, #tpu.memory_space<vmem>> -> memref<1x8x8x128xf32, #tpu.memory_space<vmem>>
    %dma_wait3A_212 = tpu.memref_squeeze %dma_wait3A_211 : memref<1x8x8x128xf32, #tpu.memory_space<vmem>> -> memref<8x8x128xf32, #tpu.memory_space<vmem>>
    tpu.wait_dma2 semaphore(%dma_wait3A_202 : memref<!tpu.dma_semaphore, #tpu.memory_space<semaphore_mem>>) src(%dma_wait3A_212 : memref<8x8x128xf32, #tpu.memory_space<vmem>>) dst(%dma_wait3A_207 : memref<8x8x128xf32, #tpu.memory_space<hbm>>)
    return
  }
}

</mosaic_0001>

<sc_bundles>
// kernel: kernel.3.cloned.1.call-start
scs
__scs_entry_jumppad:
0x0: {  	(pc) =	sbr.rel $0x88, $3  }
0x1: {  	(tag) =	ssettag $0x0;
	lr =	simm.s32 $0x1  }
0x2: {  	[smem:$0x3F9F] =	sst lr;
	_ =	strace $0xD0000000  }
0x3: {  	_ = 	snop  }
0x4: {  	_ = 	snop  }
0x5: {  	_ = 	snop  }
0x6: {  	_ = 	snop  }
0x7: {  	_ = 	snop  }
__scs_overlays_trampoline_lowered:
0x8: {  	[smem:$0x3FAE] =	sst s0  }
0x9: {  	[smem:$0x3FAF] =	sst s1  }
0xa: {  	[smem:$0x3FB0] =	sst s2  }
0xb: {  	[smem:$0x3FB1] =	sst s3  }
0xc: {  	[smem:$0x3FB2] =	sst s4  }
0xd: {  	[smem:$0x3FB3] =	sst s5  }
0xe: {  	[smem:$0x3FB4] =	sst s6  }
0xf: {  	[smem:$0x3FB5] =	sst s7  }
0x10: {  	[smem:$0x3FB6] =	sst s8  }
0x11: {  	[smem:$0x3FB7] =	sst s9;
	s0 =	simm.s32 @!p0 $0x0  }
0x12: {  	s1 =	sld [smem:$0x3F9D];
	s0 =	simm.s32 @p0 $0x1  }
0x13: {  	[smem:$0x3FB8] =	sst s0;
	s0 =	simm.s32 @!p1 $0x0  }
0x14: {  	s2 =	sld [smem:$0x3F9C];
	s0 =	simm.s32 @p1 $0x1  }
0x15: {  	[smem:$0x3FB9] =	sst s0;
	s0 =	simm.s32 @!p2 $0x0  }
0x16: {  	s3 =	sld [smem:$0x3FDB];
	s0 =	simm.s32 @p2 $0x1  }
0x17: {  	s4 =	simm.s32 $0x1BF5;
	[smem:$0x3FBB] =	sst s0  }
0x18: {  	s0 =	sld [smem:$0x3F9E];
	_ =	swait.ge [sflag:s4], $0x0  }
0x19: {  	s7 =	sld [smem:$0x3F9F]  }
0x1a: {  	s8 =	sadd.s32 $0xFFFFE003, lr  }
0x1b: {  	s9 =	sadd.s32 $0xFFFFFEF7, lr;
	s5 =	simm.s32 $0xFFFFFFFF;
	p2 =	slt.u32 s8, $0xFFFFF086  }
0x1c: {  	p1 =	slt.u32 s9, $0xF7A;
	s5 =	simm.s32 @!p2 $0x0  }
0x1d: {  	s5 =	simm.s32 @p1 $0x1;
	p0 =	seq.s32 s7, s2  }
0x1e: {  	s7 =	smul.u32 @!p0 $0xF7A, s2;
	p2 =	seq.s32 @!p0 s5, $0x0  }
0x1f: {  	s9 =	smul.u32 $0xF7A, s1;
	s8 =	simm.s32 @!p0 $0x1BF5;
	p2 =	por !p2, p0  }
0x20: {  	[sflag:s8] =	ssyncset.s32 @!p0 $0xFFFFF086;
	s6 =	sadd.s32 @!p0 s3, s7;
	s7 =	simm.s32 @!p0 $0x108  }
0x21: {  	s3 =	sadd.s32 s3, s9;
	s6 =	sadd.s32 @!p0 $0x88, s6;
	s7 =	simm.s32 @p2 $0x1082  }
0x22: {  	[simem:s7], [sflag:s8] =	dma.local @!p0 [hbm:s6], $0xF7A  }
0x23: {  	s9 =	sor.u32 $0xD0000000, s2;
	s6 =	simm.s32 $0x108;
	_ =	swait.ge @!p0 [sflag:s8], $0x0  }
0x24: {  	s3 =	sadd.s32 $0x88, s3;
	s6 =	simm.s32 @!p1 $0x1082;
	[sflag:s4] =	ssyncset.s32 $0xFFFFF086  }
0x25: {  	[simem:s6], [sflag:s4] =	dma.local [hbm:s3], $0xF7A  }
0x26: {  	[smem:$0x3F9F] =	sst s1;
	(tag) =	ssettag s2;
	_ =	strace s9  }
0x27: {  	s1 =	sld [smem:$0x3FAF]  }
0x28: {  	s2 =	sld [smem:$0x3FB0]  }
0x29: {  	s4 =	sld [smem:$0x3FB2]  }
0x2a: {  	p0 =	seq.s32 s5, $0x0;
	s5 =	sld [smem:$0x3FB3]  }
0x2b: {  	s6 =	sld [smem:$0x3FB4]  }
0x2c: {  	s7 =	sld [smem:$0x3FB5]  }
0x2d: {  	s3 =	simm.s32 $0x108;
	s8 =	sld [smem:$0x3FB6]  }
0x2e: {  	s3 =	simm.s32 @!p0 $0x1082;
	s9 =	sld [smem:$0x3FB7]  }
0x2f: {  	lr =	sadd.s32 s0, s3;
	s0 =	sld [smem:$0x3FAE]  }
0x30: {  	s3 =	sld [smem:$0x3FB1]  }
0x31: {  	[smem:$0x3FBA] =	sst s10  }
0x32: {  	s10 =	sld [smem:$0x3FB8];
	_ =	sdelay $0x3  }
0x33: {  	p0 =	seq.s32 s10, $0x1;
	s10 =	sld [smem:$0x3FBA];
	_ =	sdelay $0x3  }
0x34: {  	[smem:$0x3FBA] =	sst s10  }
0x35: {  	s10 =	sld [smem:$0x3FB9];
	_ =	sdelay $0x3  }
0x36: {  	p1 =	seq.s32 s10, $0x1;
	s10 =	sld [smem:$0x3FBA];
	_ =	sdelay $0x3  }
0x37: {  	[smem:$0x3FBA] =	sst s10  }
0x38: {  	s10 =	sld [smem:$0x3FBB]  }
0x39: {  	_ = 	snop;
	(pc) =	sbr.ind lr, $3  }
0x3a: {  	_ = 	snop  }
0x3b: {  	_ = 	snop  }
0x3c: {  	p2 =	seq.s32 s10, $0x1;
	s10 =	sld [smem:$0x3FBA]  }
0x3d: {  	_ =	shalt  }
0x3e: {  	_ =	shalt  }
0x3f: {  	_ =	shalt  }
0x40: {  	_ =	shalt  }
0x41: {  	_ =	shalt  }
0x42: {  	_ =	shalt  }
0x43: {  	_ =	shalt  }
0x44: {  	_ =	shalt  }
0x45: {  	_ =	shalt  }
0x46: {  	_ =	shalt  }
0x47: {  	_ =	shalt  }
0x48: {  	_ =	shalt  }
0x49: {  	_ =	shalt  }
0x4a: {  	_ =	shalt  }
0x4b: {  	_ =	shalt  }
0x4c: {  	_ =	shalt  }
0x4d: {  	_ =	shalt  }
0x4e: {  	_ =	shalt  }
0x4f: {  	_ =	shalt  }
0x50: {  	_ =	shalt  }
0x51: {  	_ =	shalt  }
0x52: {  	_ =	shalt  }
0x53: {  	_ =	shalt  }
0x54: {  	_ =	shalt  }
0x55: {  	_ =	shalt  }
0x56: {  	_ =	shalt  }
0x57: {  	_ =	shalt  }
0x58: {  	_ =	shalt  }
0x59: {  	_ =	shalt  }
0x5a: {  	_ =	shalt  }
0x5b: {  	_ =	shalt  }
0x5c: {  	_ =	shalt  }
0x5d: {  	_ =	shalt  }
0x5e: {  	_ =	shalt  }
0x5f: {  	_ =	shalt  }
0x60: {  	_ =	shalt  }
0x61: {  	_ =	shalt  }
0x62: {  	_ =	shalt  }
0x63: {  	_ =	shalt  }
0x64: {  	_ =	shalt  }
0x65: {  	_ =	shalt  }
0x66: {  	_ =	shalt  }
0x67: {  	_ =	shalt  }
0x68: {  	_ =	shalt  }
0x69: {  	_ =	shalt  }
0x6a: {  	_ =	shalt  }
0x6b: {  	_ =	shalt  }
0x6c: {  	_ =	shalt  }
0x6d: {  	_ =	shalt  }
0x6e: {  	_ =	shalt  }
0x6f: {  	_ =	shalt  }
0x70: {  	_ =	shalt  }
0x71: {  	_ =	shalt  }
0x72: {  	_ =	shalt  }
0x73: {  	_ =	shalt  }
0x74: {  	_ =	shalt  }
0x75: {  	_ =	shalt  }
0x76: {  	_ =	shalt  }
0x77: {  	_ =	shalt  }
0x78: {  	_ =	shalt  }
0x79: {  	_ =	shalt  }
0x7a: {  	_ =	shalt  }
0x7b: {  	_ =	shalt  }
0x7c: {  	_ =	shalt  }
0x7d: {  	_ =	shalt  }
0x7e: {  	_ =	shalt  }
0x7f: {  	_ =	shalt  }
0x80: {  	_ =	shalt  }
0x81: {  	_ =	shalt  }
0x82: {  	_ =	shalt  }
0x83: {  	_ =	shalt  }
0x84: {  	_ =	shalt  }
0x85: {  	_ =	shalt  }
0x86: {  	_ =	shalt  }
0x87: {  	_ =	shalt  }
.Lfunc_end0:
.L_simem_size_0:
called_computation_lowered:
.L_overlay_start_0:
0x88: {  	s2 =	sld [smem:$0x3FD9]  }
0x89: {  	s3 =	sld [smem:$0x3FFE];
	_ =	sdelay $0x1  }
0x8a: {  	s1 =	srdreg.scid  }
0x8b: {  	s0 =	sand.u32 $0x1, s1  }
0x8c: {  	s17 =	sshll.u32 s0, $0xA;
	s2 =	sadd.s32 s3, s2  }
0x8d: {  	s2 =	sadd.s32 s2, s17  }
0x8e: {  	[smem:$0x3FC6] =	sst s2  }
0x8f: {  	_ = 	snop  }
0x90: {  	s2 =	sld [smem:$0x3FC9]  }
0x91: {  	s18 =	sld [smem:$0x3FD0];
	(tm) =	ssettm $0x1  }
0x92: {  	s4 =	sld [smem:$0x3FFB];
	_ =	sdelay $0x3  }
0x93: {  	_ =	strace s4  }
0x94: {  	s4 =	sld [smem:$0x3FFC];
	_ =	sdelay $0x3  }
0x95: {  	_ =	strace s4  }
0x96: {  	s4 =	sld [smem:$0x3FFD];
	_ =	sdelay $0x3  }
0x97: {  	_ =	strace s4  }
0x98: {  	_ =	strace $0x8FFFFFFF  }
0x99: {  	s19 =	sld [smem:$0x3FDB];
	_ =	sdelay $0x1  }
0x9a: {  	s5 =	simm.s32 $_scs_section_size  }
0x9b: {  	s6 =	simm.s32 $_size__tile_overlayer_lowered;
	s7 =	simm.s32 $_tile_overlayer_lowered  }
0x9c: {  	s22 =	simm.s32 $0x1BFF;
	s21 =	sshll.u32 s7, $0x1;
	s4 =	sadd.s32 s5, s19  }
0x9d: {  	s8 =	simm.s32 $0x0;
	s20 =	sshll.u32 s6, $0x1;
	s6 =	sadd.s32 s21, s4  }
0x9e: {  	[timem:s8], [sflag:s22] =	dma.local [hbm:s6], s20  }
0x9f: {  	_ =	swait.ge [sflag:s22], s20  }
0xa0: {  	s5 =	ssub.s32 $0x0, s20;
	[sflag:s22] =	ssyncset.done $0x0  }
0xa1: {  	[sflag:s22] =	ssyncadd.s32 s5;
	_ =	sdelay $0x1  }
0xa2: {  	s23 =	simm.s32 $0x1B8B  }
0xa3: {  	_ =	swait.ge [sflag:s23], $0x1  }
0xa4: {  	[sflag:s23] =	ssyncset.done $0x0  }
0xa5: {  	s25 =	simm.s32 $0x1B8E;
	s24 =	sld [smem:$0x3FFE];
	[sflag:s23] =	ssyncadd.s32 $0xFFFFFFFF  }
0xa6: {  	s26 =	simm.s32 $execute0_lowered;
	[smem:$0x3FD2] =	sst s25  }
0xa7: {  	s6 =	sshll.u32 s26, $0x1;
	_ =	strace $0x80000046;
	[dreg:$0x1] =	wrdreg $0xFFFFFFFF  }
0xa8: {  	s28 =	simm.s32 $_size_execute0_lowered;
	s4 =	sadd.s32 s4, s6;
	[dreg:$0x0] =	wrdreg $0x0  }
0xa9: {  	s6 =	sshll.u32 s28, $0x1;
	[dreg:$0x2] =	wrdreg s4  }
0xaa: {  	[dreg:$0x3] =	wrdreg s6  }
0xab: {  	[dreg:$0x4] =	wrdreg $0xC0  }
0xac: {  	_ =	task [dreg:s8], $0x5FFFF  }
0xad: {  	[dreg:$0x1] =	wrdreg $0xFFFFFFFF  }
0xae: {  	[dreg:$0x0] =	wrdreg $0x60  }
0xaf: {  	[dreg:$0x2] =	wrdreg s24  }
0xb0: {  	[dreg:$0x3] =	wrdreg s2  }
0xb1: {  	[dreg:$0x4] =	wrdreg s18  }
0xb2: {  	[dreg:$0x5] =	wrdreg $0x9  }
0xb3: {  	_ =	task.clear_ibuf [dreg:s8], $0x6FFFF;
	_ =	strace $0x90000046  }
0xb4: {  	s29 =	simm.s32 $0x9;
	_ =	strace $0x80000048  }
0xb5: {  	_ =	swait.ge [sflag:s29], $0x1  }
0xb6: {  	[sflag:s29] =	ssyncadd.s32 $0xFFFFFFFF  }
0xb7: {  	_ =	strace $0x90000048  }
0xb8: {  	_ =	sfence  }
0xb9: {  	s30 =	sld [smem:$0x0];
	_ =	sdelay $0x2  }
0xba: {  	s31 =	sshll.u32 s1, $0xD;
	s1 =	sshrl.u32 s1, $0x2  }
0xbb: {  	s3 =	sand.u32 $0x4000, s31;
	s1 =	sadd.s32 s1, s30  }
0xbc: {  	s0 =	sor.u32 s3, s0;
	s1 =	sshll.u32 s1, $0x11  }
0xbd: {  	s0 =	sor.u32 s1, s0  }
0xbe: {  	s0 =	sadd.s32 $0x8F2B, s0  }
0xbf: {  	[sflag:s0] =	ssyncadd.remote.s32 $0x1  }
0xc0: {  	_ =	sfence.sel $0xFFFF  }
0xc1: {  	[dreg:$0x0] =	wrdreg $0xFFFFFFFF;
	(pc) =	sbr.abs _section_cstart, $3  }
0xc2: {  	[dreg:$0x1] =	wrdreg $0xFFFFFFFF  }
0xc3: {  	_ =	task.clear_ibuf [dreg:s8], $0x2FFFF;
	_ =	strace $0x9FFFFFFF  }
0xc4: {  	(tm) =	ssettm $0x7FFFFFFF  }
0xc5: {  	_ =	shalt  }
tec
execute0_lowered:
.L_overlay_start_1:
0x0: {  	(tag) =	ssettag $0x1  }
0x1: {  	s0 =	rddreg [dreg:$0x0]  }
0x2: {  	s1 =	rddreg [dreg:$0x1]  }
0x3: {  	s2 =	rddreg [dreg:$0x2];
	v0 =	vlaneseq.u32  }
0x4: {  	s3 =	srdreg.scid;
	s5 =	stileid.u32;
	v0 =	vmul.u32 $0x88, v0  }
0x5: {  	v1 =	vimm.s32 $0x0;
	vm0 =	vcmask $0x300;
	s14 =	simm.s32 $0x80;
	s16 =	simm.s32 $0x8400;
	s18 =	simm.s32 $0xA400  }
0x6: {  	s20 =	simm.s32 $0xC400;
	s21 =	simm.s32 $0x1;
	s22 =	simm.s32 $0xE400;
	v1 =	vsel vm0, $0x3, v1;
	v2 =	vadd.s32 $0x880, v0  }
0x7: {  	s23 =	simm.s32 $0x2;
	s24 =	simm.s32 $0x6;
	s28 =	simm.s32 $0x7;
	v3 =	vadd.s32 $0x1100, v0;
	v4 =	vadd.s32 $0x1980, v0;
	v5 =	vor.u32 $0x1, v0  }
0x8: {  	s29 =	simm.s32 $0x12800;
	s30 =	simm.s32 $0x4;
	s31 =	simm.s32 $0x8;
	v6 =	vadd.s32 $0x881, v0;
	v7 =	vadd.s32 $0x1101, v0;
	v8 =	vadd.s32 $0x1981, v0  }
0x9: {  	s4 =	sand.u32 $0x1, s3;
	s3 =	simm.s32 $0x0;
	s5 =	sshll.u32 s5, $0xB;
	v9 =	vor.u32 $0x2, v0;
	v10 =	vadd.s32 $0x882, v0;
	v11 =	vadd.s32 $0x1102, v0  }
0xa: {  	s9 =	sadd.s32 $0x18000, s2;
	s6 =	sshll.u32 s4, $0xA;
	[smem:$0x7FF] =	sst s3;
	v12 =	vadd.s32 $0x1982, v0;
	v13 =	vor.u32 $0x3, v0;
	v14 =	vadd.s32 $0x883, v0  }
0xb: {  	s7 =	ssub.s32 $0x2, s4;
	s4 =	sor.u32 s6, s5;
	_ =	strace $0x80000047;
	v15 =	vadd.s32 $0x1103, v0;
	v16 =	vadd.s32 $0x1983, v0;
	v17 =	vor.u32 $0x4, v0  }
.Ltmp0:
0xc: {  	s25 =	sshrl.u32 s7, $0x1;
	s5 =	sadd.s32 $0x400, s0;
	v18 =	vadd.s32 $0x884, v0;
	v19 =	vadd.s32 $0x1104, v0;
	v20 =	vadd.s32 $0x1984, v0;
	(pc) =	sbr.rel .LBB2_1-.Ltmp0, $4  }
0xd: {  	v21 =	vor.u32 $0x5, v0;
	v22 =	vadd.s32 $0x885, v0;
	v23 =	vadd.s32 $0x1105, v0;
	s6 =	simm.s32 $0x0;
	s8 =	sshrl.u32 s4, $0x3;
	s26 =	ssub.s32 s7, s25  }
0xe: {  	v24 =	vadd.s32 $0x1985, v0;
	v25 =	vor.u32 $0x6, v0;
	v26 =	vadd.s32 $0x886, v0;
	s7 =	sadd.s32 $0x8000, s2;
	s25 =	simm.s32 $0x10600;
	s1 =	sadd.s32 s1, s8  }
0xf: {  	v27 =	vadd.s32 $0x1106, v0;
	v28 =	vadd.s32 $0x1986, v0;
	v29 =	vor.u32 $0x7, v0;
	s8 =	sadd.s32 $0x10000, s2;
	s0 =	smax.u32 s26, $0x1;
	[dreg:$0x4] =	wrdreg s1  }
0x10: {  	v30 =	vadd.s32 $0x887, v0;
	v31 =	vadd.s32 $0x1107, v0;
	v32 =	vadd.s32 $0x1987, v0;
	s26 =	simm.s32 $0x3;
	[dreg:$0x5] =	wrdreg s0;
	s0 =	simm.s32 $0x14A00  }
.LBB2_32:
0x11: {  	s1 =	simm.s32 $0x5  }
0x12: {  	_ =	swait.ge [sflag:s1], $0x2000  }
0x13: {  	[sflag:s1] =	ssyncset.done $0x0  }
0x14: {  	[sflag:s1] =	ssyncadd.s32 $0xFFFFE000  }
0x15: {  	_ =	swait.ge [sflag:s24], $0x2000  }
0x16: {  	[sflag:s24] =	ssyncset.done $0x0  }
0x17: {  	[sflag:s24] =	ssyncadd.s32 $0xFFFFE000  }
0x18: {  	_ =	swait.ge [sflag:s28], $0x2000  }
0x19: {  	[sflag:s28] =	ssyncset.done $0x0  }
0x1a: {  	[sflag:s28] =	ssyncadd.s32 $0xFFFFE000  }
0x1b: {  	_ =	swait.ge [sflag:s31], $0x2000  }
0x1c: {  	s6 =	rddreg [dreg:$0x6]  }
0x1d: {  	s19 =	rddreg [dreg:$0x5];
	s6 =	sadd.s32 $0x1, s6  }
0x1e: {  	p0 =	sne.s32 s6, s19  }
.Ltmp1:
0x1f: {  	_ = 	snop;
	(pc) =	sbr.rel @!p0 .LBB2_33-.Ltmp1, $3  }
0x20: {  	_ =	sdelay $0x1  }
0x21: {  	[sflag:s31] =	ssyncset.done $0x0  }
0x22: {  	[sflag:s31] =	ssyncadd.s32 $0xFFFFE000  }
.LBB2_1:
0x23: {  	[dreg:$0x6] =	wrdreg s6  }
0x24: {  	s1 =	rddreg [dreg:$0x4]  }
0x25: {  	s12 =	simm.s32 $0x400;
	s10 =	simm.s32 $0x8000;
	s13 =	simm.s32 $0x9  }
0x26: {  	[tilespmem:s3], [sflag:$0x9] =	stream.strided.gather [hbm4b:s1+s12], $0x6400, s10, s12, $0x38;
	[tilespmem:$0x16C00] =	vst v63  }
0x27: {  	_ =	swait.ge [sflag:s13], $0x6400  }
0x28: {  	[sflag:s13] =	ssyncset.done $0x0  }
0x29: {  	s15 =	simm.s32 $0x6400;
	[sflag:s13] =	ssyncadd.s32 $0xFFFF9C00  }
0x2a: {  	[tilespmem:s15], [sflag:$0x1] =	stream.indirect.gather [hbm4b:s5+s14], $0x40, s3, s14, $0xb8;
	[tilespmem:$0x16C00] =	vst v63  }
0x2b: {  	_ = 	snop  }
0x2c: {  	[tilespmem:s16], [sflag:$0x2] =	stream.indirect.gather [hbm4b:s5+s14], $0x40, s14, s14, $0xb8;
	[tilespmem:$0x16C00] =	vst v63  }
0x2d: {  	s17 =	simm.s32 $0x100  }
0x2e: {  	[tilespmem:s18], [sflag:$0x3] =	stream.indirect.gather [hbm4b:s5+s14], $0x40, s17, s14, $0xb8;
	[tilespmem:$0x16C00] =	vst v63  }
0x2f: {  	s19 =	simm.s32 $0x180;
	s12 =	simm.s32 $0x0  }
0x30: {  	[tilespmem:s20], [sflag:$0x4] =	stream.indirect.gather [hbm4b:s5+s14], $0x40, s19, s14, $0xb8;
	[tilespmem:$0x16C00] =	vst v63  }
.LBB2_2:
0x31: {  	s1 =	simm.s32 $0x0;
	s15 =	simm.s32 $0x1;
	s6 =	simm.s32 $0x2  }
0x32: {  	s17 =	simm.s32 $0x3;
	s19 =	simm.s32 $0x4;
	s10 =	simm.s32 $0x7;
	v33 =	vmov s1;
	v34 =	vmov s15;
	v35 =	vmov s6  }
0x33: {  	_ =	swait.ge [sflag:s21], $0x2000;
	s11 =	simm.s32 $0x5;
	s13 =	simm.s32 $0x6;
	v36 =	vmov s17;
	v37 =	vmov s19;
	v38 =	vmov s10  }
0x34: {  	p0 =	seq.s32 s12, $0x0;
	[sflag:s21] =	ssyncset.done $0x0;
	v39 =	vmov s11;
	v40 =	vmov s13;
	v33 =	vshrl.u32 v33, $0x3  }
0x35: {  	s6 =	simm.s32 @!p0 $0x5;
	[sflag:s21] =	ssyncadd.s32 $0xFFFFE000;
	v38 =	vshrl.u32 v38, $0x3;
	v34 =	vshrl.u32 v34, $0x3;
	v35 =	vshrl.u32 v35, $0x3  }
0x36: {  	v36 =	vshrl.u32 v36, $0x3;
	v37 =	vshrl.u32 v37, $0x3;
	_ =	swait.ge @!p0 [sflag:s6], $0x2000;
	v38 =	vshll.u32 v38, v1  }
0x37: {  	v55 =	vshrl.u32 v39, $0x3;
	v33 =	vshll.u32 v33, v1;
	[sflag:s6] =	ssyncset.done @!p0 $0x0;
	v38 =	vbroadcast v38, $0x0  }
0x38: {  	s19 =	simm.s32 $0x6500;
	v40 =	vshrl.u32 v40, $0x3;
	v34 =	vshll.u32 v34, v1;
	v33 =	vbroadcast v33, $0x0;
	[sflag:s6] =	ssyncadd.s32 @!p0 $0xFFFFE000  }
0x39: {  	v51 =	vshll.u32 v35, v1;
	v47 =	vbroadcast v34, $0x0;
	v41 =	vld [tilespmem:s19+$0xC0];
	v42 =	vadd.s32 v29, v38  }
0x3a: {  	v52 =	vshll.u32 v36, v1;
	v53 =	vbroadcast v51, $0x0;
	v43 =	vld [tilespmem:s19+$0xFFFFFF00];
	v44 =	vadd.s32 v0, v33  }
0x3b: {  	v54 =	vshll.u32 v37, v1;
	v35 =	vbroadcast v52, $0x0;
	v45 =	vld [tilespmem:s19+$0xFFFFFF40];
	v46 =	vadd.s32 v5, v47  }
0x3c: {  	v36 =	vshll.u32 v55, v1;
	v34 =	vbroadcast v54, $0x0;
	v48 =	vld [tilespmem:s19+$0xFFFFFF80];
	v49 =	vadd.s32 v9, v53  }
0x3d: {  	v56 =	vshll.u32 v40, v1;
	v37 =	vbroadcast v36, $0x0;
	v39 =	vld [tilespmem:s19+$0xFFFFFFC0];
	v50 =	vadd.s32 v13, v35  }
0x3e: {  	v36 =	vbroadcast v56, $0x0;
	v51 =	vld [tilespmem:s19+$0x0];
	v52 =	vadd.s32 v17, v34;
	[tilespmem:v42+s22+$0x0] =	vst.idx.msk $0xffff, v41  }
0x3f: {  	v59 =	vld [tilespmem:s19+$0x40];
	v60 =	vadd.s32 v21, v37;
	[tilespmem:v44+s22+$0x0] =	vst.idx.msk $0xffff, v43  }
0x40: {  	v61 =	vld [tilespmem:s19+$0x80];
	v62 =	vadd.s32 v25, v36;
	[tilespmem:v46+s22+$0x0] =	vst.idx.msk $0xffff, v45  }
0x41: {  	v58 =	vadd.s32 v30, v38;
	[tilespmem:v49+s22+$0x0] =	vst.idx.msk $0xffff, v48;
	v57 =	vld [tilespmem:s19+$0xD0]  }
0x42: {  	v63 =	vadd.s32 v6, v47;
	[tilespmem:v50+s22+$0x0] =	vst.idx.msk $0xffff, v39;
	v46 =	vld [tilespmem:s19+$0xFFFFFF50]  }
0x43: {  	v55 =	vadd.s32 v10, v53;
	[tilespmem:v52+s22+$0x0] =	vst.idx.msk $0xffff, v51;
	v54 =	vld [tilespmem:s19+$0xFFFFFF90]  }
0x44: {  	v56 =	vadd.s32 v14, v35;
	[tilespmem:v60+s22+$0x0] =	vst.idx.msk $0xffff, v59;
	v50 =	vld [tilespmem:s19+$0xFFFFFFD0]  }
0x45: {  	[tilespmem:v62+s22+$0x0] =	vst.idx.msk $0xffff, v61;
	v45 =	vadd.s32 v22, v37;
	v44 =	vld [tilespmem:s19+$0x50]  }
0x46: {  	v59 =	vadd.s32 v18, v34;
	[tilespmem:v58+s22+$0x0] =	vst.idx.msk $0xffff, v57;
	v58 =	vld [tilespmem:s19+$0x10]  }
0x47: {  	v57 =	vadd.s32 v31, v38;
	[tilespmem:v63+s22+$0x0] =	vst.idx.msk $0xffff, v46;
	v40 =	vld [tilespmem:s19+$0xE0]  }
0x48: {  	v60 =	vadd.s32 v26, v36;
	[tilespmem:v55+s22+$0x0] =	vst.idx.msk $0xffff, v54;
	v63 =	vld [tilespmem:s19+$0x90]  }
0x49: {  	v62 =	vadd.s32 v2, v33;
	v61 =	vld [tilespmem:s19+$0xFFFFFF10];
	[tilespmem:v56+s22+$0x0] =	vst.idx.msk $0xffff, v50  }
0x4a: {  	v51 =	vadd.s32 v7, v47;
	[tilespmem:v45+s22+$0x0] =	vst.idx.msk $0xffff, v44;
	v50 =	vld [tilespmem:s19+$0xFFFFFF60]  }
0x4b: {  	v56 =	vadd.s32 v11, v53;
	v55 =	vld [tilespmem:s19+$0xFFFFFFA0];
	[tilespmem:v59+s22+$0x0] =	vst.idx.msk $0xffff, v58  }
0x4c: {  	v58 =	vadd.s32 v15, v35;
	[tilespmem:v57+s22+$0x0] =	vst.idx.msk $0xffff, v40;
	v57 =	vld [tilespmem:s19+$0xFFFFFFE0]  }
0x4d: {  	[tilespmem:v60+s22+$0x0] =	vst.idx.msk $0xffff, v63;
	v60 =	vadd.s32 v19, v34;
	v59 =	vld [tilespmem:s19+$0x20]  }
0x4e: {  	s17 =	simm.s32 $0x9;
	v38 =	vadd.s32 v32, v38;
	[tilespmem:v62+s22+$0x0] =	vst.idx.msk $0xffff, v61;
	v54 =	vld [tilespmem:s19+$0xF0]  }
0x4f: {  	s15 =	simm.s32 $0x8;
	v41 =	vadd.s32 v23, v37;
	v52 =	vmov s17;
	[tilespmem:v51+s22+$0x0] =	vst.idx.msk $0xffff, v50;
	v40 =	vld [tilespmem:s19+$0x60]  }
0x50: {  	s10 =	simm.s32 $0xB;
	s11 =	simm.s32 $0xC;
	v43 =	vadd.s32 v27, v36;
	v48 =	vadd.s32 v3, v33;
	v63 =	vmov s15;
	v42 =	vld [tilespmem:s19+$0xA0];
	[tilespmem:v56+s22+$0x0] =	vst.idx.msk $0xffff, v55  }
0x51: {  	v44 =	vmov s10;
	v46 =	vmov s11;
	v45 =	vld [tilespmem:s19+$0xFFFFFF20];
	s15 =	simm.s32 $0xE;
	v39 =	vshrl.u32 v63, $0x3;
	[tilespmem:v58+s22+$0x0] =	vst.idx.msk $0xffff, v57  }
0x52: {  	s13 =	simm.s32 $0xD;
	s6 =	simm.s32 $0xA;
	v51 =	vadd.s32 v8, v47;
	v49 =	vld [tilespmem:s19+$0xFFFFFF70];
	v47 =	vshll.u32 v39, v1;
	v39 =	vmov s15;
	[tilespmem:v60+s22+$0x0] =	vst.idx.msk $0xffff, v59  }
0x53: {  	s17 =	sshll.u32 s12, $0x9;
	s10 =	simm.s32 $0xF;
	v53 =	vadd.s32 v12, v53;
	v50 =	vld [tilespmem:s19+$0xFFFFFFB0];
	[tilespmem:v38+s22+$0x0] =	vst.idx.msk $0xffff, v54;
	v54 =	vmov s6;
	v38 =	vmov s13;
	s6 =	simm.s32 $0x10  }
.LBB2_3:
0x54: {  	p1 =	slt.u32 s6, $0x78;
	v52 =	vshrl.u32 v52, $0x3;
	v55 =	vmov s10;
	v56 =	vld [tilespmem:s19+$0xFFFFFFF0];
	v35 =	vadd.s32 v16, v35;
	[tilespmem:v41+s22+$0x0] =	vst.idx.msk $0xffff, v40  }
0x55: {  	v40 =	vshrl.u32 v54, $0x3;
	v34 =	vadd.s32 v20, v34;
	v41 =	vshrl.u32 v55, $0x3;
	v54 =	vld [tilespmem:s19+$0x30];
	[tilespmem:v43+s22+$0x0] =	vst.idx.msk $0xffff, v42  }
0x56: {  	v37 =	vadd.s32 v24, v37;
	v42 =	vshrl.u32 v44, $0x3;
	v41 =	vshll.u32 v41, v1;
	[tilespmem:v48+s22+$0x0] =	vst.idx.msk $0xffff, v45;
	v43 =	vld [tilespmem:s19+$0x70]  }
0x57: {  	v36 =	vadd.s32 v28, v36;
	v44 =	vshrl.u32 v46, $0x3;
	v41 =	vbroadcast v41, $0x0;
	[tilespmem:v51+s22+$0x0] =	vst.idx.msk $0xffff, v49;
	v45 =	vld [tilespmem:s19+$0xB0]  }
0x58: {  	v46 =	vshll.u32 v52, v1;
	v49 =	vadd.s32 v4, v33;
	v33 =	vbroadcast v47, $0x0;
	v48 =	vld [tilespmem:s19+$0xFFFFFF30];
	[tilespmem:v53+s22+$0x0] =	vst.idx.msk $0xffff, v50;
	s19 =	sadd.s32 $0x200, s19  }
0x59: {  	v40 =	vshll.u32 v40, v1;
	v47 =	vbroadcast v46, $0x0;
	v46 =	vld [tilespmem:s19+$0xC0];
	v50 =	vadd.s32 v29, v41;
	[tilespmem:v35+s22+$0x0] =	vst.idx.msk $0xffff, v56  }
0x5a: {  	v53 =	vbroadcast v40, $0x0;
	v52 =	vadd.s32 v0, v33;
	v35 =	vshll.u32 v42, v1;
	v51 =	vld [tilespmem:s19+$0xFFFFFF00];
	[tilespmem:v34+s22+$0x0] =	vst.idx.msk $0xffff, v54  }
0x5b: {  	v42 =	vadd.s32 v5, v47;
	v35 =	vbroadcast v35, $0x0;
	v34 =	vshll.u32 v44, v1;
	v40 =	vld [tilespmem:s19+$0xFFFFFF40];
	[tilespmem:v37+s22+$0x0] =	vst.idx.msk $0xffff, v43  }
0x5c: {  	v44 =	vadd.s32 v9, v53;
	v34 =	vbroadcast v34, $0x0;
	v37 =	vshrl.u32 v38, $0x3;
	v43 =	vld [tilespmem:s19+$0xFFFFFF80];
	[tilespmem:v36+s22+$0x0] =	vst.idx.msk $0xffff, v45  }
0x5d: {  	v39 =	vshrl.u32 v39, $0x3;
	v45 =	vadd.s32 v13, v35;
	v36 =	vshll.u32 v37, v1;
	v38 =	vld [tilespmem:s19+$0xFFFFFFC0];
	[tilespmem:v49+s22+$0x0] =	vst.idx.msk $0xffff, v48  }
0x5e: {  	v49 =	vadd.s32 v17, v34;
	v37 =	vbroadcast v36, $0x0;
	v36 =	vshll.u32 v39, v1;
	v48 =	vld [tilespmem:s19+$0x0];
	[tilespmem:v50+s22+$0x0] =	vst.idx.msk $0xffff, v46  }
0x5f: {  	v36 =	vbroadcast v36, $0x0;
	v46 =	vadd.s32 v30, v41;
	[tilespmem:v52+s22+$0x0] =	vst.idx.msk $0xffff, v51;
	v39 =	vld [tilespmem:s19+$0xD0]  }
0x60: {  	[tilespmem:v42+s22+$0x0] =	vst.idx.msk $0xffff, v40;
	v40 =	vld [tilespmem:s19+$0x40];
	v42 =	vadd.s32 v21, v37  }
0x61: {  	[tilespmem:v44+s22+$0x0] =	vst.idx.msk $0xffff, v43;
	v43 =	vld [tilespmem:s19+$0x80];
	v44 =	vadd.s32 v25, v36  }
0x62: {  	v51 =	vadd.s32 v6, v47;
	v50 =	vld [tilespmem:s19+$0xFFFFFF50];
	[tilespmem:v45+s22+$0x0] =	vst.idx.msk $0xffff, v38  }
0x63: {  	v45 =	vadd.s32 v10, v53;
	v38 =	vld [tilespmem:s19+$0xFFFFFF90];
	[tilespmem:v49+s22+$0x0] =	vst.idx.msk $0xffff, v48  }
0x64: {  	v49 =	vadd.s32 v14, v35;
	v48 =	vld [tilespmem:s19+$0xFFFFFFD0];
	[tilespmem:v46+s22+$0x0] =	vst.idx.msk $0xffff, v39  }
0x65: {  	[tilespmem:v42+s22+$0x0] =	vst.idx.msk $0xffff, v40;
	v39 =	vld [tilespmem:s19+$0xE0];
	v40 =	vadd.s32 v31, v41  }
0x66: {  	v46 =	vadd.s32 v18, v34;
	v42 =	vld [tilespmem:s19+$0x10];
	[tilespmem:v44+s22+$0x0] =	vst.idx.msk $0xffff, v43  }
0x67: {  	v44 =	vadd.s32 v22, v37;
	[tilespmem:v51+s22+$0x0] =	vst.idx.msk $0xffff, v50;
	v43 =	vld [tilespmem:s19+$0x50]  }
0x68: {  	[tilespmem:v45+s22+$0x0] =	vst.idx.msk $0xffff, v38;
	v38 =	vld [tilespmem:s19+$0x90];
	v45 =	vadd.s32 v26, v36  }
0x69: {  	v51 =	vadd.s32 v2, v33;
	v50 =	vld [tilespmem:s19+$0xFFFFFF10];
	[tilespmem:v49+s22+$0x0] =	vst.idx.msk $0xffff, v48  }
0x6a: {  	v49 =	vadd.s32 v7, v47;
	v48 =	vld [tilespmem:s19+$0xFFFFFF60];
	[tilespmem:v40+s22+$0x0] =	vst.idx.msk $0xffff, v39  }
0x6b: {  	[tilespmem:v46+s22+$0x0] =	vst.idx.msk $0xffff, v42;
	v39 =	vld [tilespmem:s19+$0xF0];
	v46 =	vadd.s32 v32, v41  }
0x6c: {  	v56 =	vadd.s32 v11, v53;
	v55 =	vld [tilespmem:s19+$0xFFFFFFA0];
	[tilespmem:v44+s22+$0x0] =	vst.idx.msk $0xffff, v43  }
0x6d: {  	v58 =	vadd.s32 v15, v35;
	v57 =	vld [tilespmem:s19+$0xFFFFFFE0];
	[tilespmem:v45+s22+$0x0] =	vst.idx.msk $0xffff, v38  }
0x6e: {  	v60 =	vadd.s32 v19, v34;
	[tilespmem:v51+s22+$0x0] =	vst.idx.msk $0xffff, v50;
	v59 =	vld [tilespmem:s19+$0x20]  }
.Ltmp2:
0x6f: {  	s1 =	sadd.s32 $0x1, s6;
	v41 =	vadd.s32 v23, v37;
	v38 =	vmov s6;
	[tilespmem:v49+s22+$0x0] =	vst.idx.msk $0xffff, v48;
	v40 =	vld [tilespmem:s19+$0x60];
	(pc) =	sbr.rel @p1 .LBB2_3-.Ltmp2, $4  }
0x70: {  	s10 =	sadd.s32 $0x3, s6;
	v52 =	vmov s1;
	s1 =	sadd.s32 $0x2, s6;
	v43 =	vadd.s32 v27, v36;
	v50 =	vshrl.u32 v38, $0x3;
	v42 =	vld [tilespmem:s19+$0xA0];
	[tilespmem:v46+s22+$0x0] =	vst.idx.msk $0xffff, v39  }
0x71: {  	v54 =	vmov s1;
	s1 =	sadd.s32 $0x4, s6;
	v44 =	vmov s10;
	s10 =	sadd.s32 $0x5, s6;
	v48 =	vadd.s32 v3, v33;
	v45 =	vld [tilespmem:s19+$0xFFFFFF20];
	[tilespmem:v56+s22+$0x0] =	vst.idx.msk $0xffff, v55  }
0x72: {  	v38 =	vmov s10;
	v51 =	vadd.s32 v8, v47;
	v46 =	vmov s1;
	s1 =	sadd.s32 $0x6, s6;
	v49 =	vld [tilespmem:s19+$0xFFFFFF70];
	[tilespmem:v58+s22+$0x0] =	vst.idx.msk $0xffff, v57  }
0x73: {  	v53 =	vadd.s32 v12, v53;
	s10 =	sadd.s32 $0x7, s6;
	v47 =	vshll.u32 v50, v1;
	s6 =	sadd.s32 $0x8, s6;
	v39 =	vmov s1;
	v50 =	vld [tilespmem:s19+$0xFFFFFFB0];
	[tilespmem:v60+s22+$0x0] =	vst.idx.msk $0xffff, v59  }
0x74: {  	_ =	sdelay $0x2  }
0x75: {  	v52 =	vshrl.u32 v52, $0x3  }
0x76: {  	v55 =	vmov s10;
	v56 =	vld [tilespmem:s19+$0xFFFFFFF0];
	v35 =	vadd.s32 v16, v35;
	[tilespmem:v41+s22+$0x0] =	vst.idx.msk $0xffff, v40;
	v57 =	vshrl.u32 v54, $0x3  }
0x77: {  	v59 =	vld [tilespmem:s19+$0x30];
	v34 =	vadd.s32 v20, v34;
	v60 =	vshrl.u32 v44, $0x3;
	v58 =	vshrl.u32 v55, $0x3;
	[tilespmem:v43+s22+$0x0] =	vst.idx.msk $0xffff, v42  }
0x78: {  	v37 =	vadd.s32 v24, v37;
	v62 =	vshrl.u32 v46, $0x3;
	v61 =	vld [tilespmem:s19+$0x70];
	v41 =	vshll.u32 v58, v1;
	[tilespmem:v48+s22+$0x0] =	vst.idx.msk $0xffff, v45  }
0x79: {  	v36 =	vadd.s32 v28, v36;
	v46 =	vbroadcast v47, $0x0;
	v63 =	vld [tilespmem:s19+$0xB0];
	v41 =	vbroadcast v41, $0x0;
	[tilespmem:v51+s22+$0x0] =	vst.idx.msk $0xffff, v49  }
0x7a: {  	v33 =	vadd.s32 v4, v33;
	s6 =	sadd.s32 $0x200, s19;
	v38 =	vshrl.u32 v38, $0x3;
	v55 =	vshll.u32 v52, v1;
	v48 =	vld [tilespmem:s19+$0xFFFFFF30];
	[tilespmem:v53+s22+$0x0] =	vst.idx.msk $0xffff, v50  }
0x7b: {  	v40 =	vshll.u32 v57, v1;
	v47 =	vbroadcast v55, $0x0;
	v49 =	vld [tilespmem:s6+$0xC0];
	v50 =	vadd.s32 v29, v41;
	[tilespmem:v35+s22+$0x0] =	vst.idx.msk $0xffff, v56  }
0x7c: {  	v42 =	vshll.u32 v60, v1;
	v40 =	vbroadcast v40, $0x0;
	v35 =	vld [tilespmem:s6+$0xFFFFFF00];
	v56 =	vadd.s32 v0, v46;
	[tilespmem:v34+s22+$0x0] =	vst.idx.msk $0xffff, v59  }
0x7d: {  	v57 =	vld [tilespmem:s6+$0xFFFFFF40];
	v44 =	vshll.u32 v62, v1;
	v42 =	vbroadcast v42, $0x0;
	v58 =	vadd.s32 v5, v47;
	[tilespmem:v37+s22+$0x0] =	vst.idx.msk $0xffff, v61  }
0x7e: {  	v38 =	vshll.u32 v38, v1;
	v44 =	vbroadcast v44, $0x0;
	v60 =	vadd.s32 v9, v40;
	v59 =	vld [tilespmem:s6+$0xFFFFFF80];
	[tilespmem:v36+s22+$0x0] =	vst.idx.msk $0xffff, v63  }
0x7f: {  	v38 =	vbroadcast v38, $0x0;
	v62 =	vadd.s32 v13, v42;
	v61 =	vld [tilespmem:s6+$0xFFFFFFC0];
	[tilespmem:v33+s22+$0x0] =	vst.idx.msk $0xffff, v48  }
0x80: {  	v39 =	vshrl.u32 v39, $0x3;
	v63 =	vadd.s32 v17, v44;
	v33 =	vld [tilespmem:s6+$0x0];
	[tilespmem:v50+s22+$0x0] =	vst.idx.msk $0xffff, v49  }
0x81: {  	v39 =	vshll.u32 v39, v1;
	v34 =	vld [tilespmem:s6+$0x40];
	[tilespmem:v56+s22+$0x0] =	vst.idx.msk $0xffff, v35;
	v56 =	vadd.s32 v21, v38  }
0x82: {  	[tilespmem:v58+s22+$0x0] =	vst.idx.msk $0xffff, v57;
	v35 =	vbroadcast v39, $0x0;
	v49 =	vadd.s32 v30, v41;
	v39 =	vld [tilespmem:s6+$0xD0]  }
0x83: {  	[tilespmem:v60+s22+$0x0] =	vst.idx.msk $0xffff, v59;
	v59 =	vld [tilespmem:s6+$0xFFFFFF50];
	v60 =	vadd.s32 v6, v47  }
0x84: {  	v57 =	vld [tilespmem:s6+$0x80];
	[tilespmem:v62+s22+$0x0] =	vst.idx.msk $0xffff, v61;
	v58 =	vadd.s32 v25, v35  }
0x85: {  	v61 =	vld [tilespmem:s6+$0xFFFFFF90];
	v62 =	vadd.s32 v10, v40;
	[tilespmem:v63+s22+$0x0] =	vst.idx.msk $0xffff, v33  }
0x86: {  	v33 =	vld [tilespmem:s6+$0xFFFFFFD0];
	v63 =	vadd.s32 v14, v42;
	[tilespmem:v56+s22+$0x0] =	vst.idx.msk $0xffff, v34  }
0x87: {  	v56 =	vadd.s32 v18, v44;
	[tilespmem:v49+s22+$0x0] =	vst.idx.msk $0xffff, v39;
	v49 =	vld [tilespmem:s6+$0x10]  }
0x88: {  	[tilespmem:v60+s22+$0x0] =	vst.idx.msk $0xffff, v59;
	v39 =	vadd.s32 v31, v41;
	v34 =	vld [tilespmem:s6+$0xE0]  }
0x89: {  	[tilespmem:v58+s22+$0x0] =	vst.idx.msk $0xffff, v57;
	v57 =	vld [tilespmem:s6+$0x50];
	v58 =	vadd.s32 v22, v38  }
0x8a: {  	[tilespmem:v62+s22+$0x0] =	vst.idx.msk $0xffff, v61;
	v61 =	vld [tilespmem:s6+$0xFFFFFF10];
	v62 =	vadd.s32 v2, v46  }
0x8b: {  	v60 =	vadd.s32 v26, v35;
	v59 =	vld [tilespmem:s6+$0x90];
	[tilespmem:v63+s22+$0x0] =	vst.idx.msk $0xffff, v33  }
0x8c: {  	v55 =	vadd.s32 v11, v40;
	v54 =	vadd.s32 v32, v41;
	v41 =	vld [tilespmem:s6+$0xFFFFFFA0];
	[tilespmem:v56+s22+$0x0] =	vst.idx.msk $0xffff, v49  }
0x8d: {  	v53 =	vadd.s32 v7, v47;
	v63 =	vld [tilespmem:s6+$0xFFFFFF60];
	[tilespmem:v39+s22+$0x0] =	vst.idx.msk $0xffff, v34  }
0x8e: {  	v56 =	vld [tilespmem:s6+$0xFFFFFFE0];
	[tilespmem:v58+s22+$0x0] =	vst.idx.msk $0xffff, v57;
	v57 =	vadd.s32 v15, v42  }
0x8f: {  	[tilespmem:v62+s22+$0x0] =	vst.idx.msk $0xffff, v61;
	v34 =	vld [tilespmem:s6+$0xF0]  }
0x90: {  	v58 =	vld [tilespmem:s6+$0x20];
	[tilespmem:v60+s22+$0x0] =	vst.idx.msk $0xffff, v59;
	v59 =	vadd.s32 v19, v44  }
0x91: {  	v61 =	vadd.s32 v23, v38;
	[tilespmem:v55+s22+$0x0] =	vst.idx.msk $0xffff, v41;
	v60 =	vld [tilespmem:s6+$0x60]  }
0x92: {  	[tilespmem:v53+s22+$0x0] =	vst.idx.msk $0xffff, v63;
	v63 =	vadd.s32 v27, v35;
	v62 =	vld [tilespmem:s6+$0xA0]  }
0x93: {  	v47 =	vadd.s32 v8, v47;
	v55 =	vld [tilespmem:s6+$0xFFFFFF70];
	[tilespmem:v57+s22+$0x0] =	vst.idx.msk $0xffff, v56  }
0x94: {  	v53 =	vld [tilespmem:s6+$0xFFFFFF20];
	[tilespmem:v54+s22+$0x0] =	vst.idx.msk $0xffff, v34;
	v54 =	vadd.s32 v3, v46  }
0x95: {  	v40 =	vadd.s32 v12, v40;
	v56 =	vld [tilespmem:s6+$0xFFFFFFB0];
	[tilespmem:v59+s22+$0x0] =	vst.idx.msk $0xffff, v58  }
0x96: {  	v42 =	vadd.s32 v16, v42;
	v57 =	vld [tilespmem:s6+$0xFFFFFFF0];
	[tilespmem:v61+s22+$0x0] =	vst.idx.msk $0xffff, v60  }
0x97: {  	v59 =	vadd.s32 v20, v44;
	v58 =	vld [tilespmem:s6+$0x30];
	[tilespmem:v63+s22+$0x0] =	vst.idx.msk $0xffff, v62  }
0x98: {  	v38 =	vadd.s32 v24, v38;
	v60 =	vld [tilespmem:s6+$0x70];
	[tilespmem:v47+s22+$0x0] =	vst.idx.msk $0xffff, v55  }
0x99: {  	v35 =	vadd.s32 v28, v35;
	v61 =	vld [tilespmem:s6+$0xB0];
	[tilespmem:v54+s22+$0x0] =	vst.idx.msk $0xffff, v53  }
0x9a: {  	v63 =	vadd.s32 v4, v46;
	[tilespmem:v40+s22+$0x0] =	vst.idx.msk $0xffff, v56;
	v62 =	vld [tilespmem:s6+$0xFFFFFF30]  }
0x9b: {  	[tilespmem:v42+s22+$0x0] =	vst.idx.msk $0xffff, v57  }
0x9c: {  	s1 =	sshll.u32 s12, $0x14;
	[tilespmem:v59+s22+$0x0] =	vst.idx.msk $0xffff, v58  }
0x9d: {  	s1 =	sor.u32 s4, s1;
	[tilespmem:v38+s22+$0x0] =	vst.idx.msk $0xffff, v60  }
0x9e: {  	s19 =	sshrl.u32 s1, $0x3;
	[tilespmem:v35+s22+$0x0] =	vst.idx.msk $0xffff, v61  }
0x9f: {  	s15 =	simm.s32 $0xE400;
	s10 =	sadd.s32 s2, s19;
	[tilespmem:v63+s22+$0x0] =	vst.idx.msk $0xffff, v62  }
0xa0: {  	[hbm4b:s10+s3] =	stream.linear.scatter [tilespmem:s15], [sflag:$0x5], $0x80, $0x38;
	[tilespmem:$0x16C00] =	vst v63  }
0xa1: {  	s11 =	sadd.s32 $0x10, s10;
	s6 =	simm.s32 $0xE488  }
0xa2: {  	[hbm4b:s11+s3] =	stream.linear.scatter [tilespmem:s6], [sflag:$0x5], $0x80, $0x38;
	[tilespmem:$0x16C00] =	vst v63  }
0xa3: {  	s13 =	simm.s32 $0xE510;
	s15 =	sadd.s32 $0x20, s10  }
0xa4: {  	[hbm4b:s15+s3] =	stream.linear.scatter [tilespmem:s13], [sflag:$0x5], $0x80, $0x38;
	[tilespmem:$0x16C00] =	vst v63  }
0xa5: {  	s6 =	simm.s32 $0xE598;
	s11 =	sadd.s32 $0x30, s10  }
0xa6: {  	[hbm4b:s11+s3] =	stream.linear.scatter [tilespmem:s6], [sflag:$0x5], $0x80, $0x38;
	[tilespmem:$0x16C00] =	vst v63  }
0xa7: {  	s13 =	simm.s32 $0xE620;
	s15 =	sadd.s32 $0x40, s10  }
0xa8: {  	[hbm4b:s15+s3] =	stream.linear.scatter [tilespmem:s13], [sflag:$0x5], $0x80, $0x38;
	[tilespmem:$0x16C00] =	vst v63  }
0xa9: {  	s1 =	simm.s32 $0xE7B8;
	s6 =	simm.s32 $0xE6A8;
	s11 =	sadd.s32 $0x50, s10  }
0xaa: {  	[hbm4b:s11+s3] =	stream.linear.scatter [tilespmem:s6], [sflag:$0x5], $0x80, $0x38;
	[tilespmem:$0x16C00] =	vst v63  }
0xab: {  	s13 =	simm.s32 $0xE730;
	s15 =	sadd.s32 $0x60, s10;
	s6 =	simm.s32 $0x440  }
0xac: {  	[hbm4b:s15+s3] =	stream.linear.scatter [tilespmem:s13], [sflag:$0x5], $0x80, $0x38;
	[tilespmem:$0x16C00] =	vst v63  }
0xad: {  	s11 =	sadd.s32 $0x70, s10;
	s10 =	sadd.s32 $0x1000, s10;
	s13 =	simm.s32 $0x2200  }
.LBB2_5:
0xae: {  	[hbm4b:s11+s3] =	stream.linear.scatter [tilespmem:s1], [sflag:$0x5], $0x80, $0x38;
	[tilespmem:$0x16C00] =	vst v63  }
0xaf: {  	s1 =	smov.u32 s6;
	s6 =	smov.u32 s13  }
0xb0: {  	s15 =	sadd.s32 $0x1100, s13;
	s6 =	sshra.s32 s6, $0x2;
	s11 =	sadd.s32 $0xE400, s1  }
0xb1: {  	[hbm4b:s10+s3] =	stream.linear.scatter [tilespmem:s11], [sflag:$0x5], $0x80, $0x38;
	[tilespmem:$0x16C00] =	vst v63  }
0xb2: {  	p1 =	sne.s32 s13, $0x7700;
	s13 =	sadd.s32 $0x10, s10;
	s11 =	sadd.s32 $0xE488, s1  }
0xb3: {  	[hbm4b:s13+s3] =	stream.linear.scatter [tilespmem:s11], [sflag:$0x5], $0x80, $0x38;
	[tilespmem:$0x16C00] =	vst v63  }
0xb4: {  	s11 =	sadd.s32 $0xE510, s1;
	s13 =	sadd.s32 $0x20, s10  }
0xb5: {  	[hbm4b:s13+s3] =	stream.linear.scatter [tilespmem:s11], [sflag:$0x5], $0x80, $0x38;
	[tilespmem:$0x16C00] =	vst v63  }
0xb6: {  	s11 =	sadd.s32 $0xE598, s1;
	s13 =	sadd.s32 $0x30, s10  }
0xb7: {  	[hbm4b:s13+s3] =	stream.linear.scatter [tilespmem:s11], [sflag:$0x5], $0x80, $0x38;
	[tilespmem:$0x16C00] =	vst v63  }
0xb8: {  	s11 =	sadd.s32 $0xE620, s1;
	s13 =	sadd.s32 $0x40, s10  }
0xb9: {  	[hbm4b:s13+s3] =	stream.linear.scatter [tilespmem:s11], [sflag:$0x5], $0x80, $0x38;
	[tilespmem:$0x16C00] =	vst v63  }
.Ltmp3:
0xba: {  	s11 =	sadd.s32 $0xE6A8, s1;
	s13 =	sadd.s32 $0x50, s10;
	(pc) =	sbr.rel @p1 .LBB2_5-.Ltmp3, $4  }
0xbb: {  	[hbm4b:s13+s3] =	stream.linear.scatter [tilespmem:s11], [sflag:$0x5], $0x80, $0x38;
	[tilespmem:$0x16C00] =	vst v63  }
0xbc: {  	s11 =	sadd.s32 $0xE730, s1;
	s13 =	sadd.s32 $0x60, s10;
	s1 =	sadd.s32 $0xE7B8, s1  }
0xbd: {  	[hbm4b:s13+s3] =	stream.linear.scatter [tilespmem:s11], [sflag:$0x5], $0x80, $0x38;
	[tilespmem:$0x16C00] =	vst v63  }
0xbe: {  	s11 =	sadd.s32 $0x70, s10;
	s10 =	sadd.s32 $0x1000, s10;
	s13 =	smov.u32 s15  }
0xbf: {  	[hbm4b:s11+s3] =	stream.linear.scatter [tilespmem:s1], [sflag:$0x5], $0x80, $0x38;
	[tilespmem:$0x16C00] =	vst v63  }
0xc0: {  	s11 =	sadd.s32 $0xE400, s6  }
0xc1: {  	[hbm4b:s10+s3] =	stream.linear.scatter [tilespmem:s11], [sflag:$0x5], $0x80, $0x38;
	[tilespmem:$0x16C00] =	vst v63  }
0xc2: {  	s13 =	sadd.s32 $0xE488, s6;
	s15 =	sadd.s32 $0x10, s10  }
0xc3: {  	[hbm4b:s15+s3] =	stream.linear.scatter [tilespmem:s13], [sflag:$0x5], $0x80, $0x38;
	[tilespmem:$0x16C00] =	vst v63  }
0xc4: {  	s13 =	sadd.s32 $0xE510, s6;
	s15 =	sadd.s32 $0x20, s10  }
0xc5: {  	[hbm4b:s15+s3] =	stream.linear.scatter [tilespmem:s13], [sflag:$0x5], $0x80, $0x38;
	[tilespmem:$0x16C00] =	vst v63  }
0xc6: {  	s13 =	sadd.s32 $0xE598, s6;
	s15 =	sadd.s32 $0x30, s10  }
0xc7: {  	[hbm4b:s15+s3] =	stream.linear.scatter [tilespmem:s13], [sflag:$0x5], $0x80, $0x38;
	[tilespmem:$0x16C00] =	vst v63  }
0xc8: {  	s13 =	sadd.s32 $0xE620, s6;
	s15 =	sadd.s32 $0x40, s10  }
0xc9: {  	[hbm4b:s15+s3] =	stream.linear.scatter [tilespmem:s13], [sflag:$0x5], $0x80, $0x38;
	[tilespmem:$0x16C00] =	vst v63  }
0xca: {  	p1 =	sne.s32 s12, $0x31;
	s13 =	sadd.s32 $0xE6A8, s6;
	s15 =	sadd.s32 $0x50, s10  }
0xcb: {  	[hbm4b:s15+s3] =	stream.linear.scatter [tilespmem:s13], [sflag:$0x5], $0x80, $0x38;
	[tilespmem:$0x16C00] =	vst v63  }
.Ltmp4:
0xcc: {  	_ = 	snop;
	(pc) =	sbr.rel @p1 .LBB2_8-.Ltmp4, $4  }
0xcd: {  	s13 =	sadd.s32 $0xE730, s6;
	s15 =	sadd.s32 $0x60, s10  }
0xce: {  	[hbm4b:s15+s3] =	stream.linear.scatter [tilespmem:s13], [sflag:$0x5], $0x80, $0x38;
	[tilespmem:$0x16C00] =	vst v63  }
0xcf: {  	s13 =	sadd.s32 $0xE7B8, s6;
	s15 =	sadd.s32 $0x70, s10  }
0xd0: {  	[hbm4b:s15+s3] =	stream.linear.scatter [tilespmem:s13], [sflag:$0x5], $0x80, $0x38;
	[tilespmem:$0x16C00] =	vst v63  }
.Ltmp5:
0xd1: {  	(pc) =	sbr.rel .LBB2_9-.Ltmp5, $4  }
0xd2: {  	_ = 	snop  }
0xd3: {  	_ =	swait.ge [sflag:s23], $0x2000  }
0xd4: {  	[sflag:s23] =	ssyncset.done $0x0  }
0xd5: {  	[sflag:s23] =	ssyncadd.s32 $0xFFFFE000  }
.LBB2_8:
0xd6: {  	s1 =	sadd.s32 $0x200, s17  }
.Ltmp6:
0xd7: {  	s6 =	simm.s32 $0x6400;
	s1 =	sand.u32 $0xFE00, s1;
	(pc) =	sbr.rel @p0 .LBB2_10-.Ltmp6, $4  }
0xd8: {  	[tilespmem:s6], [sflag:$0x1] =	stream.indirect.gather [hbm4b:s5+s14], $0x40, s1, s14, $0xb8;
	[tilespmem:$0x16C00] =	vst v63  }
0xd9: {  	_ =	swait.ge [sflag:s23], $0x2000  }
0xda: {  	[sflag:s23] =	ssyncset.done $0x0  }
0xdb: {  	[sflag:s23] =	ssyncadd.s32 $0xFFFFE000  }
.LBB2_9:
0xdc: {  	_ =	swait.ge [sflag:s24], $0x2000  }
0xdd: {  	[sflag:s24] =	ssyncset.done $0x0  }
0xde: {  	[sflag:s24] =	ssyncadd.s32 $0xFFFFE000  }
.LBB2_10:
0xdf: {  	s1 =	simm.s32 $0x0;
	s10 =	simm.s32 $0x1;
	s6 =	simm.s32 $0x2  }
0xe0: {  	s11 =	simm.s32 $0x3;
	s13 =	simm.s32 $0x4;
	s15 =	simm.s32 $0x5;
	v33 =	vmov s1;
	v34 =	vmov s10;
	v35 =	vmov s6  }
0xe1: {  	s10 =	simm.s32 $0x7;
	v36 =	vmov s11;
	v37 =	vmov s13;
	v39 =	vmov s15;
	s6 =	simm.s32 $0x6  }
0xe2: {  	v33 =	vshrl.u32 v33, $0x3;
	v38 =	vmov s10;
	v40 =	vmov s6  }
0xe3: {  	v34 =	vshrl.u32 v34, $0x3;
	v35 =	vshrl.u32 v35, $0x3;
	v36 =	vshrl.u32 v36, $0x3  }
0xe4: {  	v37 =	vshrl.u32 v37, $0x3;
	v55 =	vshrl.u32 v39, $0x3;
	v33 =	vshll.u32 v33, v1  }
0xe5: {  	v38 =	vshrl.u32 v38, $0x3;
	v34 =	vshll.u32 v34, v1;
	v33 =	vbroadcast v33, $0x0  }
0xe6: {  	s6 =	simm.s32 $0x85F0;
	v52 =	vshll.u32 v35, v1;
	v38 =	vshll.u32 v38, v1;
	v45 =	vbroadcast v34, $0x0  }
0xe7: {  	v43 =	vld [tilespmem:s6+$0xFFFFFE10];
	v53 =	vshll.u32 v36, v1;
	v38 =	vbroadcast v38, $0x0;
	v44 =	vadd.s32 v0, v33  }
0xe8: {  	v46 =	vld [tilespmem:s6+$0xFFFFFE50];
	v54 =	vshll.u32 v37, v1;
	v52 =	vbroadcast v52, $0x0;
	v47 =	vadd.s32 v5, v45  }
0xe9: {  	v41 =	vld [tilespmem:s6+$0xFFFFFFD0];
	v36 =	vshll.u32 v55, v1;
	v35 =	vbroadcast v53, $0x0;
	v42 =	vadd.s32 v29, v38  }
0xea: {  	v48 =	vld [tilespmem:s6+$0xFFFFFE90];
	v40 =	vshrl.u32 v40, $0x3;
	v34 =	vbroadcast v54, $0x0;
	v49 =	vadd.s32 v9, v52  }
0xeb: {  	v39 =	vld [tilespmem:s6+$0xFFFFFED0];
	v37 =	vbroadcast v36, $0x0;
	v56 =	vshll.u32 v40, v1;
	v50 =	vadd.s32 v13, v35  }
0xec: {  	v51 =	vld [tilespmem:s6+$0xFFFFFF10];
	v36 =	vbroadcast v56, $0x0;
	v53 =	vadd.s32 v17, v34;
	[tilespmem:v44+s25+$0x0] =	vst.idx.msk $0xffff, v43  }
0xed: {  	v59 =	vld [tilespmem:s6+$0xFFFFFF50];
	v60 =	vadd.s32 v21, v37;
	[tilespmem:v47+s25+$0x0] =	vst.idx.msk $0xffff, v46  }
0xee: {  	v61 =	vld [tilespmem:s6+$0xFFFFFF90];
	v62 =	vadd.s32 v25, v36;
	[tilespmem:v42+s25+$0x0] =	vst.idx.msk $0xffff, v41  }
0xef: {  	v58 =	vadd.s32 v30, v38;
	[tilespmem:v49+s25+$0x0] =	vst.idx.msk $0xffff, v48;
	v57 =	vld [tilespmem:s6+$0xFFFFFFE0]  }
0xf0: {  	v63 =	vadd.s32 v6, v45;
	[tilespmem:v50+s25+$0x0] =	vst.idx.msk $0xffff, v39;
	v47 =	vld [tilespmem:s6+$0xFFFFFE60]  }
0xf1: {  	v55 =	vadd.s32 v10, v52;
	[tilespmem:v53+s25+$0x0] =	vst.idx.msk $0xffff, v51;
	v54 =	vld [tilespmem:s6+$0xFFFFFEA0]  }
0xf2: {  	v56 =	vadd.s32 v14, v35;
	[tilespmem:v60+s25+$0x0] =	vst.idx.msk $0xffff, v59;
	v50 =	vld [tilespmem:s6+$0xFFFFFEE0]  }
0xf3: {  	v46 =	vadd.s32 v22, v37;
	[tilespmem:v62+s25+$0x0] =	vst.idx.msk $0xffff, v61;
	v44 =	vld [tilespmem:s6+$0xFFFFFF60]  }
0xf4: {  	v59 =	vadd.s32 v18, v34;
	[tilespmem:v58+s25+$0x0] =	vst.idx.msk $0xffff, v57;
	v58 =	vld [tilespmem:s6+$0xFFFFFF20]  }
0xf5: {  	[tilespmem:v63+s25+$0x0] =	vst.idx.msk $0xffff, v47;
	v57 =	vadd.s32 v31, v38;
	v40 =	vld [tilespmem:s6+$0xFFFFFFF0]  }
0xf6: {  	v61 =	vld [tilespmem:s6+$0xFFFFFE20];
	v62 =	vadd.s32 v2, v33;
	[tilespmem:v55+s25+$0x0] =	vst.idx.msk $0xffff, v54  }
0xf7: {  	v60 =	vadd.s32 v26, v36;
	v63 =	vld [tilespmem:s6+$0xFFFFFFA0];
	[tilespmem:v56+s25+$0x0] =	vst.idx.msk $0xffff, v50  }
0xf8: {  	v51 =	vadd.s32 v7, v45;
	[tilespmem:v46+s25+$0x0] =	vst.idx.msk $0xffff, v44;
	v50 =	vld [tilespmem:s6+$0xFFFFFE70]  }
0xf9: {  	v56 =	vadd.s32 v11, v52;
	v55 =	vld [tilespmem:s6+$0xFFFFFEB0];
	[tilespmem:v59+s25+$0x0] =	vst.idx.msk $0xffff, v58  }
0xfa: {  	v58 =	vadd.s32 v15, v35;
	[tilespmem:v57+s25+$0x0] =	vst.idx.msk $0xffff, v40;
	v57 =	vld [tilespmem:s6+$0xFFFFFEF0]  }
0xfb: {  	[tilespmem:v62+s25+$0x0] =	vst.idx.msk $0xffff, v61;
	v38 =	vadd.s32 v32, v38;
	v54 =	vld [tilespmem:s6+$0x0]  }
0xfc: {  	s11 =	simm.s32 $0x9;
	[tilespmem:v60+s25+$0x0] =	vst.idx.msk $0xffff, v63;
	v60 =	vadd.s32 v19, v34;
	v59 =	vld [tilespmem:s6+$0xFFFFFF30]  }
0xfd: {  	s15 =	simm.s32 $0xB;
	v53 =	vmov s11;
	v41 =	vadd.s32 v23, v37;
	[tilespmem:v51+s25+$0x0] =	vst.idx.msk $0xffff, v50;
	v40 =	vld [tilespmem:s6+$0xFFFFFF70]  }
0xfe: {  	s10 =	simm.s32 $0x8;
	v43 =	vadd.s32 v27, v36;
	s11 =	simm.s32 $0xC;
	v48 =	vadd.s32 v3, v33;
	v44 =	vmov s15;
	v42 =	vld [tilespmem:s6+$0xFFFFFFB0];
	[tilespmem:v56+s25+$0x0] =	vst.idx.msk $0xffff, v55  }
0xff: {  	s13 =	simm.s32 $0xA;
	v47 =	vmov s11;
	v52 =	vadd.s32 v12, v52;
	v46 =	vld [tilespmem:s6+$0xFFFFFE30];
	v63 =	vmov s10;
	[tilespmem:v58+s25+$0x0] =	vst.idx.msk $0xffff, v57  }
0x100: {  	s15 =	simm.s32 $0xE;
	v39 =	vshrl.u32 v63, $0x3;
	v51 =	vadd.s32 v8, v45;
	v49 =	vld [tilespmem:s6+$0xFFFFFE80];
	[tilespmem:v38+s25+$0x0] =	vst.idx.msk $0xffff, v54;
	v54 =	vmov s13;
	s13 =	simm.s32 $0xD  }
0x101: {  	s10 =	simm.s32 $0x10;
	v45 =	vshll.u32 v39, v1;
	v39 =	vmov s15;
	v50 =	vld [tilespmem:s6+$0xFFFFFEC0];
	[tilespmem:v60+s25+$0x0] =	vst.idx.msk $0xffff, v59;
	v38 =	vmov s13;
	s13 =	simm.s32 $0xF  }
.LBB2_11:
0x102: {  	p2 =	slt.u32 s10, $0x78;
	v53 =	vshrl.u32 v53, $0x3;
	v55 =	vmov s13;
	v56 =	vld [tilespmem:s6+$0xFFFFFF00];
	v35 =	vadd.s32 v16, v35;
	[tilespmem:v41+s25+$0x0] =	vst.idx.msk $0xffff, v40  }
0x103: {  	v40 =	vshrl.u32 v54, $0x3;
	v34 =	vadd.s32 v20, v34;
	v41 =	vshrl.u32 v55, $0x3;
	v54 =	vld [tilespmem:s6+$0xFFFFFF40];
	[tilespmem:v43+s25+$0x0] =	vst.idx.msk $0xffff, v42  }
0x104: {  	v37 =	vadd.s32 v24, v37;
	v42 =	vshrl.u32 v44, $0x3;
	v41 =	vshll.u32 v41, v1;
	[tilespmem:v48+s25+$0x0] =	vst.idx.msk $0xffff, v46;
	v43 =	vld [tilespmem:s6+$0xFFFFFF80]  }
0x105: {  	v36 =	vadd.s32 v28, v36;
	v44 =	vshrl.u32 v47, $0x3;
	v41 =	vbroadcast v41, $0x0;
	[tilespmem:v51+s25+$0x0] =	vst.idx.msk $0xffff, v49;
	v46 =	vld [tilespmem:s6+$0xFFFFFFC0]  }
0x106: {  	v47 =	vshll.u32 v53, v1;
	v49 =	vadd.s32 v4, v33;
	v33 =	vbroadcast v45, $0x0;
	v48 =	vld [tilespmem:s6+$0xFFFFFE40];
	[tilespmem:v52+s25+$0x0] =	vst.idx.msk $0xffff, v50;
	s6 =	sadd.s32 $0x200, s6  }
0x107: {  	v40 =	vshll.u32 v40, v1;
	v45 =	vbroadcast v47, $0x0;
	v47 =	vld [tilespmem:s6+$0xFFFFFFD0];
	v50 =	vadd.s32 v29, v41;
	[tilespmem:v35+s25+$0x0] =	vst.idx.msk $0xffff, v56  }
0x108: {  	v55 =	vbroadcast v40, $0x0;
	v52 =	vadd.s32 v0, v33;
	v35 =	vshll.u32 v42, v1;
	v51 =	vld [tilespmem:s6+$0xFFFFFE10];
	[tilespmem:v34+s25+$0x0] =	vst.idx.msk $0xffff, v54  }
0x109: {  	v42 =	vadd.s32 v5, v45;
	v35 =	vbroadcast v35, $0x0;
	v34 =	vshll.u32 v44, v1;
	v40 =	vld [tilespmem:s6+$0xFFFFFE50];
	[tilespmem:v37+s25+$0x0] =	vst.idx.msk $0xffff, v43  }
0x10a: {  	v44 =	vadd.s32 v9, v55;
	v34 =	vbroadcast v34, $0x0;
	v37 =	vshrl.u32 v38, $0x3;
	v43 =	vld [tilespmem:s6+$0xFFFFFE90];
	[tilespmem:v36+s25+$0x0] =	vst.idx.msk $0xffff, v46  }
0x10b: {  	v39 =	vshrl.u32 v39, $0x3;
	v46 =	vadd.s32 v13, v35;
	v36 =	vshll.u32 v37, v1;
	v38 =	vld [tilespmem:s6+$0xFFFFFED0];
	[tilespmem:v49+s25+$0x0] =	vst.idx.msk $0xffff, v48  }
0x10c: {  	v49 =	vadd.s32 v17, v34;
	v37 =	vbroadcast v36, $0x0;
	v36 =	vshll.u32 v39, v1;
	v48 =	vld [tilespmem:s6+$0xFFFFFF10];
	[tilespmem:v50+s25+$0x0] =	vst.idx.msk $0xffff, v47  }
0x10d: {  	v36 =	vbroadcast v36, $0x0;
	v47 =	vadd.s32 v30, v41;
	[tilespmem:v52+s25+$0x0] =	vst.idx.msk $0xffff, v51;
	v39 =	vld [tilespmem:s6+$0xFFFFFFE0]  }
0x10e: {  	[tilespmem:v42+s25+$0x0] =	vst.idx.msk $0xffff, v40;
	v40 =	vld [tilespmem:s6+$0xFFFFFF50];
	v42 =	vadd.s32 v21, v37  }
0x10f: {  	[tilespmem:v44+s25+$0x0] =	vst.idx.msk $0xffff, v43;
	v43 =	vld [tilespmem:s6+$0xFFFFFF90];
	v44 =	vadd.s32 v25, v36  }
0x110: {  	v51 =	vadd.s32 v6, v45;
	v50 =	vld [tilespmem:s6+$0xFFFFFE60];
	[tilespmem:v46+s25+$0x0] =	vst.idx.msk $0xffff, v38  }
0x111: {  	v46 =	vadd.s32 v10, v55;
	v38 =	vld [tilespmem:s6+$0xFFFFFEA0];
	[tilespmem:v49+s25+$0x0] =	vst.idx.msk $0xffff, v48  }
0x112: {  	v49 =	vadd.s32 v14, v35;
	v48 =	vld [tilespmem:s6+$0xFFFFFEE0];
	[tilespmem:v47+s25+$0x0] =	vst.idx.msk $0xffff, v39  }
0x113: {  	[tilespmem:v42+s25+$0x0] =	vst.idx.msk $0xffff, v40;
	v39 =	vld [tilespmem:s6+$0xFFFFFFF0];
	v40 =	vadd.s32 v31, v41  }
0x114: {  	v47 =	vadd.s32 v18, v34;
	v42 =	vld [tilespmem:s6+$0xFFFFFF20];
	[tilespmem:v44+s25+$0x0] =	vst.idx.msk $0xffff, v43  }
0x115: {  	v44 =	vadd.s32 v22, v37;
	[tilespmem:v51+s25+$0x0] =	vst.idx.msk $0xffff, v50;
	v43 =	vld [tilespmem:s6+$0xFFFFFF60]  }
0x116: {  	[tilespmem:v46+s25+$0x0] =	vst.idx.msk $0xffff, v38;
	v38 =	vld [tilespmem:s6+$0xFFFFFFA0];
	v46 =	vadd.s32 v26, v36  }
0x117: {  	v51 =	vadd.s32 v2, v33;
	v50 =	vld [tilespmem:s6+$0xFFFFFE20];
	[tilespmem:v49+s25+$0x0] =	vst.idx.msk $0xffff, v48  }
0x118: {  	v49 =	vadd.s32 v7, v45;
	v48 =	vld [tilespmem:s6+$0xFFFFFE70];
	[tilespmem:v40+s25+$0x0] =	vst.idx.msk $0xffff, v39  }
0x119: {  	[tilespmem:v47+s25+$0x0] =	vst.idx.msk $0xffff, v42;
	v39 =	vld [tilespmem:s6+$0x0];
	v47 =	vadd.s32 v32, v41  }
0x11a: {  	v56 =	vadd.s32 v11, v55;
	v52 =	vld [tilespmem:s6+$0xFFFFFEB0];
	[tilespmem:v44+s25+$0x0] =	vst.idx.msk $0xffff, v43  }
0x11b: {  	v58 =	vadd.s32 v15, v35;
	v57 =	vld [tilespmem:s6+$0xFFFFFEF0];
	[tilespmem:v46+s25+$0x0] =	vst.idx.msk $0xffff, v38  }
0x11c: {  	v60 =	vadd.s32 v19, v34;
	[tilespmem:v51+s25+$0x0] =	vst.idx.msk $0xffff, v50;
	v59 =	vld [tilespmem:s6+$0xFFFFFF30]  }
.Ltmp7:
0x11d: {  	s1 =	sadd.s32 $0x1, s10;
	v41 =	vadd.s32 v23, v37;
	v38 =	vmov s10;
	[tilespmem:v49+s25+$0x0] =	vst.idx.msk $0xffff, v48;
	v40 =	vld [tilespmem:s6+$0xFFFFFF70];
	(pc) =	sbr.rel @p2 .LBB2_11-.Ltmp7, $4  }
0x11e: {  	s11 =	sadd.s32 $0x3, s10;
	v53 =	vmov s1;
	s1 =	sadd.s32 $0x2, s10;
	v43 =	vadd.s32 v27, v36;
	v50 =	vshrl.u32 v38, $0x3;
	v42 =	vld [tilespmem:s6+$0xFFFFFFB0];
	[tilespmem:v47+s25+$0x0] =	vst.idx.msk $0xffff, v39  }
0x11f: {  	v54 =	vmov s1;
	s1 =	sadd.s32 $0x4, s10;
	v44 =	vmov s11;
	s11 =	sadd.s32 $0x5, s10;
	v48 =	vadd.s32 v3, v33;
	v46 =	vld [tilespmem:s6+$0xFFFFFE30];
	[tilespmem:v56+s25+$0x0] =	vst.idx.msk $0xffff, v52  }
0x120: {  	v38 =	vmov s11;
	v51 =	vadd.s32 v8, v45;
	v47 =	vmov s1;
	s1 =	sadd.s32 $0x6, s10;
	v49 =	vld [tilespmem:s6+$0xFFFFFE80];
	[tilespmem:v58+s25+$0x0] =	vst.idx.msk $0xffff, v57  }
0x121: {  	s13 =	sadd.s32 $0x7, s10;
	v45 =	vshll.u32 v50, v1;
	s10 =	sadd.s32 $0x8, s10;
	v39 =	vmov s1;
	v52 =	vadd.s32 v12, v55;
	v50 =	vld [tilespmem:s6+$0xFFFFFEC0];
	[tilespmem:v60+s25+$0x0] =	vst.idx.msk $0xffff, v59  }
0x122: {  	_ =	sdelay $0x2  }
0x123: {  	v53 =	vshrl.u32 v53, $0x3  }
0x124: {  	v55 =	vmov s13;
	v56 =	vld [tilespmem:s6+$0xFFFFFF00];
	v35 =	vadd.s32 v16, v35;
	[tilespmem:v41+s25+$0x0] =	vst.idx.msk $0xffff, v40;
	v57 =	vshrl.u32 v54, $0x3  }
0x125: {  	v59 =	vld [tilespmem:s6+$0xFFFFFF40];
	v34 =	vadd.s32 v20, v34;
	v60 =	vshrl.u32 v44, $0x3;
	v58 =	vshrl.u32 v55, $0x3;
	[tilespmem:v43+s25+$0x0] =	vst.idx.msk $0xffff, v42  }
0x126: {  	v37 =	vadd.s32 v24, v37;
	v62 =	vshrl.u32 v47, $0x3;
	v61 =	vld [tilespmem:s6+$0xFFFFFF80];
	v41 =	vshll.u32 v58, v1;
	[tilespmem:v48+s25+$0x0] =	vst.idx.msk $0xffff, v46  }
0x127: {  	v36 =	vadd.s32 v28, v36;
	v45 =	vbroadcast v45, $0x0;
	v63 =	vld [tilespmem:s6+$0xFFFFFFC0];
	v41 =	vbroadcast v41, $0x0;
	[tilespmem:v51+s25+$0x0] =	vst.idx.msk $0xffff, v49  }
0x128: {  	v33 =	vadd.s32 v4, v33;
	s1 =	sadd.s32 $0x200, s6;
	v38 =	vshrl.u32 v38, $0x3;
	v55 =	vshll.u32 v53, v1;
	v48 =	vld [tilespmem:s6+$0xFFFFFE40];
	[tilespmem:v52+s25+$0x0] =	vst.idx.msk $0xffff, v50  }
0x129: {  	v40 =	vshll.u32 v57, v1;
	v47 =	vbroadcast v55, $0x0;
	v49 =	vld [tilespmem:s1+$0xFFFFFFD0];
	v50 =	vadd.s32 v29, v41;
	[tilespmem:v35+s25+$0x0] =	vst.idx.msk $0xffff, v56  }
0x12a: {  	v42 =	vshll.u32 v60, v1;
	v40 =	vbroadcast v40, $0x0;
	v35 =	vld [tilespmem:s1+$0xFFFFFE10];
	v56 =	vadd.s32 v0, v45;
	[tilespmem:v34+s25+$0x0] =	vst.idx.msk $0xffff, v59  }
0x12b: {  	v57 =	vld [tilespmem:s1+$0xFFFFFE50];
	v44 =	vshll.u32 v62, v1;
	v42 =	vbroadcast v42, $0x0;
	v58 =	vadd.s32 v5, v47;
	[tilespmem:v37+s25+$0x0] =	vst.idx.msk $0xffff, v61  }
0x12c: {  	v38 =	vshll.u32 v38, v1;
	v44 =	vbroadcast v44, $0x0;
	v60 =	vadd.s32 v9, v40;
	v59 =	vld [tilespmem:s1+$0xFFFFFE90];
	[tilespmem:v36+s25+$0x0] =	vst.idx.msk $0xffff, v63  }
0x12d: {  	v38 =	vbroadcast v38, $0x0;
	v62 =	vadd.s32 v13, v42;
	v61 =	vld [tilespmem:s1+$0xFFFFFED0];
	[tilespmem:v33+s25+$0x0] =	vst.idx.msk $0xffff, v48  }
0x12e: {  	v39 =	vshrl.u32 v39, $0x3;
	v63 =	vadd.s32 v17, v44;
	v33 =	vld [tilespmem:s1+$0xFFFFFF10];
	[tilespmem:v50+s25+$0x0] =	vst.idx.msk $0xffff, v49  }
0x12f: {  	v39 =	vshll.u32 v39, v1;
	v34 =	vld [tilespmem:s1+$0xFFFFFF50];
	[tilespmem:v56+s25+$0x0] =	vst.idx.msk $0xffff, v35;
	v56 =	vadd.s32 v21, v38  }
0x130: {  	[tilespmem:v58+s25+$0x0] =	vst.idx.msk $0xffff, v57;
	v35 =	vbroadcast v39, $0x0;
	v49 =	vadd.s32 v30, v41;
	v39 =	vld [tilespmem:s1+$0xFFFFFFE0]  }
0x131: {  	[tilespmem:v60+s25+$0x0] =	vst.idx.msk $0xffff, v59;
	v59 =	vld [tilespmem:s1+$0xFFFFFE60];
	v60 =	vadd.s32 v6, v47  }
0x132: {  	v57 =	vld [tilespmem:s1+$0xFFFFFF90];
	[tilespmem:v62+s25+$0x0] =	vst.idx.msk $0xffff, v61;
	v58 =	vadd.s32 v25, v35  }
0x133: {  	v61 =	vld [tilespmem:s1+$0xFFFFFEA0];
	v62 =	vadd.s32 v10, v40;
	[tilespmem:v63+s25+$0x0] =	vst.idx.msk $0xffff, v33  }
0x134: {  	v33 =	vld [tilespmem:s1+$0xFFFFFEE0];
	v63 =	vadd.s32 v14, v42;
	[tilespmem:v56+s25+$0x0] =	vst.idx.msk $0xffff, v34  }
0x135: {  	v56 =	vadd.s32 v18, v44;
	[tilespmem:v49+s25+$0x0] =	vst.idx.msk $0xffff, v39;
	v49 =	vld [tilespmem:s1+$0xFFFFFF20]  }
0x136: {  	[tilespmem:v60+s25+$0x0] =	vst.idx.msk $0xffff, v59;
	v39 =	vadd.s32 v31, v41;
	v34 =	vld [tilespmem:s1+$0xFFFFFFF0]  }
0x137: {  	[tilespmem:v58+s25+$0x0] =	vst.idx.msk $0xffff, v57;
	v57 =	vld [tilespmem:s1+$0xFFFFFF60];
	v58 =	vadd.s32 v22, v38  }
0x138: {  	[tilespmem:v62+s25+$0x0] =	vst.idx.msk $0xffff, v61;
	v61 =	vld [tilespmem:s1+$0xFFFFFE20];
	v62 =	vadd.s32 v2, v45  }
0x139: {  	v60 =	vadd.s32 v26, v35;
	v59 =	vld [tilespmem:s1+$0xFFFFFFA0];
	[tilespmem:v63+s25+$0x0] =	vst.idx.msk $0xffff, v33  }
0x13a: {  	v55 =	vadd.s32 v11, v40;
	v54 =	vadd.s32 v32, v41;
	v41 =	vld [tilespmem:s1+$0xFFFFFEB0];
	[tilespmem:v56+s25+$0x0] =	vst.idx.msk $0xffff, v49  }
0x13b: {  	v53 =	vadd.s32 v7, v47;
	v63 =	vld [tilespmem:s1+$0xFFFFFE70];
	[tilespmem:v39+s25+$0x0] =	vst.idx.msk $0xffff, v34  }
0x13c: {  	v56 =	vld [tilespmem:s1+$0xFFFFFEF0];
	[tilespmem:v58+s25+$0x0] =	vst.idx.msk $0xffff, v57;
	v57 =	vadd.s32 v15, v42  }
0x13d: {  	[tilespmem:v62+s25+$0x0] =	vst.idx.msk $0xffff, v61;
	v34 =	vld [tilespmem:s1+$0x0]  }
0x13e: {  	v58 =	vld [tilespmem:s1+$0xFFFFFF30];
	[tilespmem:v60+s25+$0x0] =	vst.idx.msk $0xffff, v59;
	v59 =	vadd.s32 v19, v44  }
0x13f: {  	v61 =	vadd.s32 v23, v38;
	[tilespmem:v55+s25+$0x0] =	vst.idx.msk $0xffff, v41;
	v60 =	vld [tilespmem:s1+$0xFFFFFF70]  }
0x140: {  	[tilespmem:v53+s25+$0x0] =	vst.idx.msk $0xffff, v63;
	v63 =	vadd.s32 v27, v35;
	v62 =	vld [tilespmem:s1+$0xFFFFFFB0]  }
0x141: {  	v47 =	vadd.s32 v8, v47;
	v55 =	vld [tilespmem:s1+$0xFFFFFE80];
	[tilespmem:v57+s25+$0x0] =	vst.idx.msk $0xffff, v56  }
0x142: {  	v53 =	vld [tilespmem:s1+$0xFFFFFE30];
	[tilespmem:v54+s25+$0x0] =	vst.idx.msk $0xffff, v34;
	v54 =	vadd.s32 v3, v45  }
0x143: {  	v40 =	vadd.s32 v12, v40;
	v56 =	vld [tilespmem:s1+$0xFFFFFEC0];
	[tilespmem:v59+s25+$0x0] =	vst.idx.msk $0xffff, v58  }
0x144: {  	v42 =	vadd.s32 v16, v42;
	v57 =	vld [tilespmem:s1+$0xFFFFFF00];
	[tilespmem:v61+s25+$0x0] =	vst.idx.msk $0xffff, v60  }
0x145: {  	v59 =	vadd.s32 v20, v44;
	v58 =	vld [tilespmem:s1+$0xFFFFFF40];
	[tilespmem:v63+s25+$0x0] =	vst.idx.msk $0xffff, v62  }
0x146: {  	v38 =	vadd.s32 v24, v38;
	v60 =	vld [tilespmem:s1+$0xFFFFFF80];
	[tilespmem:v47+s25+$0x0] =	vst.idx.msk $0xffff, v55  }
0x147: {  	v35 =	vadd.s32 v28, v35;
	v61 =	vld [tilespmem:s1+$0xFFFFFFC0];
	[tilespmem:v54+s25+$0x0] =	vst.idx.msk $0xffff, v53  }
0x148: {  	v63 =	vadd.s32 v4, v45;
	[tilespmem:v40+s25+$0x0] =	vst.idx.msk $0xffff, v56;
	v62 =	vld [tilespmem:s1+$0xFFFFFE40]  }
0x149: {  	[tilespmem:v42+s25+$0x0] =	vst.idx.msk $0xffff, v57  }
0x14a: {  	[tilespmem:v59+s25+$0x0] =	vst.idx.msk $0xffff, v58  }
0x14b: {  	[tilespmem:v38+s25+$0x0] =	vst.idx.msk $0xffff, v60  }
0x14c: {  	[tilespmem:v35+s25+$0x0] =	vst.idx.msk $0xffff, v61  }
0x14d: {  	s10 =	sadd.s32 s19, s7;
	s1 =	simm.s32 $0x10600;
	[tilespmem:v63+s25+$0x0] =	vst.idx.msk $0xffff, v62  }
0x14e: {  	[hbm4b:s10+s3] =	stream.linear.scatter [tilespmem:s1], [sflag:$0x6], $0x80, $0x38;
	[tilespmem:$0x16C00] =	vst v63  }
0x14f: {  	s11 =	sadd.s32 $0x10, s10;
	s6 =	simm.s32 $0x10688  }
0x150: {  	[hbm4b:s11+s3] =	stream.linear.scatter [tilespmem:s6], [sflag:$0x6], $0x80, $0x38;
	[tilespmem:$0x16C00] =	vst v63  }
0x151: {  	s13 =	simm.s32 $0x10710;
	s15 =	sadd.s32 $0x20, s10  }
0x152: {  	[hbm4b:s15+s3] =	stream.linear.scatter [tilespmem:s13], [sflag:$0x6], $0x80, $0x38;
	[tilespmem:$0x16C00] =	vst v63  }
0x153: {  	s6 =	simm.s32 $0x10798;
	s11 =	sadd.s32 $0x30, s10  }
0x154: {  	[hbm4b:s11+s3] =	stream.linear.scatter [tilespmem:s6], [sflag:$0x6], $0x80, $0x38;
	[tilespmem:$0x16C00] =	vst v63  }
0x155: {  	s13 =	simm.s32 $0x10820;
	s15 =	sadd.s32 $0x40, s10  }
0x156: {  	[hbm4b:s15+s3] =	stream.linear.scatter [tilespmem:s13], [sflag:$0x6], $0x80, $0x38;
	[tilespmem:$0x16C00] =	vst v63  }
0x157: {  	s1 =	simm.s32 $0x109B8;
	s6 =	simm.s32 $0x108A8;
	s11 =	sadd.s32 $0x50, s10  }
0x158: {  	[hbm4b:s11+s3] =	stream.linear.scatter [tilespmem:s6], [sflag:$0x6], $0x80, $0x38;
	[tilespmem:$0x16C00] =	vst v63  }
0x159: {  	s13 =	simm.s32 $0x10930;
	s15 =	sadd.s32 $0x60, s10;
	s6 =	simm.s32 $0x440  }
0x15a: {  	[hbm4b:s15+s3] =	stream.linear.scatter [tilespmem:s13], [sflag:$0x6], $0x80, $0x38;
	[tilespmem:$0x16C00] =	vst v63  }
0x15b: {  	s11 =	sadd.s32 $0x70, s10;
	s10 =	sadd.s32 $0x1000, s10;
	s13 =	simm.s32 $0x2200  }
.LBB2_13:
0x15c: {  	[hbm4b:s11+s3] =	stream.linear.scatter [tilespmem:s1], [sflag:$0x6], $0x80, $0x38;
	[tilespmem:$0x16C00] =	vst v63  }
0x15d: {  	s1 =	smov.u32 s6;
	s6 =	smov.u32 s13  }
0x15e: {  	s15 =	sadd.s32 $0x1100, s13;
	s6 =	sshra.s32 s6, $0x2;
	s11 =	sadd.s32 $0x10600, s1  }
0x15f: {  	[hbm4b:s10+s3] =	stream.linear.scatter [tilespmem:s11], [sflag:$0x6], $0x80, $0x38;
	[tilespmem:$0x16C00] =	vst v63  }
0x160: {  	p2 =	sne.s32 s13, $0x7700;
	s13 =	sadd.s32 $0x10, s10;
	s11 =	sadd.s32 $0x10688, s1  }
0x161: {  	[hbm4b:s13+s3] =	stream.linear.scatter [tilespmem:s11], [sflag:$0x6], $0x80, $0x38;
	[tilespmem:$0x16C00] =	vst v63  }
0x162: {  	s11 =	sadd.s32 $0x10710, s1;
	s13 =	sadd.s32 $0x20, s10  }
0x163: {  	[hbm4b:s13+s3] =	stream.linear.scatter [tilespmem:s11], [sflag:$0x6], $0x80, $0x38;
	[tilespmem:$0x16C00] =	vst v63  }
0x164: {  	s11 =	sadd.s32 $0x10798, s1;
	s13 =	sadd.s32 $0x30, s10  }
0x165: {  	[hbm4b:s13+s3] =	stream.linear.scatter [tilespmem:s11], [sflag:$0x6], $0x80, $0x38;
	[tilespmem:$0x16C00] =	vst v63  }
0x166: {  	s11 =	sadd.s32 $0x10820, s1;
	s13 =	sadd.s32 $0x40, s10  }
0x167: {  	[hbm4b:s13+s3] =	stream.linear.scatter [tilespmem:s11], [sflag:$0x6], $0x80, $0x38;
	[tilespmem:$0x16C00] =	vst v63  }
.Ltmp8:
0x168: {  	s11 =	sadd.s32 $0x108A8, s1;
	s13 =	sadd.s32 $0x50, s10;
	(pc) =	sbr.rel @p2 .LBB2_13-.Ltmp8, $4  }
0x169: {  	[hbm4b:s13+s3] =	stream.linear.scatter [tilespmem:s11], [sflag:$0x6], $0x80, $0x38;
	[tilespmem:$0x16C00] =	vst v63  }
0x16a: {  	s11 =	sadd.s32 $0x10930, s1;
	s13 =	sadd.s32 $0x60, s10;
	s1 =	sadd.s32 $0x109B8, s1  }
0x16b: {  	[hbm4b:s13+s3] =	stream.linear.scatter [tilespmem:s11], [sflag:$0x6], $0x80, $0x38;
	[tilespmem:$0x16C00] =	vst v63  }
0x16c: {  	s11 =	sadd.s32 $0x70, s10;
	s10 =	sadd.s32 $0x1000, s10;
	s13 =	smov.u32 s15  }
0x16d: {  	[hbm4b:s11+s3] =	stream.linear.scatter [tilespmem:s1], [sflag:$0x6], $0x80, $0x38;
	[tilespmem:$0x16C00] =	vst v63  }
0x16e: {  	s11 =	sadd.s32 $0x10600, s6  }
0x16f: {  	[hbm4b:s10+s3] =	stream.linear.scatter [tilespmem:s11], [sflag:$0x6], $0x80, $0x38;
	[tilespmem:$0x16C00] =	vst v63  }
0x170: {  	s13 =	sadd.s32 $0x10688, s6;
	s15 =	sadd.s32 $0x10, s10  }
0x171: {  	[hbm4b:s15+s3] =	stream.linear.scatter [tilespmem:s13], [sflag:$0x6], $0x80, $0x38;
	[tilespmem:$0x16C00] =	vst v63  }
0x172: {  	s13 =	sadd.s32 $0x10710, s6;
	s15 =	sadd.s32 $0x20, s10  }
0x173: {  	[hbm4b:s15+s3] =	stream.linear.scatter [tilespmem:s13], [sflag:$0x6], $0x80, $0x38;
	[tilespmem:$0x16C00] =	vst v63  }
0x174: {  	s13 =	sadd.s32 $0x10798, s6;
	s15 =	sadd.s32 $0x30, s10  }
0x175: {  	[hbm4b:s15+s3] =	stream.linear.scatter [tilespmem:s13], [sflag:$0x6], $0x80, $0x38;
	[tilespmem:$0x16C00] =	vst v63  }
0x176: {  	s13 =	sadd.s32 $0x10820, s6;
	s15 =	sadd.s32 $0x40, s10  }
0x177: {  	[hbm4b:s15+s3] =	stream.linear.scatter [tilespmem:s13], [sflag:$0x6], $0x80, $0x38;
	[tilespmem:$0x16C00] =	vst v63  }
0x178: {  	s13 =	sadd.s32 $0x108A8, s6;
	s15 =	sadd.s32 $0x50, s10  }
0x179: {  	[hbm4b:s15+s3] =	stream.linear.scatter [tilespmem:s13], [sflag:$0x6], $0x80, $0x38;
	[tilespmem:$0x16C00] =	vst v63  }
.Ltmp9:
0x17a: {  	_ = 	snop;
	(pc) =	sbr.rel @p1 .LBB2_16-.Ltmp9, $4  }
0x17b: {  	s13 =	sadd.s32 $0x10930, s6;
	s15 =	sadd.s32 $0x60, s10  }
0x17c: {  	[hbm4b:s15+s3] =	stream.linear.scatter [tilespmem:s13], [sflag:$0x6], $0x80, $0x38;
	[tilespmem:$0x16C00] =	vst v63  }
0x17d: {  	s13 =	sadd.s32 $0x109B8, s6;
	s15 =	sadd.s32 $0x70, s10  }
0x17e: {  	[hbm4b:s15+s3] =	stream.linear.scatter [tilespmem:s13], [sflag:$0x6], $0x80, $0x38;
	[tilespmem:$0x16C00] =	vst v63  }
.Ltmp10:
0x17f: {  	(pc) =	sbr.rel .LBB2_17-.Ltmp10, $4  }
0x180: {  	_ = 	snop  }
0x181: {  	_ =	swait.ge [sflag:s26], $0x2000  }
0x182: {  	[sflag:s26] =	ssyncset.done $0x0  }
0x183: {  	[sflag:s26] =	ssyncadd.s32 $0xFFFFE000  }
.LBB2_16:
0x184: {  	s1 =	sadd.s32 $0x280, s17  }
.Ltmp11:
0x185: {  	s1 =	sand.u32 $0xFE80, s1;
	(pc) =	sbr.rel @p0 .LBB2_18-.Ltmp11, $4  }
0x186: {  	[tilespmem:s16], [sflag:$0x2] =	stream.indirect.gather [hbm4b:s5+s14], $0x40, s1, s14, $0xb8;
	[tilespmem:$0x16C00] =	vst v63  }
0x187: {  	_ =	swait.ge [sflag:s26], $0x2000  }
0x188: {  	[sflag:s26] =	ssyncset.done $0x0  }
0x189: {  	[sflag:s26] =	ssyncadd.s32 $0xFFFFE000  }
.LBB2_17:
0x18a: {  	_ =	swait.ge [sflag:s28], $0x2000  }
0x18b: {  	[sflag:s28] =	ssyncset.done $0x0  }
0x18c: {  	[sflag:s28] =	ssyncadd.s32 $0xFFFFE000  }
.LBB2_18:
0x18d: {  	s1 =	simm.s32 $0x0;
	s10 =	simm.s32 $0x1;
	s6 =	simm.s32 $0x2  }
0x18e: {  	s11 =	simm.s32 $0x3;
	s13 =	simm.s32 $0x4;
	s15 =	simm.s32 $0x5;
	v33 =	vmov s1;
	v34 =	vmov s10;
	v35 =	vmov s6  }
0x18f: {  	s10 =	simm.s32 $0x7;
	v36 =	vmov s11;
	v37 =	vmov s13;
	v39 =	vmov s15;
	s6 =	simm.s32 $0x6  }
0x190: {  	v33 =	vshrl.u32 v33, $0x3;
	v38 =	vmov s10;
	v40 =	vmov s6  }
0x191: {  	v34 =	vshrl.u32 v34, $0x3;
	v35 =	vshrl.u32 v35, $0x3;
	v36 =	vshrl.u32 v36, $0x3  }
0x192: {  	v37 =	vshrl.u32 v37, $0x3;
	v55 =	vshrl.u32 v39, $0x3;
	v33 =	vshll.u32 v33, v1  }
0x193: {  	v38 =	vshrl.u32 v38, $0x3;
	v34 =	vshll.u32 v34, v1;
	v33 =	vbroadcast v33, $0x0  }
0x194: {  	s6 =	simm.s32 $0xA5F0;
	v52 =	vshll.u32 v35, v1;
	v38 =	vshll.u32 v38, v1;
	v45 =	vbroadcast v34, $0x0  }
0x195: {  	v43 =	vld [tilespmem:s6+$0xFFFFFE10];
	v53 =	vshll.u32 v36, v1;
	v38 =	vbroadcast v38, $0x0;
	v44 =	vadd.s32 v0, v33  }
0x196: {  	v46 =	vld [tilespmem:s6+$0xFFFFFE50];
	v54 =	vshll.u32 v37, v1;
	v52 =	vbroadcast v52, $0x0;
	v47 =	vadd.s32 v5, v45  }
0x197: {  	v41 =	vld [tilespmem:s6+$0xFFFFFFD0];
	v36 =	vshll.u32 v55, v1;
	v35 =	vbroadcast v53, $0x0;
	v42 =	vadd.s32 v29, v38  }
0x198: {  	v48 =	vld [tilespmem:s6+$0xFFFFFE90];
	v40 =	vshrl.u32 v40, $0x3;
	v34 =	vbroadcast v54, $0x0;
	v49 =	vadd.s32 v9, v52  }
0x199: {  	v39 =	vld [tilespmem:s6+$0xFFFFFED0];
	v37 =	vbroadcast v36, $0x0;
	v56 =	vshll.u32 v40, v1;
	v50 =	vadd.s32 v13, v35  }
0x19a: {  	v51 =	vld [tilespmem:s6+$0xFFFFFF10];
	v36 =	vbroadcast v56, $0x0;
	v53 =	vadd.s32 v17, v34;
	[tilespmem:v44+s29+$0x0] =	vst.idx.msk $0xffff, v43  }
0x19b: {  	v59 =	vld [tilespmem:s6+$0xFFFFFF50];
	v60 =	vadd.s32 v21, v37;
	[tilespmem:v47+s29+$0x0] =	vst.idx.msk $0xffff, v46  }
0x19c: {  	v61 =	vld [tilespmem:s6+$0xFFFFFF90];
	v62 =	vadd.s32 v25, v36;
	[tilespmem:v42+s29+$0x0] =	vst.idx.msk $0xffff, v41  }
0x19d: {  	v58 =	vadd.s32 v30, v38;
	[tilespmem:v49+s29+$0x0] =	vst.idx.msk $0xffff, v48;
	v57 =	vld [tilespmem:s6+$0xFFFFFFE0]  }
0x19e: {  	v63 =	vadd.s32 v6, v45;
	[tilespmem:v50+s29+$0x0] =	vst.idx.msk $0xffff, v39;
	v47 =	vld [tilespmem:s6+$0xFFFFFE60]  }
0x19f: {  	v55 =	vadd.s32 v10, v52;
	[tilespmem:v53+s29+$0x0] =	vst.idx.msk $0xffff, v51;
	v54 =	vld [tilespmem:s6+$0xFFFFFEA0]  }
0x1a0: {  	v56 =	vadd.s32 v14, v35;
	[tilespmem:v60+s29+$0x0] =	vst.idx.msk $0xffff, v59;
	v50 =	vld [tilespmem:s6+$0xFFFFFEE0]  }
0x1a1: {  	v46 =	vadd.s32 v22, v37;
	[tilespmem:v62+s29+$0x0] =	vst.idx.msk $0xffff, v61;
	v44 =	vld [tilespmem:s6+$0xFFFFFF60]  }
0x1a2: {  	v59 =	vadd.s32 v18, v34;
	[tilespmem:v58+s29+$0x0] =	vst.idx.msk $0xffff, v57;
	v58 =	vld [tilespmem:s6+$0xFFFFFF20]  }
0x1a3: {  	[tilespmem:v63+s29+$0x0] =	vst.idx.msk $0xffff, v47;
	v57 =	vadd.s32 v31, v38;
	v40 =	vld [tilespmem:s6+$0xFFFFFFF0]  }
0x1a4: {  	v61 =	vld [tilespmem:s6+$0xFFFFFE20];
	v62 =	vadd.s32 v2, v33;
	[tilespmem:v55+s29+$0x0] =	vst.idx.msk $0xffff, v54  }
0x1a5: {  	v60 =	vadd.s32 v26, v36;
	v63 =	vld [tilespmem:s6+$0xFFFFFFA0];
	[tilespmem:v56+s29+$0x0] =	vst.idx.msk $0xffff, v50  }
0x1a6: {  	v51 =	vadd.s32 v7, v45;
	[tilespmem:v46+s29+$0x0] =	vst.idx.msk $0xffff, v44;
	v50 =	vld [tilespmem:s6+$0xFFFFFE70]  }
0x1a7: {  	v56 =	vadd.s32 v11, v52;
	v55 =	vld [tilespmem:s6+$0xFFFFFEB0];
	[tilespmem:v59+s29+$0x0] =	vst.idx.msk $0xffff, v58  }
0x1a8: {  	v58 =	vadd.s32 v15, v35;
	[tilespmem:v57+s29+$0x0] =	vst.idx.msk $0xffff, v40;
	v57 =	vld [tilespmem:s6+$0xFFFFFEF0]  }
0x1a9: {  	[tilespmem:v62+s29+$0x0] =	vst.idx.msk $0xffff, v61;
	v38 =	vadd.s32 v32, v38;
	v54 =	vld [tilespmem:s6+$0x0]  }
0x1aa: {  	s11 =	simm.s32 $0x9;
	[tilespmem:v60+s29+$0x0] =	vst.idx.msk $0xffff, v63;
	v60 =	vadd.s32 v19, v34;
	v59 =	vld [tilespmem:s6+$0xFFFFFF30]  }
0x1ab: {  	s15 =	simm.s32 $0xB;
	v53 =	vmov s11;
	v41 =	vadd.s32 v23, v37;
	[tilespmem:v51+s29+$0x0] =	vst.idx.msk $0xffff, v50;
	v40 =	vld [tilespmem:s6+$0xFFFFFF70]  }
0x1ac: {  	s10 =	simm.s32 $0x8;
	v43 =	vadd.s32 v27, v36;
	s11 =	simm.s32 $0xC;
	v48 =	vadd.s32 v3, v33;
	v44 =	vmov s15;
	v42 =	vld [tilespmem:s6+$0xFFFFFFB0];
	[tilespmem:v56+s29+$0x0] =	vst.idx.msk $0xffff, v55  }
0x1ad: {  	s13 =	simm.s32 $0xA;
	v47 =	vmov s11;
	v52 =	vadd.s32 v12, v52;
	v46 =	vld [tilespmem:s6+$0xFFFFFE30];
	v63 =	vmov s10;
	[tilespmem:v58+s29+$0x0] =	vst.idx.msk $0xffff, v57  }
0x1ae: {  	s15 =	simm.s32 $0xE;
	v39 =	vshrl.u32 v63, $0x3;
	v51 =	vadd.s32 v8, v45;
	v49 =	vld [tilespmem:s6+$0xFFFFFE80];
	[tilespmem:v38+s29+$0x0] =	vst.idx.msk $0xffff, v54;
	v54 =	vmov s13;
	s13 =	simm.s32 $0xD  }
0x1af: {  	s10 =	simm.s32 $0x10;
	v45 =	vshll.u32 v39, v1;
	v39 =	vmov s15;
	v50 =	vld [tilespmem:s6+$0xFFFFFEC0];
	[tilespmem:v60+s29+$0x0] =	vst.idx.msk $0xffff, v59;
	v38 =	vmov s13;
	s13 =	simm.s32 $0xF  }
.LBB2_19:
0x1b0: {  	p2 =	slt.u32 s10, $0x78;
	v53 =	vshrl.u32 v53, $0x3;
	v55 =	vmov s13;
	v56 =	vld [tilespmem:s6+$0xFFFFFF00];
	v35 =	vadd.s32 v16, v35;
	[tilespmem:v41+s29+$0x0] =	vst.idx.msk $0xffff, v40  }
0x1b1: {  	v40 =	vshrl.u32 v54, $0x3;
	v34 =	vadd.s32 v20, v34;
	v41 =	vshrl.u32 v55, $0x3;
	v54 =	vld [tilespmem:s6+$0xFFFFFF40];
	[tilespmem:v43+s29+$0x0] =	vst.idx.msk $0xffff, v42  }
0x1b2: {  	v37 =	vadd.s32 v24, v37;
	v42 =	vshrl.u32 v44, $0x3;
	v41 =	vshll.u32 v41, v1;
	[tilespmem:v48+s29+$0x0] =	vst.idx.msk $0xffff, v46;
	v43 =	vld [tilespmem:s6+$0xFFFFFF80]  }
0x1b3: {  	v36 =	vadd.s32 v28, v36;
	v44 =	vshrl.u32 v47, $0x3;
	v41 =	vbroadcast v41, $0x0;
	[tilespmem:v51+s29+$0x0] =	vst.idx.msk $0xffff, v49;
	v46 =	vld [tilespmem:s6+$0xFFFFFFC0]  }
0x1b4: {  	v47 =	vshll.u32 v53, v1;
	v49 =	vadd.s32 v4, v33;
	v33 =	vbroadcast v45, $0x0;
	v48 =	vld [tilespmem:s6+$0xFFFFFE40];
	[tilespmem:v52+s29+$0x0] =	vst.idx.msk $0xffff, v50;
	s6 =	sadd.s32 $0x200, s6  }
0x1b5: {  	v40 =	vshll.u32 v40, v1;
	v45 =	vbroadcast v47, $0x0;
	v47 =	vld [tilespmem:s6+$0xFFFFFFD0];
	v50 =	vadd.s32 v29, v41;
	[tilespmem:v35+s29+$0x0] =	vst.idx.msk $0xffff, v56  }
0x1b6: {  	v55 =	vbroadcast v40, $0x0;
	v52 =	vadd.s32 v0, v33;
	v35 =	vshll.u32 v42, v1;
	v51 =	vld [tilespmem:s6+$0xFFFFFE10];
	[tilespmem:v34+s29+$0x0] =	vst.idx.msk $0xffff, v54  }
0x1b7: {  	v42 =	vadd.s32 v5, v45;
	v35 =	vbroadcast v35, $0x0;
	v34 =	vshll.u32 v44, v1;
	v40 =	vld [tilespmem:s6+$0xFFFFFE50];
	[tilespmem:v37+s29+$0x0] =	vst.idx.msk $0xffff, v43  }
0x1b8: {  	v44 =	vadd.s32 v9, v55;
	v34 =	vbroadcast v34, $0x0;
	v37 =	vshrl.u32 v38, $0x3;
	v43 =	vld [tilespmem:s6+$0xFFFFFE90];
	[tilespmem:v36+s29+$0x0] =	vst.idx.msk $0xffff, v46  }
0x1b9: {  	v39 =	vshrl.u32 v39, $0x3;
	v46 =	vadd.s32 v13, v35;
	v36 =	vshll.u32 v37, v1;
	v38 =	vld [tilespmem:s6+$0xFFFFFED0];
	[tilespmem:v49+s29+$0x0] =	vst.idx.msk $0xffff, v48  }
0x1ba: {  	v49 =	vadd.s32 v17, v34;
	v37 =	vbroadcast v36, $0x0;
	v36 =	vshll.u32 v39, v1;
	v48 =	vld [tilespmem:s6+$0xFFFFFF10];
	[tilespmem:v50+s29+$0x0] =	vst.idx.msk $0xffff, v47  }
0x1bb: {  	v36 =	vbroadcast v36, $0x0;
	v47 =	vadd.s32 v30, v41;
	[tilespmem:v52+s29+$0x0] =	vst.idx.msk $0xffff, v51;
	v39 =	vld [tilespmem:s6+$0xFFFFFFE0]  }
0x1bc: {  	[tilespmem:v42+s29+$0x0] =	vst.idx.msk $0xffff, v40;
	v40 =	vld [tilespmem:s6+$0xFFFFFF50];
	v42 =	vadd.s32 v21, v37  }
0x1bd: {  	[tilespmem:v44+s29+$0x0] =	vst.idx.msk $0xffff, v43;
	v43 =	vld [tilespmem:s6+$0xFFFFFF90];
	v44 =	vadd.s32 v25, v36  }
0x1be: {  	v51 =	vadd.s32 v6, v45;
	v50 =	vld [tilespmem:s6+$0xFFFFFE60];
	[tilespmem:v46+s29+$0x0] =	vst.idx.msk $0xffff, v38  }
0x1bf: {  	v46 =	vadd.s32 v10, v55;
	v38 =	vld [tilespmem:s6+$0xFFFFFEA0];
	[tilespmem:v49+s29+$0x0] =	vst.idx.msk $0xffff, v48  }
0x1c0: {  	v49 =	vadd.s32 v14, v35;
	v48 =	vld [tilespmem:s6+$0xFFFFFEE0];
	[tilespmem:v47+s29+$0x0] =	vst.idx.msk $0xffff, v39  }
0x1c1: {  	[tilespmem:v42+s29+$0x0] =	vst.idx.msk $0xffff, v40;
	v39 =	vld [tilespmem:s6+$0xFFFFFFF0];
	v40 =	vadd.s32 v31, v41  }
0x1c2: {  	v47 =	vadd.s32 v18, v34;
	v42 =	vld [tilespmem:s6+$0xFFFFFF20];
	[tilespmem:v44+s29+$0x0] =	vst.idx.msk $0xffff, v43  }
0x1c3: {  	v44 =	vadd.s32 v22, v37;
	[tilespmem:v51+s29+$0x0] =	vst.idx.msk $0xffff, v50;
	v43 =	vld [tilespmem:s6+$0xFFFFFF60]  }
0x1c4: {  	[tilespmem:v46+s29+$0x0] =	vst.idx.msk $0xffff, v38;
	v38 =	vld [tilespmem:s6+$0xFFFFFFA0];
	v46 =	vadd.s32 v26, v36  }
0x1c5: {  	v51 =	vadd.s32 v2, v33;
	v50 =	vld [tilespmem:s6+$0xFFFFFE20];
	[tilespmem:v49+s29+$0x0] =	vst.idx.msk $0xffff, v48  }
0x1c6: {  	v49 =	vadd.s32 v7, v45;
	v48 =	vld [tilespmem:s6+$0xFFFFFE70];
	[tilespmem:v40+s29+$0x0] =	vst.idx.msk $0xffff, v39  }
0x1c7: {  	[tilespmem:v47+s29+$0x0] =	vst.idx.msk $0xffff, v42;
	v39 =	vld [tilespmem:s6+$0x0];
	v47 =	vadd.s32 v32, v41  }
0x1c8: {  	v56 =	vadd.s32 v11, v55;
	v52 =	vld [tilespmem:s6+$0xFFFFFEB0];
	[tilespmem:v44+s29+$0x0] =	vst.idx.msk $0xffff, v43  }
0x1c9: {  	v58 =	vadd.s32 v15, v35;
	v57 =	vld [tilespmem:s6+$0xFFFFFEF0];
	[tilespmem:v46+s29+$0x0] =	vst.idx.msk $0xffff, v38  }
0x1ca: {  	v60 =	vadd.s32 v19, v34;
	[tilespmem:v51+s29+$0x0] =	vst.idx.msk $0xffff, v50;
	v59 =	vld [tilespmem:s6+$0xFFFFFF30]  }
.Ltmp12:
0x1cb: {  	s1 =	sadd.s32 $0x1, s10;
	v41 =	vadd.s32 v23, v37;
	v38 =	vmov s10;
	[tilespmem:v49+s29+$0x0] =	vst.idx.msk $0xffff, v48;
	v40 =	vld [tilespmem:s6+$0xFFFFFF70];
	(pc) =	sbr.rel @p2 .LBB2_19-.Ltmp12, $4  }
0x1cc: {  	s11 =	sadd.s32 $0x3, s10;
	v53 =	vmov s1;
	s1 =	sadd.s32 $0x2, s10;
	v43 =	vadd.s32 v27, v36;
	v50 =	vshrl.u32 v38, $0x3;
	v42 =	vld [tilespmem:s6+$0xFFFFFFB0];
	[tilespmem:v47+s29+$0x0] =	vst.idx.msk $0xffff, v39  }
0x1cd: {  	v54 =	vmov s1;
	s1 =	sadd.s32 $0x4, s10;
	v44 =	vmov s11;
	s11 =	sadd.s32 $0x5, s10;
	v48 =	vadd.s32 v3, v33;
	v46 =	vld [tilespmem:s6+$0xFFFFFE30];
	[tilespmem:v56+s29+$0x0] =	vst.idx.msk $0xffff, v52  }
0x1ce: {  	v38 =	vmov s11;
	v51 =	vadd.s32 v8, v45;
	v47 =	vmov s1;
	s1 =	sadd.s32 $0x6, s10;
	v49 =	vld [tilespmem:s6+$0xFFFFFE80];
	[tilespmem:v58+s29+$0x0] =	vst.idx.msk $0xffff, v57  }
0x1cf: {  	s13 =	sadd.s32 $0x7, s10;
	v45 =	vshll.u32 v50, v1;
	s10 =	sadd.s32 $0x8, s10;
	v39 =	vmov s1;
	v52 =	vadd.s32 v12, v55;
	v50 =	vld [tilespmem:s6+$0xFFFFFEC0];
	[tilespmem:v60+s29+$0x0] =	vst.idx.msk $0xffff, v59  }
0x1d0: {  	_ =	sdelay $0x2  }
0x1d1: {  	v53 =	vshrl.u32 v53, $0x3  }
0x1d2: {  	v55 =	vmov s13;
	v56 =	vld [tilespmem:s6+$0xFFFFFF00];
	v35 =	vadd.s32 v16, v35;
	[tilespmem:v41+s29+$0x0] =	vst.idx.msk $0xffff, v40;
	v57 =	vshrl.u32 v54, $0x3  }
0x1d3: {  	v59 =	vld [tilespmem:s6+$0xFFFFFF40];
	v34 =	vadd.s32 v20, v34;
	v60 =	vshrl.u32 v44, $0x3;
	v58 =	vshrl.u32 v55, $0x3;
	[tilespmem:v43+s29+$0x0] =	vst.idx.msk $0xffff, v42  }
0x1d4: {  	v37 =	vadd.s32 v24, v37;
	v62 =	vshrl.u32 v47, $0x3;
	v61 =	vld [tilespmem:s6+$0xFFFFFF80];
	v41 =	vshll.u32 v58, v1;
	[tilespmem:v48+s29+$0x0] =	vst.idx.msk $0xffff, v46  }
0x1d5: {  	v36 =	vadd.s32 v28, v36;
	v45 =	vbroadcast v45, $0x0;
	v63 =	vld [tilespmem:s6+$0xFFFFFFC0];
	v41 =	vbroadcast v41, $0x0;
	[tilespmem:v51+s29+$0x0] =	vst.idx.msk $0xffff, v49  }
0x1d6: {  	v33 =	vadd.s32 v4, v33;
	s1 =	sadd.s32 $0x200, s6;
	v38 =	vshrl.u32 v38, $0x3;
	v55 =	vshll.u32 v53, v1;
	v48 =	vld [tilespmem:s6+$0xFFFFFE40];
	[tilespmem:v52+s29+$0x0] =	vst.idx.msk $0xffff, v50  }
0x1d7: {  	v40 =	vshll.u32 v57, v1;
	v47 =	vbroadcast v55, $0x0;
	v49 =	vld [tilespmem:s1+$0xFFFFFFD0];
	v50 =	vadd.s32 v29, v41;
	[tilespmem:v35+s29+$0x0] =	vst.idx.msk $0xffff, v56  }
0x1d8: {  	v42 =	vshll.u32 v60, v1;
	v40 =	vbroadcast v40, $0x0;
	v35 =	vld [tilespmem:s1+$0xFFFFFE10];
	v56 =	vadd.s32 v0, v45;
	[tilespmem:v34+s29+$0x0] =	vst.idx.msk $0xffff, v59  }
0x1d9: {  	v57 =	vld [tilespmem:s1+$0xFFFFFE50];
	v44 =	vshll.u32 v62, v1;
	v42 =	vbroadcast v42, $0x0;
	v58 =	vadd.s32 v5, v47;
	[tilespmem:v37+s29+$0x0] =	vst.idx.msk $0xffff, v61  }
0x1da: {  	v38 =	vshll.u32 v38, v1;
	v44 =	vbroadcast v44, $0x0;
	v60 =	vadd.s32 v9, v40;
	v59 =	vld [tilespmem:s1+$0xFFFFFE90];
	[tilespmem:v36+s29+$0x0] =	vst.idx.msk $0xffff, v63  }
0x1db: {  	v38 =	vbroadcast v38, $0x0;
	v62 =	vadd.s32 v13, v42;
	v61 =	vld [tilespmem:s1+$0xFFFFFED0];
	[tilespmem:v33+s29+$0x0] =	vst.idx.msk $0xffff, v48  }
0x1dc: {  	v39 =	vshrl.u32 v39, $0x3;
	v63 =	vadd.s32 v17, v44;
	v33 =	vld [tilespmem:s1+$0xFFFFFF10];
	[tilespmem:v50+s29+$0x0] =	vst.idx.msk $0xffff, v49  }
0x1dd: {  	v39 =	vshll.u32 v39, v1;
	v34 =	vld [tilespmem:s1+$0xFFFFFF50];
	[tilespmem:v56+s29+$0x0] =	vst.idx.msk $0xffff, v35;
	v56 =	vadd.s32 v21, v38  }
0x1de: {  	[tilespmem:v58+s29+$0x0] =	vst.idx.msk $0xffff, v57;
	v35 =	vbroadcast v39, $0x0;
	v49 =	vadd.s32 v30, v41;
	v39 =	vld [tilespmem:s1+$0xFFFFFFE0]  }
0x1df: {  	[tilespmem:v60+s29+$0x0] =	vst.idx.msk $0xffff, v59;
	v59 =	vld [tilespmem:s1+$0xFFFFFE60];
	v60 =	vadd.s32 v6, v47  }
0x1e0: {  	v57 =	vld [tilespmem:s1+$0xFFFFFF90];
	[tilespmem:v62+s29+$0x0] =	vst.idx.msk $0xffff, v61;
	v58 =	vadd.s32 v25, v35  }
0x1e1: {  	v61 =	vld [tilespmem:s1+$0xFFFFFEA0];
	v62 =	vadd.s32 v10, v40;
	[tilespmem:v63+s29+$0x0] =	vst.idx.msk $0xffff, v33  }
0x1e2: {  	v33 =	vld [tilespmem:s1+$0xFFFFFEE0];
	v63 =	vadd.s32 v14, v42;
	[tilespmem:v56+s29+$0x0] =	vst.idx.msk $0xffff, v34  }
0x1e3: {  	v56 =	vadd.s32 v18, v44;
	[tilespmem:v49+s29+$0x0] =	vst.idx.msk $0xffff, v39;
	v49 =	vld [tilespmem:s1+$0xFFFFFF20]  }
0x1e4: {  	[tilespmem:v60+s29+$0x0] =	vst.idx.msk $0xffff, v59;
	v39 =	vadd.s32 v31, v41;
	v34 =	vld [tilespmem:s1+$0xFFFFFFF0]  }
0x1e5: {  	[tilespmem:v58+s29+$0x0] =	vst.idx.msk $0xffff, v57;
	v57 =	vld [tilespmem:s1+$0xFFFFFF60];
	v58 =	vadd.s32 v22, v38  }
0x1e6: {  	[tilespmem:v62+s29+$0x0] =	vst.idx.msk $0xffff, v61;
	v61 =	vld [tilespmem:s1+$0xFFFFFE20];
	v62 =	vadd.s32 v2, v45  }
0x1e7: {  	v60 =	vadd.s32 v26, v35;
	v59 =	vld [tilespmem:s1+$0xFFFFFFA0];
	[tilespmem:v63+s29+$0x0] =	vst.idx.msk $0xffff, v33  }
0x1e8: {  	v55 =	vadd.s32 v11, v40;
	v54 =	vadd.s32 v32, v41;
	v41 =	vld [tilespmem:s1+$0xFFFFFEB0];
	[tilespmem:v56+s29+$0x0] =	vst.idx.msk $0xffff, v49  }
0x1e9: {  	v53 =	vadd.s32 v7, v47;
	v63 =	vld [tilespmem:s1+$0xFFFFFE70];
	[tilespmem:v39+s29+$0x0] =	vst.idx.msk $0xffff, v34  }
0x1ea: {  	v56 =	vld [tilespmem:s1+$0xFFFFFEF0];
	[tilespmem:v58+s29+$0x0] =	vst.idx.msk $0xffff, v57;
	v57 =	vadd.s32 v15, v42  }
0x1eb: {  	[tilespmem:v62+s29+$0x0] =	vst.idx.msk $0xffff, v61;
	v34 =	vld [tilespmem:s1+$0x0]  }
0x1ec: {  	v58 =	vld [tilespmem:s1+$0xFFFFFF30];
	[tilespmem:v60+s29+$0x0] =	vst.idx.msk $0xffff, v59;
	v59 =	vadd.s32 v19, v44  }
0x1ed: {  	v61 =	vadd.s32 v23, v38;
	[tilespmem:v55+s29+$0x0] =	vst.idx.msk $0xffff, v41;
	v60 =	vld [tilespmem:s1+$0xFFFFFF70]  }
0x1ee: {  	[tilespmem:v53+s29+$0x0] =	vst.idx.msk $0xffff, v63;
	v63 =	vadd.s32 v27, v35;
	v62 =	vld [tilespmem:s1+$0xFFFFFFB0]  }
0x1ef: {  	v47 =	vadd.s32 v8, v47;
	v55 =	vld [tilespmem:s1+$0xFFFFFE80];
	[tilespmem:v57+s29+$0x0] =	vst.idx.msk $0xffff, v56  }
0x1f0: {  	v53 =	vld [tilespmem:s1+$0xFFFFFE30];
	[tilespmem:v54+s29+$0x0] =	vst.idx.msk $0xffff, v34;
	v54 =	vadd.s32 v3, v45  }
0x1f1: {  	v40 =	vadd.s32 v12, v40;
	v56 =	vld [tilespmem:s1+$0xFFFFFEC0];
	[tilespmem:v59+s29+$0x0] =	vst.idx.msk $0xffff, v58  }
0x1f2: {  	v42 =	vadd.s32 v16, v42;
	v57 =	vld [tilespmem:s1+$0xFFFFFF00];
	[tilespmem:v61+s29+$0x0] =	vst.idx.msk $0xffff, v60  }
0x1f3: {  	v59 =	vadd.s32 v20, v44;
	v58 =	vld [tilespmem:s1+$0xFFFFFF40];
	[tilespmem:v63+s29+$0x0] =	vst.idx.msk $0xffff, v62  }
0x1f4: {  	v38 =	vadd.s32 v24, v38;
	v60 =	vld [tilespmem:s1+$0xFFFFFF80];
	[tilespmem:v47+s29+$0x0] =	vst.idx.msk $0xffff, v55  }
0x1f5: {  	v35 =	vadd.s32 v28, v35;
	v61 =	vld [tilespmem:s1+$0xFFFFFFC0];
	[tilespmem:v54+s29+$0x0] =	vst.idx.msk $0xffff, v53  }
0x1f6: {  	v63 =	vadd.s32 v4, v45;
	[tilespmem:v40+s29+$0x0] =	vst.idx.msk $0xffff, v56;
	v62 =	vld [tilespmem:s1+$0xFFFFFE40]  }
0x1f7: {  	[tilespmem:v42+s29+$0x0] =	vst.idx.msk $0xffff, v57  }
0x1f8: {  	[tilespmem:v59+s29+$0x0] =	vst.idx.msk $0xffff, v58  }
0x1f9: {  	[tilespmem:v38+s29+$0x0] =	vst.idx.msk $0xffff, v60  }
0x1fa: {  	[tilespmem:v35+s29+$0x0] =	vst.idx.msk $0xffff, v61  }
0x1fb: {  	s10 =	sadd.s32 s19, s8;
	s1 =	simm.s32 $0x12800;
	[tilespmem:v63+s29+$0x0] =	vst.idx.msk $0xffff, v62  }
0x1fc: {  	[hbm4b:s10+s3] =	stream.linear.scatter [tilespmem:s1], [sflag:$0x7], $0x80, $0x38;
	[tilespmem:$0x16C00] =	vst v63  }
0x1fd: {  	s11 =	sadd.s32 $0x10, s10;
	s6 =	simm.s32 $0x12888  }
0x1fe: {  	[hbm4b:s11+s3] =	stream.linear.scatter [tilespmem:s6], [sflag:$0x7], $0x80, $0x38;
	[tilespmem:$0x16C00] =	vst v63  }
0x1ff: {  	s13 =	simm.s32 $0x12910;
	s15 =	sadd.s32 $0x20, s10  }
0x200: {  	[hbm4b:s15+s3] =	stream.linear.scatter [tilespmem:s13], [sflag:$0x7], $0x80, $0x38;
	[tilespmem:$0x16C00] =	vst v63  }
0x201: {  	s6 =	simm.s32 $0x12998;
	s11 =	sadd.s32 $0x30, s10  }
0x202: {  	[hbm4b:s11+s3] =	stream.linear.scatter [tilespmem:s6], [sflag:$0x7], $0x80, $0x38;
	[tilespmem:$0x16C00] =	vst v63  }
0x203: {  	s13 =	simm.s32 $0x12A20;
	s15 =	sadd.s32 $0x40, s10  }
0x204: {  	[hbm4b:s15+s3] =	stream.linear.scatter [tilespmem:s13], [sflag:$0x7], $0x80, $0x38;
	[tilespmem:$0x16C00] =	vst v63  }
0x205: {  	s1 =	simm.s32 $0x12BB8;
	s6 =	simm.s32 $0x12AA8;
	s11 =	sadd.s32 $0x50, s10  }
0x206: {  	[hbm4b:s11+s3] =	stream.linear.scatter [tilespmem:s6], [sflag:$0x7], $0x80, $0x38;
	[tilespmem:$0x16C00] =	vst v63  }
0x207: {  	s13 =	simm.s32 $0x12B30;
	s15 =	sadd.s32 $0x60, s10;
	s6 =	simm.s32 $0x440  }
0x208: {  	[hbm4b:s15+s3] =	stream.linear.scatter [tilespmem:s13], [sflag:$0x7], $0x80, $0x38;
	[tilespmem:$0x16C00] =	vst v63  }
0x209: {  	s11 =	sadd.s32 $0x70, s10;
	s10 =	sadd.s32 $0x1000, s10;
	s13 =	simm.s32 $0x2200  }
.LBB2_21:
0x20a: {  	[hbm4b:s11+s3] =	stream.linear.scatter [tilespmem:s1], [sflag:$0x7], $0x80, $0x38;
	[tilespmem:$0x16C00] =	vst v63  }
0x20b: {  	s1 =	smov.u32 s6;
	s6 =	smov.u32 s13  }
0x20c: {  	s15 =	sadd.s32 $0x1100, s13;
	s6 =	sshra.s32 s6, $0x2;
	s11 =	sadd.s32 $0x12800, s1  }
0x20d: {  	[hbm4b:s10+s3] =	stream.linear.scatter [tilespmem:s11], [sflag:$0x7], $0x80, $0x38;
	[tilespmem:$0x16C00] =	vst v63  }
0x20e: {  	p2 =	sne.s32 s13, $0x7700;
	s13 =	sadd.s32 $0x10, s10;
	s11 =	sadd.s32 $0x12888, s1  }
0x20f: {  	[hbm4b:s13+s3] =	stream.linear.scatter [tilespmem:s11], [sflag:$0x7], $0x80, $0x38;
	[tilespmem:$0x16C00] =	vst v63  }
0x210: {  	s11 =	sadd.s32 $0x12910, s1;
	s13 =	sadd.s32 $0x20, s10  }
0x211: {  	[hbm4b:s13+s3] =	stream.linear.scatter [tilespmem:s11], [sflag:$0x7], $0x80, $0x38;
	[tilespmem:$0x16C00] =	vst v63  }
0x212: {  	s11 =	sadd.s32 $0x12998, s1;
	s13 =	sadd.s32 $0x30, s10  }
0x213: {  	[hbm4b:s13+s3] =	stream.linear.scatter [tilespmem:s11], [sflag:$0x7], $0x80, $0x38;
	[tilespmem:$0x16C00] =	vst v63  }
0x214: {  	s11 =	sadd.s32 $0x12A20, s1;
	s13 =	sadd.s32 $0x40, s10  }
0x215: {  	[hbm4b:s13+s3] =	stream.linear.scatter [tilespmem:s11], [sflag:$0x7], $0x80, $0x38;
	[tilespmem:$0x16C00] =	vst v63  }
.Ltmp13:
0x216: {  	s11 =	sadd.s32 $0x12AA8, s1;
	s13 =	sadd.s32 $0x50, s10;
	(pc) =	sbr.rel @p2 .LBB2_21-.Ltmp13, $4  }
0x217: {  	[hbm4b:s13+s3] =	stream.linear.scatter [tilespmem:s11], [sflag:$0x7], $0x80, $0x38;
	[tilespmem:$0x16C00] =	vst v63  }
0x218: {  	s11 =	sadd.s32 $0x12B30, s1;
	s13 =	sadd.s32 $0x60, s10;
	s1 =	sadd.s32 $0x12BB8, s1  }
0x219: {  	[hbm4b:s13+s3] =	stream.linear.scatter [tilespmem:s11], [sflag:$0x7], $0x80, $0x38;
	[tilespmem:$0x16C00] =	vst v63  }
0x21a: {  	s11 =	sadd.s32 $0x70, s10;
	s10 =	sadd.s32 $0x1000, s10;
	s13 =	smov.u32 s15  }
0x21b: {  	[hbm4b:s11+s3] =	stream.linear.scatter [tilespmem:s1], [sflag:$0x7], $0x80, $0x38;
	[tilespmem:$0x16C00] =	vst v63  }
0x21c: {  	s11 =	sadd.s32 $0x12800, s6  }
0x21d: {  	[hbm4b:s10+s3] =	stream.linear.scatter [tilespmem:s11], [sflag:$0x7], $0x80, $0x38;
	[tilespmem:$0x16C00] =	vst v63  }
0x21e: {  	s13 =	sadd.s32 $0x12888, s6;
	s15 =	sadd.s32 $0x10, s10  }
0x21f: {  	[hbm4b:s15+s3] =	stream.linear.scatter [tilespmem:s13], [sflag:$0x7], $0x80, $0x38;
	[tilespmem:$0x16C00] =	vst v63  }
0x220: {  	s13 =	sadd.s32 $0x12910, s6;
	s15 =	sadd.s32 $0x20, s10  }
0x221: {  	[hbm4b:s15+s3] =	stream.linear.scatter [tilespmem:s13], [sflag:$0x7], $0x80, $0x38;
	[tilespmem:$0x16C00] =	vst v63  }
0x222: {  	s13 =	sadd.s32 $0x12998, s6;
	s15 =	sadd.s32 $0x30, s10  }
0x223: {  	[hbm4b:s15+s3] =	stream.linear.scatter [tilespmem:s13], [sflag:$0x7], $0x80, $0x38;
	[tilespmem:$0x16C00] =	vst v63  }
0x224: {  	s13 =	sadd.s32 $0x12A20, s6;
	s15 =	sadd.s32 $0x40, s10  }
0x225: {  	[hbm4b:s15+s3] =	stream.linear.scatter [tilespmem:s13], [sflag:$0x7], $0x80, $0x38;
	[tilespmem:$0x16C00] =	vst v63  }
0x226: {  	s13 =	sadd.s32 $0x12AA8, s6;
	s15 =	sadd.s32 $0x50, s10  }
0x227: {  	[hbm4b:s15+s3] =	stream.linear.scatter [tilespmem:s13], [sflag:$0x7], $0x80, $0x38;
	[tilespmem:$0x16C00] =	vst v63  }
.Ltmp14:
0x228: {  	_ = 	snop;
	(pc) =	sbr.rel @p1 .LBB2_24-.Ltmp14, $4  }
0x229: {  	s13 =	sadd.s32 $0x12B30, s6;
	s15 =	sadd.s32 $0x60, s10  }
0x22a: {  	[hbm4b:s15+s3] =	stream.linear.scatter [tilespmem:s13], [sflag:$0x7], $0x80, $0x38;
	[tilespmem:$0x16C00] =	vst v63  }
0x22b: {  	s13 =	sadd.s32 $0x12BB8, s6;
	s15 =	sadd.s32 $0x70, s10  }
0x22c: {  	[hbm4b:s15+s3] =	stream.linear.scatter [tilespmem:s13], [sflag:$0x7], $0x80, $0x38;
	[tilespmem:$0x16C00] =	vst v63  }
.Ltmp15:
0x22d: {  	(pc) =	sbr.rel .LBB2_25-.Ltmp15, $4  }
0x22e: {  	_ = 	snop  }
0x22f: {  	_ =	swait.ge [sflag:s30], $0x2000  }
0x230: {  	[sflag:s30] =	ssyncset.done $0x0  }
0x231: {  	[sflag:s30] =	ssyncadd.s32 $0xFFFFE000  }
.LBB2_24:
0x232: {  	s1 =	sadd.s32 $0x300, s17  }
.Ltmp16:
0x233: {  	s1 =	sand.u32 $0xFF00, s1;
	(pc) =	sbr.rel @p0 .LBB2_26-.Ltmp16, $4  }
0x234: {  	[tilespmem:s18], [sflag:$0x3] =	stream.indirect.gather [hbm4b:s5+s14], $0x40, s1, s14, $0xb8;
	[tilespmem:$0x16C00] =	vst v63  }
0x235: {  	_ =	swait.ge [sflag:s30], $0x2000  }
0x236: {  	[sflag:s30] =	ssyncset.done $0x0  }
0x237: {  	[sflag:s30] =	ssyncadd.s32 $0xFFFFE000  }
.LBB2_25:
0x238: {  	_ =	swait.ge [sflag:s31], $0x2000  }
0x239: {  	[sflag:s31] =	ssyncset.done $0x0  }
0x23a: {  	[sflag:s31] =	ssyncadd.s32 $0xFFFFE000  }
.LBB2_26:
0x23b: {  	s1 =	simm.s32 $0x0;
	s10 =	simm.s32 $0x1;
	s6 =	simm.s32 $0x2  }
0x23c: {  	s11 =	simm.s32 $0x3;
	s13 =	simm.s32 $0x4;
	s15 =	simm.s32 $0x5;
	v33 =	vmov s1;
	v34 =	vmov s10;
	v35 =	vmov s6  }
0x23d: {  	s10 =	simm.s32 $0x7;
	v36 =	vmov s11;
	v37 =	vmov s13;
	v39 =	vmov s15;
	s6 =	simm.s32 $0x6  }
0x23e: {  	v33 =	vshrl.u32 v33, $0x3;
	v38 =	vmov s10;
	v40 =	vmov s6  }
0x23f: {  	v34 =	vshrl.u32 v34, $0x3;
	v35 =	vshrl.u32 v35, $0x3;
	v36 =	vshrl.u32 v36, $0x3  }
0x240: {  	v37 =	vshrl.u32 v37, $0x3;
	v55 =	vshrl.u32 v39, $0x3;
	v33 =	vshll.u32 v33, v1  }
0x241: {  	v38 =	vshrl.u32 v38, $0x3;
	v34 =	vshll.u32 v34, v1;
	v33 =	vbroadcast v33, $0x0  }
0x242: {  	s6 =	simm.s32 $0xC5F0;
	v52 =	vshll.u32 v35, v1;
	v38 =	vshll.u32 v38, v1;
	v45 =	vbroadcast v34, $0x0  }
0x243: {  	v43 =	vld [tilespmem:s6+$0xFFFFFE10];
	v53 =	vshll.u32 v36, v1;
	v38 =	vbroadcast v38, $0x0;
	v44 =	vadd.s32 v0, v33  }
0x244: {  	v46 =	vld [tilespmem:s6+$0xFFFFFE50];
	v54 =	vshll.u32 v37, v1;
	v52 =	vbroadcast v52, $0x0;
	v47 =	vadd.s32 v5, v45  }
0x245: {  	v41 =	vld [tilespmem:s6+$0xFFFFFFD0];
	v36 =	vshll.u32 v55, v1;
	v35 =	vbroadcast v53, $0x0;
	v42 =	vadd.s32 v29, v38  }
0x246: {  	v48 =	vld [tilespmem:s6+$0xFFFFFE90];
	v40 =	vshrl.u32 v40, $0x3;
	v34 =	vbroadcast v54, $0x0;
	v49 =	vadd.s32 v9, v52  }
0x247: {  	v39 =	vld [tilespmem:s6+$0xFFFFFED0];
	v37 =	vbroadcast v36, $0x0;
	v56 =	vshll.u32 v40, v1;
	v50 =	vadd.s32 v13, v35  }
0x248: {  	v51 =	vld [tilespmem:s6+$0xFFFFFF10];
	v36 =	vbroadcast v56, $0x0;
	v53 =	vadd.s32 v17, v34;
	[tilespmem:v44+s0+$0x0] =	vst.idx.msk $0xffff, v43  }
0x249: {  	v59 =	vld [tilespmem:s6+$0xFFFFFF50];
	v60 =	vadd.s32 v21, v37;
	[tilespmem:v47+s0+$0x0] =	vst.idx.msk $0xffff, v46  }
0x24a: {  	v61 =	vld [tilespmem:s6+$0xFFFFFF90];
	v62 =	vadd.s32 v25, v36;
	[tilespmem:v42+s0+$0x0] =	vst.idx.msk $0xffff, v41  }
0x24b: {  	v58 =	vadd.s32 v30, v38;
	[tilespmem:v49+s0+$0x0] =	vst.idx.msk $0xffff, v48;
	v57 =	vld [tilespmem:s6+$0xFFFFFFE0]  }
0x24c: {  	v63 =	vadd.s32 v6, v45;
	[tilespmem:v50+s0+$0x0] =	vst.idx.msk $0xffff, v39;
	v47 =	vld [tilespmem:s6+$0xFFFFFE60]  }
0x24d: {  	v55 =	vadd.s32 v10, v52;
	[tilespmem:v53+s0+$0x0] =	vst.idx.msk $0xffff, v51;
	v54 =	vld [tilespmem:s6+$0xFFFFFEA0]  }
0x24e: {  	v56 =	vadd.s32 v14, v35;
	[tilespmem:v60+s0+$0x0] =	vst.idx.msk $0xffff, v59;
	v50 =	vld [tilespmem:s6+$0xFFFFFEE0]  }
0x24f: {  	v46 =	vadd.s32 v22, v37;
	[tilespmem:v62+s0+$0x0] =	vst.idx.msk $0xffff, v61;
	v44 =	vld [tilespmem:s6+$0xFFFFFF60]  }
0x250: {  	v59 =	vadd.s32 v18, v34;
	[tilespmem:v58+s0+$0x0] =	vst.idx.msk $0xffff, v57;
	v58 =	vld [tilespmem:s6+$0xFFFFFF20]  }
0x251: {  	[tilespmem:v63+s0+$0x0] =	vst.idx.msk $0xffff, v47;
	v57 =	vadd.s32 v31, v38;
	v40 =	vld [tilespmem:s6+$0xFFFFFFF0]  }
0x252: {  	v61 =	vld [tilespmem:s6+$0xFFFFFE20];
	v62 =	vadd.s32 v2, v33;
	[tilespmem:v55+s0+$0x0] =	vst.idx.msk $0xffff, v54  }
0x253: {  	v60 =	vadd.s32 v26, v36;
	v63 =	vld [tilespmem:s6+$0xFFFFFFA0];
	[tilespmem:v56+s0+$0x0] =	vst.idx.msk $0xffff, v50  }
0x254: {  	v51 =	vadd.s32 v7, v45;
	[tilespmem:v46+s0+$0x0] =	vst.idx.msk $0xffff, v44;
	v50 =	vld [tilespmem:s6+$0xFFFFFE70]  }
0x255: {  	v56 =	vadd.s32 v11, v52;
	v55 =	vld [tilespmem:s6+$0xFFFFFEB0];
	[tilespmem:v59+s0+$0x0] =	vst.idx.msk $0xffff, v58  }
0x256: {  	v58 =	vadd.s32 v15, v35;
	[tilespmem:v57+s0+$0x0] =	vst.idx.msk $0xffff, v40;
	v57 =	vld [tilespmem:s6+$0xFFFFFEF0]  }
0x257: {  	[tilespmem:v62+s0+$0x0] =	vst.idx.msk $0xffff, v61;
	v38 =	vadd.s32 v32, v38;
	v54 =	vld [tilespmem:s6+$0x0]  }
0x258: {  	s11 =	simm.s32 $0x9;
	[tilespmem:v60+s0+$0x0] =	vst.idx.msk $0xffff, v63;
	v60 =	vadd.s32 v19, v34;
	v59 =	vld [tilespmem:s6+$0xFFFFFF30]  }
0x259: {  	s15 =	simm.s32 $0xB;
	v53 =	vmov s11;
	v41 =	vadd.s32 v23, v37;
	[tilespmem:v51+s0+$0x0] =	vst.idx.msk $0xffff, v50;
	v40 =	vld [tilespmem:s6+$0xFFFFFF70]  }
0x25a: {  	s10 =	simm.s32 $0x8;
	v43 =	vadd.s32 v27, v36;
	s11 =	simm.s32 $0xC;
	v48 =	vadd.s32 v3, v33;
	v44 =	vmov s15;
	v42 =	vld [tilespmem:s6+$0xFFFFFFB0];
	[tilespmem:v56+s0+$0x0] =	vst.idx.msk $0xffff, v55  }
0x25b: {  	s13 =	simm.s32 $0xA;
	v47 =	vmov s11;
	v52 =	vadd.s32 v12, v52;
	v46 =	vld [tilespmem:s6+$0xFFFFFE30];
	v63 =	vmov s10;
	[tilespmem:v58+s0+$0x0] =	vst.idx.msk $0xffff, v57  }
0x25c: {  	s15 =	simm.s32 $0xE;
	v39 =	vshrl.u32 v63, $0x3;
	v51 =	vadd.s32 v8, v45;
	v49 =	vld [tilespmem:s6+$0xFFFFFE80];
	[tilespmem:v38+s0+$0x0] =	vst.idx.msk $0xffff, v54;
	v54 =	vmov s13;
	s13 =	simm.s32 $0xD  }
0x25d: {  	s10 =	simm.s32 $0x10;
	v45 =	vshll.u32 v39, v1;
	v39 =	vmov s15;
	v50 =	vld [tilespmem:s6+$0xFFFFFEC0];
	[tilespmem:v60+s0+$0x0] =	vst.idx.msk $0xffff, v59;
	v38 =	vmov s13;
	s13 =	simm.s32 $0xF  }
.LBB2_27:
0x25e: {  	p0 =	slt.u32 s10, $0x78;
	v53 =	vshrl.u32 v53, $0x3;
	v55 =	vmov s13;
	v56 =	vld [tilespmem:s6+$0xFFFFFF00];
	v35 =	vadd.s32 v16, v35;
	[tilespmem:v41+s0+$0x0] =	vst.idx.msk $0xffff, v40  }
0x25f: {  	v40 =	vshrl.u32 v54, $0x3;
	v34 =	vadd.s32 v20, v34;
	v41 =	vshrl.u32 v55, $0x3;
	v54 =	vld [tilespmem:s6+$0xFFFFFF40];
	[tilespmem:v43+s0+$0x0] =	vst.idx.msk $0xffff, v42  }
0x260: {  	v37 =	vadd.s32 v24, v37;
	v42 =	vshrl.u32 v44, $0x3;
	v41 =	vshll.u32 v41, v1;
	[tilespmem:v48+s0+$0x0] =	vst.idx.msk $0xffff, v46;
	v43 =	vld [tilespmem:s6+$0xFFFFFF80]  }
0x261: {  	v36 =	vadd.s32 v28, v36;
	v44 =	vshrl.u32 v47, $0x3;
	v41 =	vbroadcast v41, $0x0;
	[tilespmem:v51+s0+$0x0] =	vst.idx.msk $0xffff, v49;
	v46 =	vld [tilespmem:s6+$0xFFFFFFC0]  }
0x262: {  	v47 =	vshll.u32 v53, v1;
	v49 =	vadd.s32 v4, v33;
	v33 =	vbroadcast v45, $0x0;
	v48 =	vld [tilespmem:s6+$0xFFFFFE40];
	[tilespmem:v52+s0+$0x0] =	vst.idx.msk $0xffff, v50;
	s6 =	sadd.s32 $0x200, s6  }
0x263: {  	v40 =	vshll.u32 v40, v1;
	v45 =	vbroadcast v47, $0x0;
	v47 =	vld [tilespmem:s6+$0xFFFFFFD0];
	v50 =	vadd.s32 v29, v41;
	[tilespmem:v35+s0+$0x0] =	vst.idx.msk $0xffff, v56  }
0x264: {  	v55 =	vbroadcast v40, $0x0;
	v52 =	vadd.s32 v0, v33;
	v35 =	vshll.u32 v42, v1;
	v51 =	vld [tilespmem:s6+$0xFFFFFE10];
	[tilespmem:v34+s0+$0x0] =	vst.idx.msk $0xffff, v54  }
0x265: {  	v42 =	vadd.s32 v5, v45;
	v35 =	vbroadcast v35, $0x0;
	v34 =	vshll.u32 v44, v1;
	v40 =	vld [tilespmem:s6+$0xFFFFFE50];
	[tilespmem:v37+s0+$0x0] =	vst.idx.msk $0xffff, v43  }
0x266: {  	v44 =	vadd.s32 v9, v55;
	v34 =	vbroadcast v34, $0x0;
	v37 =	vshrl.u32 v38, $0x3;
	v43 =	vld [tilespmem:s6+$0xFFFFFE90];
	[tilespmem:v36+s0+$0x0] =	vst.idx.msk $0xffff, v46  }
0x267: {  	v39 =	vshrl.u32 v39, $0x3;
	v46 =	vadd.s32 v13, v35;
	v36 =	vshll.u32 v37, v1;
	v38 =	vld [tilespmem:s6+$0xFFFFFED0];
	[tilespmem:v49+s0+$0x0] =	vst.idx.msk $0xffff, v48  }
0x268: {  	v49 =	vadd.s32 v17, v34;
	v37 =	vbroadcast v36, $0x0;
	v36 =	vshll.u32 v39, v1;
	v48 =	vld [tilespmem:s6+$0xFFFFFF10];
	[tilespmem:v50+s0+$0x0] =	vst.idx.msk $0xffff, v47  }
0x269: {  	v36 =	vbroadcast v36, $0x0;
	v47 =	vadd.s32 v30, v41;
	[tilespmem:v52+s0+$0x0] =	vst.idx.msk $0xffff, v51;
	v39 =	vld [tilespmem:s6+$0xFFFFFFE0]  }
0x26a: {  	[tilespmem:v42+s0+$0x0] =	vst.idx.msk $0xffff, v40;
	v40 =	vld [tilespmem:s6+$0xFFFFFF50];
	v42 =	vadd.s32 v21, v37  }
0x26b: {  	[tilespmem:v44+s0+$0x0] =	vst.idx.msk $0xffff, v43;
	v43 =	vld [tilespmem:s6+$0xFFFFFF90];
	v44 =	vadd.s32 v25, v36  }
0x26c: {  	v51 =	vadd.s32 v6, v45;
	v50 =	vld [tilespmem:s6+$0xFFFFFE60];
	[tilespmem:v46+s0+$0x0] =	vst.idx.msk $0xffff, v38  }
0x26d: {  	v46 =	vadd.s32 v10, v55;
	v38 =	vld [tilespmem:s6+$0xFFFFFEA0];
	[tilespmem:v49+s0+$0x0] =	vst.idx.msk $0xffff, v48  }
0x26e: {  	v49 =	vadd.s32 v14, v35;
	v48 =	vld [tilespmem:s6+$0xFFFFFEE0];
	[tilespmem:v47+s0+$0x0] =	vst.idx.msk $0xffff, v39  }
0x26f: {  	[tilespmem:v42+s0+$0x0] =	vst.idx.msk $0xffff, v40;
	v39 =	vld [tilespmem:s6+$0xFFFFFFF0];
	v40 =	vadd.s32 v31, v41  }
0x270: {  	v47 =	vadd.s32 v18, v34;
	v42 =	vld [tilespmem:s6+$0xFFFFFF20];
	[tilespmem:v44+s0+$0x0] =	vst.idx.msk $0xffff, v43  }
0x271: {  	v44 =	vadd.s32 v22, v37;
	[tilespmem:v51+s0+$0x0] =	vst.idx.msk $0xffff, v50;
	v43 =	vld [tilespmem:s6+$0xFFFFFF60]  }
0x272: {  	[tilespmem:v46+s0+$0x0] =	vst.idx.msk $0xffff, v38;
	v38 =	vld [tilespmem:s6+$0xFFFFFFA0];
	v46 =	vadd.s32 v26, v36  }
0x273: {  	v51 =	vadd.s32 v2, v33;
	v50 =	vld [tilespmem:s6+$0xFFFFFE20];
	[tilespmem:v49+s0+$0x0] =	vst.idx.msk $0xffff, v48  }
0x274: {  	v49 =	vadd.s32 v7, v45;
	v48 =	vld [tilespmem:s6+$0xFFFFFE70];
	[tilespmem:v40+s0+$0x0] =	vst.idx.msk $0xffff, v39  }
0x275: {  	[tilespmem:v47+s0+$0x0] =	vst.idx.msk $0xffff, v42;
	v39 =	vld [tilespmem:s6+$0x0];
	v47 =	vadd.s32 v32, v41  }
0x276: {  	v56 =	vadd.s32 v11, v55;
	v52 =	vld [tilespmem:s6+$0xFFFFFEB0];
	[tilespmem:v44+s0+$0x0] =	vst.idx.msk $0xffff, v43  }
0x277: {  	v58 =	vadd.s32 v15, v35;
	v57 =	vld [tilespmem:s6+$0xFFFFFEF0];
	[tilespmem:v46+s0+$0x0] =	vst.idx.msk $0xffff, v38  }
0x278: {  	v60 =	vadd.s32 v19, v34;
	[tilespmem:v51+s0+$0x0] =	vst.idx.msk $0xffff, v50;
	v59 =	vld [tilespmem:s6+$0xFFFFFF30]  }
.Ltmp17:
0x279: {  	s1 =	sadd.s32 $0x1, s10;
	v41 =	vadd.s32 v23, v37;
	v38 =	vmov s10;
	[tilespmem:v49+s0+$0x0] =	vst.idx.msk $0xffff, v48;
	v40 =	vld [tilespmem:s6+$0xFFFFFF70];
	(pc) =	sbr.rel @p0 .LBB2_27-.Ltmp17, $4  }
0x27a: {  	s11 =	sadd.s32 $0x3, s10;
	v53 =	vmov s1;
	s1 =	sadd.s32 $0x2, s10;
	v43 =	vadd.s32 v27, v36;
	v50 =	vshrl.u32 v38, $0x3;
	v42 =	vld [tilespmem:s6+$0xFFFFFFB0];
	[tilespmem:v47+s0+$0x0] =	vst.idx.msk $0xffff, v39  }
0x27b: {  	v54 =	vmov s1;
	s1 =	sadd.s32 $0x4, s10;
	v44 =	vmov s11;
	s11 =	sadd.s32 $0x5, s10;
	v48 =	vadd.s32 v3, v33;
	v46 =	vld [tilespmem:s6+$0xFFFFFE30];
	[tilespmem:v56+s0+$0x0] =	vst.idx.msk $0xffff, v52  }
0x27c: {  	v38 =	vmov s11;
	v51 =	vadd.s32 v8, v45;
	v47 =	vmov s1;
	s1 =	sadd.s32 $0x6, s10;
	v49 =	vld [tilespmem:s6+$0xFFFFFE80];
	[tilespmem:v58+s0+$0x0] =	vst.idx.msk $0xffff, v57  }
0x27d: {  	s13 =	sadd.s32 $0x7, s10;
	v45 =	vshll.u32 v50, v1;
	s10 =	sadd.s32 $0x8, s10;
	v39 =	vmov s1;
	v52 =	vadd.s32 v12, v55;
	v50 =	vld [tilespmem:s6+$0xFFFFFEC0];
	[tilespmem:v60+s0+$0x0] =	vst.idx.msk $0xffff, v59  }
0x27e: {  	_ =	sdelay $0x2  }
0x27f: {  	v53 =	vshrl.u32 v53, $0x3  }
0x280: {  	v55 =	vmov s13;
	v56 =	vld [tilespmem:s6+$0xFFFFFF00];
	v35 =	vadd.s32 v16, v35;
	[tilespmem:v41+s0+$0x0] =	vst.idx.msk $0xffff, v40;
	v57 =	vshrl.u32 v54, $0x3  }
0x281: {  	v59 =	vld [tilespmem:s6+$0xFFFFFF40];
	v34 =	vadd.s32 v20, v34;
	v60 =	vshrl.u32 v44, $0x3;
	v58 =	vshrl.u32 v55, $0x3;
	[tilespmem:v43+s0+$0x0] =	vst.idx.msk $0xffff, v42  }
0x282: {  	v37 =	vadd.s32 v24, v37;
	v62 =	vshrl.u32 v47, $0x3;
	v61 =	vld [tilespmem:s6+$0xFFFFFF80];
	v41 =	vshll.u32 v58, v1;
	[tilespmem:v48+s0+$0x0] =	vst.idx.msk $0xffff, v46  }
0x283: {  	v36 =	vadd.s32 v28, v36;
	v45 =	vbroadcast v45, $0x0;
	v63 =	vld [tilespmem:s6+$0xFFFFFFC0];
	v41 =	vbroadcast v41, $0x0;
	[tilespmem:v51+s0+$0x0] =	vst.idx.msk $0xffff, v49  }
0x284: {  	v33 =	vadd.s32 v4, v33;
	s10 =	sadd.s32 $0x200, s6;
	v38 =	vshrl.u32 v38, $0x3;
	v55 =	vshll.u32 v53, v1;
	v48 =	vld [tilespmem:s6+$0xFFFFFE40];
	[tilespmem:v52+s0+$0x0] =	vst.idx.msk $0xffff, v50  }
0x285: {  	v40 =	vshll.u32 v57, v1;
	v47 =	vbroadcast v55, $0x0;
	v49 =	vld [tilespmem:s10+$0xFFFFFFD0];
	v50 =	vadd.s32 v29, v41;
	[tilespmem:v35+s0+$0x0] =	vst.idx.msk $0xffff, v56  }
0x286: {  	v42 =	vshll.u32 v60, v1;
	v40 =	vbroadcast v40, $0x0;
	v35 =	vld [tilespmem:s10+$0xFFFFFE10];
	v56 =	vadd.s32 v0, v45;
	[tilespmem:v34+s0+$0x0] =	vst.idx.msk $0xffff, v59  }
0x287: {  	v57 =	vld [tilespmem:s10+$0xFFFFFE50];
	v44 =	vshll.u32 v62, v1;
	v42 =	vbroadcast v42, $0x0;
	v58 =	vadd.s32 v5, v47;
	[tilespmem:v37+s0+$0x0] =	vst.idx.msk $0xffff, v61  }
0x288: {  	v38 =	vshll.u32 v38, v1;
	v44 =	vbroadcast v44, $0x0;
	v60 =	vadd.s32 v9, v40;
	v59 =	vld [tilespmem:s10+$0xFFFFFE90];
	[tilespmem:v36+s0+$0x0] =	vst.idx.msk $0xffff, v63  }
0x289: {  	v38 =	vbroadcast v38, $0x0;
	v62 =	vadd.s32 v13, v42;
	v61 =	vld [tilespmem:s10+$0xFFFFFED0];
	[tilespmem:v33+s0+$0x0] =	vst.idx.msk $0xffff, v48  }
0x28a: {  	v39 =	vshrl.u32 v39, $0x3;
	v63 =	vadd.s32 v17, v44;
	v33 =	vld [tilespmem:s10+$0xFFFFFF10];
	[tilespmem:v50+s0+$0x0] =	vst.idx.msk $0xffff, v49  }
0x28b: {  	v39 =	vshll.u32 v39, v1;
	v34 =	vld [tilespmem:s10+$0xFFFFFF50];
	[tilespmem:v56+s0+$0x0] =	vst.idx.msk $0xffff, v35;
	v56 =	vadd.s32 v21, v38  }
0x28c: {  	[tilespmem:v58+s0+$0x0] =	vst.idx.msk $0xffff, v57;
	v35 =	vbroadcast v39, $0x0;
	v49 =	vadd.s32 v30, v41;
	v39 =	vld [tilespmem:s10+$0xFFFFFFE0]  }
0x28d: {  	[tilespmem:v60+s0+$0x0] =	vst.idx.msk $0xffff, v59;
	v59 =	vld [tilespmem:s10+$0xFFFFFE60];
	v60 =	vadd.s32 v6, v47  }
0x28e: {  	v57 =	vld [tilespmem:s10+$0xFFFFFF90];
	[tilespmem:v62+s0+$0x0] =	vst.idx.msk $0xffff, v61;
	v58 =	vadd.s32 v25, v35  }
0x28f: {  	v61 =	vld [tilespmem:s10+$0xFFFFFEA0];
	v62 =	vadd.s32 v10, v40;
	[tilespmem:v63+s0+$0x0] =	vst.idx.msk $0xffff, v33  }
0x290: {  	v33 =	vld [tilespmem:s10+$0xFFFFFEE0];
	v63 =	vadd.s32 v14, v42;
	[tilespmem:v56+s0+$0x0] =	vst.idx.msk $0xffff, v34  }
0x291: {  	v56 =	vadd.s32 v18, v44;
	[tilespmem:v49+s0+$0x0] =	vst.idx.msk $0xffff, v39;
	v49 =	vld [tilespmem:s10+$0xFFFFFF20]  }
0x292: {  	[tilespmem:v60+s0+$0x0] =	vst.idx.msk $0xffff, v59;
	v39 =	vadd.s32 v31, v41;
	v34 =	vld [tilespmem:s10+$0xFFFFFFF0]  }
0x293: {  	[tilespmem:v58+s0+$0x0] =	vst.idx.msk $0xffff, v57;
	v57 =	vld [tilespmem:s10+$0xFFFFFF60];
	v58 =	vadd.s32 v22, v38  }
0x294: {  	[tilespmem:v62+s0+$0x0] =	vst.idx.msk $0xffff, v61;
	v61 =	vld [tilespmem:s10+$0xFFFFFE20];
	v62 =	vadd.s32 v2, v45  }
0x295: {  	v60 =	vadd.s32 v26, v35;
	v59 =	vld [tilespmem:s10+$0xFFFFFFA0];
	[tilespmem:v63+s0+$0x0] =	vst.idx.msk $0xffff, v33  }
0x296: {  	v55 =	vadd.s32 v11, v40;
	v54 =	vadd.s32 v32, v41;
	v41 =	vld [tilespmem:s10+$0xFFFFFEB0];
	[tilespmem:v56+s0+$0x0] =	vst.idx.msk $0xffff, v49  }
0x297: {  	v53 =	vadd.s32 v7, v47;
	v63 =	vld [tilespmem:s10+$0xFFFFFE70];
	[tilespmem:v39+s0+$0x0] =	vst.idx.msk $0xffff, v34  }
0x298: {  	v56 =	vld [tilespmem:s10+$0xFFFFFEF0];
	[tilespmem:v58+s0+$0x0] =	vst.idx.msk $0xffff, v57;
	v57 =	vadd.s32 v15, v42  }
0x299: {  	[tilespmem:v62+s0+$0x0] =	vst.idx.msk $0xffff, v61;
	v34 =	vld [tilespmem:s10+$0x0]  }
0x29a: {  	v58 =	vld [tilespmem:s10+$0xFFFFFF30];
	[tilespmem:v60+s0+$0x0] =	vst.idx.msk $0xffff, v59;
	v59 =	vadd.s32 v19, v44  }
0x29b: {  	v61 =	vadd.s32 v23, v38;
	[tilespmem:v55+s0+$0x0] =	vst.idx.msk $0xffff, v41;
	v60 =	vld [tilespmem:s10+$0xFFFFFF70]  }
0x29c: {  	[tilespmem:v53+s0+$0x0] =	vst.idx.msk $0xffff, v63;
	v63 =	vadd.s32 v27, v35;
	v62 =	vld [tilespmem:s10+$0xFFFFFFB0]  }
0x29d: {  	v47 =	vadd.s32 v8, v47;
	v55 =	vld [tilespmem:s10+$0xFFFFFE80];
	[tilespmem:v57+s0+$0x0] =	vst.idx.msk $0xffff, v56  }
0x29e: {  	v53 =	vld [tilespmem:s10+$0xFFFFFE30];
	[tilespmem:v54+s0+$0x0] =	vst.idx.msk $0xffff, v34;
	v54 =	vadd.s32 v3, v45  }
0x29f: {  	v40 =	vadd.s32 v12, v40;
	v56 =	vld [tilespmem:s10+$0xFFFFFEC0];
	[tilespmem:v59+s0+$0x0] =	vst.idx.msk $0xffff, v58  }
0x2a0: {  	v42 =	vadd.s32 v16, v42;
	v57 =	vld [tilespmem:s10+$0xFFFFFF00];
	[tilespmem:v61+s0+$0x0] =	vst.idx.msk $0xffff, v60  }
0x2a1: {  	v59 =	vadd.s32 v20, v44;
	v58 =	vld [tilespmem:s10+$0xFFFFFF40];
	[tilespmem:v63+s0+$0x0] =	vst.idx.msk $0xffff, v62  }
0x2a2: {  	v38 =	vadd.s32 v24, v38;
	v60 =	vld [tilespmem:s10+$0xFFFFFF80];
	[tilespmem:v47+s0+$0x0] =	vst.idx.msk $0xffff, v55  }
0x2a3: {  	v35 =	vadd.s32 v28, v35;
	v61 =	vld [tilespmem:s10+$0xFFFFFFC0];
	[tilespmem:v54+s0+$0x0] =	vst.idx.msk $0xffff, v53  }
0x2a4: {  	v63 =	vadd.s32 v4, v45;
	[tilespmem:v40+s0+$0x0] =	vst.idx.msk $0xffff, v56;
	v62 =	vld [tilespmem:s10+$0xFFFFFE40]  }
0x2a5: {  	[tilespmem:v42+s0+$0x0] =	vst.idx.msk $0xffff, v57  }
0x2a6: {  	[tilespmem:v59+s0+$0x0] =	vst.idx.msk $0xffff, v58  }
0x2a7: {  	[tilespmem:v38+s0+$0x0] =	vst.idx.msk $0xffff, v60  }
0x2a8: {  	[tilespmem:v35+s0+$0x0] =	vst.idx.msk $0xffff, v61  }
0x2a9: {  	s1 =	simm.s32 $0x14A00;
	s10 =	sadd.s32 s19, s9;
	[tilespmem:v63+s0+$0x0] =	vst.idx.msk $0xffff, v62  }
0x2aa: {  	[hbm4b:s10+s3] =	stream.linear.scatter [tilespmem:s1], [sflag:$0x8], $0x80, $0x38;
	[tilespmem:$0x16C00] =	vst v63  }
0x2ab: {  	s11 =	simm.s32 $0x14A88;
	s13 =	sadd.s32 $0x10, s10  }
0x2ac: {  	[hbm4b:s13+s3] =	stream.linear.scatter [tilespmem:s11], [sflag:$0x8], $0x80, $0x38;
	[tilespmem:$0x16C00] =	vst v63  }
0x2ad: {  	s15 =	simm.s32 $0x14B10;
	s6 =	simm.s32 $0x440;
	s19 =	sadd.s32 $0x20, s10  }
0x2ae: {  	[hbm4b:s19+s3] =	stream.linear.scatter [tilespmem:s15], [sflag:$0x8], $0x80, $0x38;
	[tilespmem:$0x16C00] =	vst v63  }
0x2af: {  	s1 =	simm.s32 $0x14DB8;
	s11 =	simm.s32 $0x14B98;
	s13 =	sadd.s32 $0x30, s10  }
0x2b0: {  	[hbm4b:s13+s3] =	stream.linear.scatter [tilespmem:s11], [sflag:$0x8], $0x80, $0x38;
	[tilespmem:$0x16C00] =	vst v63  }
0x2b1: {  	s15 =	simm.s32 $0x14C20;
	s19 =	sadd.s32 $0x40, s10;
	s11 =	simm.s32 $0x14CA8  }
0x2b2: {  	[hbm4b:s19+s3] =	stream.linear.scatter [tilespmem:s15], [sflag:$0x8], $0x80, $0x38;
	[tilespmem:$0x16C00] =	vst v63  }
0x2b3: {  	s13 =	sadd.s32 $0x50, s10;
	s15 =	simm.s32 $0x14D30;
	s19 =	sadd.s32 $0x60, s10  }
0x2b4: {  	[hbm4b:s13+s3] =	stream.linear.scatter [tilespmem:s11], [sflag:$0x8], $0x80, $0x38;
	[tilespmem:$0x16C00] =	vst v63  }
0x2b5: {  	s13 =	simm.s32 $0x2200;
	s11 =	sadd.s32 $0x70, s10;
	s10 =	sadd.s32 $0x1000, s10  }
0x2b6: {  	[hbm4b:s19+s3] =	stream.linear.scatter [tilespmem:s15], [sflag:$0x8], $0x80, $0x38;
	[tilespmem:$0x16C00] =	vst v63  }
.LBB2_29:
0x2b7: {  	[hbm4b:s11+s3] =	stream.linear.scatter [tilespmem:s1], [sflag:$0x8], $0x80, $0x38;
	[tilespmem:$0x16C00] =	vst v63  }
0x2b8: {  	s1 =	smov.u32 s6;
	s6 =	smov.u32 s13  }
0x2b9: {  	s15 =	sadd.s32 $0x1100, s13;
	s6 =	sshra.s32 s6, $0x2;
	s11 =	sadd.s32 $0x14A00, s1  }
0x2ba: {  	[hbm4b:s10+s3] =	stream.linear.scatter [tilespmem:s11], [sflag:$0x8], $0x80, $0x38;
	[tilespmem:$0x16C00] =	vst v63  }
0x2bb: {  	p0 =	sne.s32 s13, $0x7700;
	s13 =	sadd.s32 $0x10, s10;
	s11 =	sadd.s32 $0x14A88, s1  }
0x2bc: {  	[hbm4b:s13+s3] =	stream.linear.scatter [tilespmem:s11], [sflag:$0x8], $0x80, $0x38;
	[tilespmem:$0x16C00] =	vst v63  }
0x2bd: {  	s11 =	sadd.s32 $0x14B10, s1;
	s13 =	sadd.s32 $0x20, s10  }
0x2be: {  	[hbm4b:s13+s3] =	stream.linear.scatter [tilespmem:s11], [sflag:$0x8], $0x80, $0x38;
	[tilespmem:$0x16C00] =	vst v63  }
0x2bf: {  	s11 =	sadd.s32 $0x14B98, s1;
	s13 =	sadd.s32 $0x30, s10  }
0x2c0: {  	[hbm4b:s13+s3] =	stream.linear.scatter [tilespmem:s11], [sflag:$0x8], $0x80, $0x38;
	[tilespmem:$0x16C00] =	vst v63  }
0x2c1: {  	s11 =	sadd.s32 $0x14C20, s1;
	s13 =	sadd.s32 $0x40, s10  }
0x2c2: {  	[hbm4b:s13+s3] =	stream.linear.scatter [tilespmem:s11], [sflag:$0x8], $0x80, $0x38;
	[tilespmem:$0x16C00] =	vst v63  }
.Ltmp18:
0x2c3: {  	s11 =	sadd.s32 $0x14CA8, s1;
	s13 =	sadd.s32 $0x50, s10;
	(pc) =	sbr.rel @p0 .LBB2_29-.Ltmp18, $4  }
0x2c4: {  	[hbm4b:s13+s3] =	stream.linear.scatter [tilespmem:s11], [sflag:$0x8], $0x80, $0x38;
	[tilespmem:$0x16C00] =	vst v63  }
0x2c5: {  	s11 =	sadd.s32 $0x14D30, s1;
	s13 =	sadd.s32 $0x60, s10;
	s1 =	sadd.s32 $0x14DB8, s1  }
0x2c6: {  	[hbm4b:s13+s3] =	stream.linear.scatter [tilespmem:s11], [sflag:$0x8], $0x80, $0x38;
	[tilespmem:$0x16C00] =	vst v63  }
0x2c7: {  	s11 =	sadd.s32 $0x70, s10;
	s10 =	sadd.s32 $0x1000, s10;
	s13 =	smov.u32 s15  }
0x2c8: {  	[hbm4b:s11+s3] =	stream.linear.scatter [tilespmem:s1], [sflag:$0x8], $0x80, $0x38;
	[tilespmem:$0x16C00] =	vst v63  }
0x2c9: {  	s13 =	sadd.s32 $0x14A00, s6  }
0x2ca: {  	[hbm4b:s10+s3] =	stream.linear.scatter [tilespmem:s13], [sflag:$0x8], $0x80, $0x38;
	[tilespmem:$0x16C00] =	vst v63  }
0x2cb: {  	s15 =	sadd.s32 $0x14A88, s6;
	s19 =	sadd.s32 $0x10, s10  }
0x2cc: {  	[hbm4b:s19+s3] =	stream.linear.scatter [tilespmem:s15], [sflag:$0x8], $0x80, $0x38;
	[tilespmem:$0x16C00] =	vst v63  }
0x2cd: {  	s11 =	sadd.s32 $0x14B10, s6;
	s13 =	sadd.s32 $0x20, s10  }
0x2ce: {  	[hbm4b:s13+s3] =	stream.linear.scatter [tilespmem:s11], [sflag:$0x8], $0x80, $0x38;
	[tilespmem:$0x16C00] =	vst v63  }
0x2cf: {  	s15 =	sadd.s32 $0x14B98, s6;
	s19 =	sadd.s32 $0x30, s10  }
0x2d0: {  	[hbm4b:s19+s3] =	stream.linear.scatter [tilespmem:s15], [sflag:$0x8], $0x80, $0x38;
	[tilespmem:$0x16C00] =	vst v63  }
0x2d1: {  	s11 =	sadd.s32 $0x14C20, s6;
	s13 =	sadd.s32 $0x40, s10  }
0x2d2: {  	[hbm4b:s13+s3] =	stream.linear.scatter [tilespmem:s11], [sflag:$0x8], $0x80, $0x38;
	[tilespmem:$0x16C00] =	vst v63  }
0x2d3: {  	p0 =	seq.s32 s12, $0x31;
	s15 =	sadd.s32 $0x14CA8, s6;
	s19 =	sadd.s32 $0x50, s10  }
0x2d4: {  	[hbm4b:s19+s3] =	stream.linear.scatter [tilespmem:s15], [sflag:$0x8], $0x80, $0x38;
	[tilespmem:$0x16C00] =	vst v63  }
.Ltmp19:
0x2d5: {  	_ = 	snop;
	(pc) =	sbr.rel @p0 .LBB2_32-.Ltmp19, $4  }
0x2d6: {  	s11 =	sadd.s32 $0x14D30, s6;
	s13 =	sadd.s32 $0x60, s10  }
0x2d7: {  	[hbm4b:s13+s3] =	stream.linear.scatter [tilespmem:s11], [sflag:$0x8], $0x80, $0x38;
	[tilespmem:$0x16C00] =	vst v63  }
0x2d8: {  	s15 =	sadd.s32 $0x14DB8, s6;
	s19 =	sadd.s32 $0x70, s10  }
0x2d9: {  	[hbm4b:s19+s3] =	stream.linear.scatter [tilespmem:s15], [sflag:$0x8], $0x80, $0x38;
	[tilespmem:$0x16C00] =	vst v63  }
.Ltmp20:
0x2da: {  	(pc) =	sbr.rel .LBB2_2-.Ltmp20, $4  }
0x2db: {  	_ = 	snop  }
0x2dc: {  	s1 =	sadd.s32 $0x380, s17  }
0x2dd: {  	s12 =	sadd.s32 $0x1, s12;
	s1 =	sand.u32 $0xFF80, s1  }
0x2de: {  	[tilespmem:s20], [sflag:$0x4] =	stream.indirect.gather [hbm4b:s5+s14], $0x40, s1, s14, $0xb8;
	[tilespmem:$0x16C00] =	vst v63  }
.LBB2_33:
0x2df: {  	_ =	sfence.sel $0x180000  }
0x2e0: {  	[bflag:$0x0] =	sbarrier.arrive $0xFFFF  }
0x2e1: {  	_ =	strace $0x90000047  }
0x2e2: {  	s0 =	stileid.u32;
	[bflag:$0x2] =	sbarrier.arrive $0xFFFF  }
0x2e3: {  	p0 =	sne.s32 s0, $0x0;
	s0 =	rddreg [dreg:$0x3]  }
0x2e4: {  	s0 =	sadd.s32 @!p0 $0x100000, s0  }
0x2e5: {  	[sflag:s0] =	ssyncadd.tile.s32 @!p0 $0x1;
	_ =	shalt  }
.Lfunc_end2:
_tile_overlayer_lowered:
.L_overlay_start_2:
0x2e6: {  	(tag) =	ssettag $0x2  }
0x2e7: {  	s0 =	rddreg [dreg:$0x0];
	s2 =	stileid.u32  }
0x2e8: {  	s1 =	rddreg [dreg:$0x1];
	p0 =	sne.s32 s2, $0x0  }
0x2e9: {  	s3 =	rddreg [dreg:$0x2];
	[bflag:$0x3] =	sbarrier.arrive $0xFFFF;
	s2 =	simm.s32 @!p0 $0x1C09  }
0x2ea: {  	[timem:s3], [sflag:s2] =	dma.local @!p0 [hbm:s0], s1  }
0x2eb: {  	s0 =	simm.s32 @!p0 $0x9  }
0x2ec: {  	_ =	swait.ge @!p0 [sflag:s0], s1  }
0x2ed: {  	s1 =	ssub.s32 @!p0 $0x0, s1;
	[sflag:s0] =	ssyncset.done @!p0 $0x0  }
0x2ee: {  	[sflag:s0] =	ssyncadd.s32 @!p0 s1  }
0x2ef: {  	[bflag:$0x3] =	sbarrier.arrive $0xFFFF  }
0x2f0: {  	_ =	shalt  }

</sc_bundles>
